<compile_context>
chip_gen: v7x
topology: tpu7x:2x2x1
jax: 0.10.2.dev20260603
libtpu: 0.0.44.dev20260713+nightly
codegen_flags: <defaults>
</compile_context>

<pallas_src>
import functools

import jax
import jax.numpy as jnp
from jax import lax
from jax.experimental import pallas as pl
from jax.experimental.pallas import tpu as pltpu
from jax.experimental.pallas import tpu_sc as plsc

_B = 16384
_NC, _NS = 2, 16
_NW = _NC * _NS
_CHUNK = _B // _NW
_S = 64
_NBLK = _CHUNK // _S

_L_OV, _L_CAST, _L_GENRE, _L_PC, _L_PCN = 20, 10, 5, 5, 3


def _pad_table(w, lpad, width, scale=None):
  v, c = w.shape
  if scale is not None:
    w = w * jnp.float32(scale)
  parts = []
  if lpad:
    parts.append(jnp.zeros((v, lpad), w.dtype))
  parts.append(w)
  rpad = width - lpad - c
  if rpad:
    parts.append(jnp.zeros((v, rpad), w.dtype))
  return jnp.concatenate(parts, axis=1) if len(parts) > 1 else w


def _chunked_gather(src_h, idx_v, dst_v, n, sem, dmas):
  off = 0
  while off < n:
    c = min(128, n - off)
    dmas.append(
        pltpu.async_copy(src_h.at[idx_v.at[pl.ds(off, c)]],
                         dst_v.at[pl.ds(off, c)], sem))
    off += c


def _expand_tokens(m_v, dst_v, L):
  lane = lax.iota(jnp.int32, 16)
  nv = -(-L // 16)

  def body(i, _):
    mL = m_v[pl.ds(i, 16)][0] * L
    for v in range(nv):
      dst_v[pl.ds(i * L + v * 16, 16)] = lane + (mL + v * 16)
    return 0

  lax.fori_loop(0, _S, body, 0)


def _sc_call(user_ids, movie_ids, title_idx, overview_idx_f, director_idx,
             cast_idx_f, genre_idx_f, prod_comp_idx_f, prod_count_idx_f,
             numeric_p, user_W, title_Wp, overview_Wp, director_Wp, cast_Wp,
             genre_Wp, prod_comp_Wp, prod_count_Wp):
  mesh = plsc.VectorSubcoreMesh(core_axis_name="c", subcore_axis_name="s",
                                num_cores=_NC, num_subcores=_NS)

  @functools.partial(
      pl.kernel,
      out_type=jax.ShapeDtypeStruct((_B,), jnp.float32),
      mesh=mesh,
      compiler_params=pltpu.CompilerParams(needs_layout_passes=False,
                                           use_tc_tiling_on_sc=False),
      scratch_types=[
          pltpu.VMEM((_S + 16,), jnp.int32),
          pltpu.VMEM((_S,), jnp.int32),
          pltpu.VMEM((_S,), jnp.int32),
          pltpu.VMEM((_S + 16,), jnp.int32),
          pltpu.VMEM((_S,), jnp.int32),
          pltpu.VMEM((_S,), jnp.int32),
          pltpu.VMEM((_S * _L_OV + 16,), jnp.int32),
          pltpu.VMEM((_S * _L_CAST + 16,), jnp.int32),
          pltpu.VMEM((_S * _L_GENRE + 16,), jnp.int32),
          pltpu.VMEM((_S * _L_PC + 16,), jnp.int32),
          pltpu.VMEM((_S * _L_PCN + 16,), jnp.int32),
          pltpu.VMEM((_S * _L_OV,), jnp.int32),
          pltpu.VMEM((_S * _L_CAST,), jnp.int32),
          pltpu.VMEM((_S * _L_GENRE,), jnp.int32),
          pltpu.VMEM((_S * _L_PC,), jnp.int32),
          pltpu.VMEM((_S * _L_PCN,), jnp.int32),
          pltpu.VMEM((_S, 400), jnp.float32),
          pltpu.VMEM((_S, 32), jnp.float32),
          pltpu.VMEM((_S * _L_OV, 32), jnp.float32),
          pltpu.VMEM((_S, 16), jnp.float32),
          pltpu.VMEM((_S * _L_CAST, 16), jnp.float32),
          pltpu.VMEM((_S * _L_GENRE, 32), jnp.float32),
          pltpu.VMEM((_S * _L_PC, 32), jnp.float32),
          pltpu.VMEM((_S * _L_PCN, 16), jnp.float32),
          pltpu.VMEM((_S, 16), jnp.float32),
          pltpu.VMEM((_S,), jnp.float32),
          pltpu.SemaphoreType.DMA,
      ],
  )
  def k(user_ids_h, movie_ids_h, title_idx_h, overview_idx_h, director_idx_h,
        cast_idx_h, genre_idx_h, prod_comp_idx_h, prod_count_idx_h,
        numeric_h, user_W_h, title_W_h, overview_W_h, director_W_h,
        cast_W_h, genre_W_h, prod_comp_W_h, prod_count_W_h, out_h,
        uids_v, mids_v, uq_v, m_v, tix_v, dix_v,
        ova_v, caa_v, gna_v, pca_v, pna_v,
        ovt_v, cat_v, gnt_v, pct_v, pnt_v,
        u_v, tit_v, ov_v, dir_v, ca_v, gn_v, pc_v, pn_v, nm_v,
        ob_v, sem):
    wid = lax.axis_index("c") * _NS + lax.axis_index("s")

    def block(blk, _):
      base = pl.multiple_of(wid * _CHUNK + blk * _S, _S)
      pltpu.sync_copy(user_ids_h.at[pl.ds(base, _S)], uids_v.at[pl.ds(0, _S)])
      pltpu.sync_copy(movie_ids_h.at[pl.ds(base, _S)], mids_v)
      for kk in range(_S // 16):
        m_v[pl.ds(kk * 16, 16)] = mids_v[pl.ds(kk * 16, 16)] - 1
        uq_v[pl.ds(kk * 16, 16)] = lax.shift_right_logical(
            uids_v[pl.ds(kk * 16, 16)], 2)

      m_sl = m_v.at[pl.ds(0, _S)]
      l1 = [
          pltpu.async_copy(user_W_h.at[uq_v], u_v, sem),
          pltpu.async_copy(title_idx_h.at[m_sl], tix_v, sem),
          pltpu.async_copy(director_idx_h.at[m_sl], dix_v, sem),
          pltpu.async_copy(numeric_h.at[m_sl], nm_v, sem),
      ]
      _expand_tokens(m_v, ova_v, _L_OV)
      _expand_tokens(m_v, caa_v, _L_CAST)
      _expand_tokens(m_v, gna_v, _L_GENRE)
      _expand_tokens(m_v, pca_v, _L_PC)
      _expand_tokens(m_v, pna_v, _L_PCN)
      _chunked_gather(overview_idx_h, ova_v, ovt_v, _S * _L_OV, sem, l1)
      _chunked_gather(cast_idx_h, caa_v, cat_v, _S * _L_CAST, sem, l1)
      _chunked_gather(genre_idx_h, gna_v, gnt_v, _S * _L_GENRE, sem, l1)
      _chunked_gather(prod_comp_idx_h, pca_v, pct_v, _S * _L_PC, sem, l1)
      _chunked_gather(prod_count_idx_h, pna_v, pnt_v, _S * _L_PCN, sem, l1)
      for d in l1:
        d.wait()

      l2 = [
          pltpu.async_copy(title_W_h.at[tix_v], tit_v, sem),
          pltpu.async_copy(director_W_h.at[dix_v], dir_v, sem),
      ]
      _chunked_gather(overview_W_h, ovt_v, ov_v, _S * _L_OV, sem, l2)
      _chunked_gather(cast_W_h, cat_v, ca_v, _S * _L_CAST, sem, l2)
      _chunked_gather(genre_W_h, gnt_v, gn_v, _S * _L_GENRE, sem, l2)
      _chunked_gather(prod_comp_W_h, pct_v, pc_v, _S * _L_PC, sem, l2)
      _chunked_gather(prod_count_W_h, pnt_v, pn_v, _S * _L_PCN, sem, l2)
      for d in l2:
        d.wait()

      lane = lax.iota(jnp.int32, 16)

      def sample(i, res):
        uoff = (uids_v[pl.ds(i, 16)][0] & 3) * 100
        u0 = u_v[i, pl.ds(uoff, 16)]
        u16 = u_v[i, pl.ds(uoff + 16, 16)]
        u32 = u_v[i, pl.ds(uoff + 32, 16)]
        u48 = u_v[i, pl.ds(uoff + 48, 16)]
        u64 = u_v[i, pl.ds(uoff + 64, 16)]
        u80 = u_v[i, pl.ds(uoff + 80, 16)]
        u84 = u_v[i, pl.ds(uoff + 84, 16)]

        acc0 = u0 * tit_v[i, pl.ds(0, 16)]
        acc1 = u16 * tit_v[i, pl.ds(16, 16)]

        ob = i * _L_OV
        s0 = ov_v[ob, pl.ds(0, 16)]
        s1 = ov_v[ob, pl.ds(16, 16)]
        for j in range(1, _L_OV):
          s0 = s0 + ov_v[ob + j, pl.ds(0, 16)]
          s1 = s1 + ov_v[ob + j, pl.ds(16, 16)]
        acc0 = acc0 + u16 * s0
        acc1 = acc1 + u32 * s1

        acc0 = acc0 + u32 * dir_v[i, pl.ds(0, 16)]

        cb = i * _L_CAST
        s0 = ca_v[cb, pl.ds(0, 16)]
        for j in range(1, _L_CAST):
          s0 = s0 + ca_v[cb + j, pl.ds(0, 16)]
        acc1 = acc1 + u48 * s0

        gb = i * _L_GENRE
        s0 = gn_v[gb, pl.ds(0, 16)]
        s1 = gn_v[gb, pl.ds(16, 16)]
        for j in range(1, _L_GENRE):
          s0 = s0 + gn_v[gb + j, pl.ds(0, 16)]
          s1 = s1 + gn_v[gb + j, pl.ds(16, 16)]
        acc0 = acc0 + u48 * s0
        acc1 = acc1 + u64 * s1

        pb = i * _L_PC
        s0 = pc_v[pb, pl.ds(0, 16)]
        s1 = pc_v[pb, pl.ds(16, 16)]
        for j in range(1, _L_PC):
          s0 = s0 + pc_v[pb + j, pl.ds(0, 16)]
          s1 = s1 + pc_v[pb + j, pl.ds(16, 16)]
        acc0 = acc0 + u64 * s0
        acc1 = acc1 + u80 * s1

        nb = i * _L_PCN
        s0 = pn_v[nb, pl.ds(0, 16)]
        for j in range(1, _L_PCN):
          s0 = s0 + pn_v[nb + j, pl.ds(0, 16)]
        acc0 = acc0 + u80 * s0

        acc1 = acc1 + u84 * nm_v[i, pl.ds(0, 16)]

        val = jnp.sum(acc0 + acc1)
        return jnp.where(lane == (i % 16), val, res)

      def group(g, _):
        res = lax.fori_loop(g * 16, (g + 1) * 16, sample,
                            lax.broadcast(jnp.float32(0.0), (16,)))
        ob_v[pl.ds(g * 16, 16)] = res
        return 0

      lax.fori_loop(0, _S // 16, group, 0)
      pltpu.sync_copy(ob_v, out_h.at[pl.ds(base, _S)])
      return 0

    lax.fori_loop(0, _NBLK, block, 0)

  return k(user_ids, movie_ids, title_idx, overview_idx_f, director_idx,
           cast_idx_f, genre_idx_f, prod_comp_idx_f, prod_count_idx_f,
           numeric_p, user_W, title_Wp, overview_Wp, director_Wp, cast_Wp,
           genre_Wp, prod_comp_Wp, prod_count_Wp)


def kernel(user_ids, movie_ids, title_idx, overview_idx, director_idx,
           cast_idx, genre_idx, prod_comp_idx, prod_count_idx,
           numeric_movie_data, user_W, title_W, overview_W, director_W,
           cast_W, genre_W, prod_comp_W, prod_count_W):
  title_Wp = _pad_table(title_W, 0, 32)
  overview_Wp = _pad_table(overview_W, 4, 32, scale=1.0 / _L_OV)
  director_Wp = _pad_table(director_W, 8, 16)
  cast_Wp = _pad_table(cast_W, 0, 16, scale=1.0 / _L_CAST)
  genre_Wp = _pad_table(genre_W, 10, 32, scale=1.0 / _L_GENRE)
  prod_comp_Wp = _pad_table(prod_comp_W, 9, 32, scale=1.0 / _L_PC)
  prod_count_Wp = _pad_table(prod_count_W, 3, 16, scale=1.0 / _L_PCN)
  numeric_p = _pad_table(numeric_movie_data, 9, 16)

  user_W4 = user_W.reshape(user_W.shape[0] // 4, 400)

  return _sc_call(user_ids, movie_ids, title_idx,
                  overview_idx.reshape(-1), director_idx,
                  cast_idx.reshape(-1), genre_idx.reshape(-1),
                  prod_comp_idx.reshape(-1), prod_count_idx.reshape(-1),
                  numeric_p, user_W4, title_Wp, overview_Wp, director_Wp,
                  cast_Wp, genre_Wp, prod_comp_Wp, prod_count_Wp)

# --- scband reference (transcript-rebuilt; emitter-appended) ---
"""Pipeline reference for scband-functional-model-34651796144136 (READ-ONLY COPY).

The authoritative reference and input builder live on the scoring server;
editing this copy changes nothing except your own understanding.
"""

import jax, jax.numpy as jnp
import numpy as np

B = 16384
N_USERS = 1000000
N_MOVIES = 100000
V_TITLE = 50000; V_OV = 50000; V_DIR = 20000; V_CAST = 50000; V_GENRE = 20; V_PC = 10000; V_PCN = 100
L_OV = 20; L_CAST = 10; L_GENRE = 5; L_PC = 5; L_PCN = 3
D_NUM = 7

def setup_inputs(seed: int = 0) -> dict:
    key = jax.random.key(seed)
    ks = jax.random.split(key, 20)
    inp = {}
    inp['user_ids'] = jax.random.randint(ks[0], (B,), 0, N_USERS, dtype=jnp.int32)
    inp['movie_ids'] = jax.random.randint(ks[1], (B,), 1, N_MOVIES, dtype=jnp.int32)
    # per-movie tokenized metadata (the globals loaded from disk in the torch code)
    inp['title_idx'] = jax.random.randint(ks[2], (N_MOVIES,), 0, V_TITLE, dtype=jnp.int32)
    inp['overview_idx'] = jax.random.randint(ks[3], (N_MOVIES, L_OV), 0, V_OV, dtype=jnp.int32)
    inp['director_idx'] = jax.random.randint(ks[4], (N_MOVIES,), 0, V_DIR, dtype=jnp.int32)
    inp['cast_idx'] = jax.random.randint(ks[5], (N_MOVIES, L_CAST), 0, V_CAST, dtype=jnp.int32)
    inp['genre_idx'] = jax.random.randint(ks[6], (N_MOVIES, L_GENRE), 0, V_GENRE, dtype=jnp.int32)
    inp['prod_comp_idx'] = jax.random.randint(ks[7], (N_MOVIES, L_PC), 0, V_PC, dtype=jnp.int32)
    inp['prod_count_idx'] = jax.random.randint(ks[8], (N_MOVIES, L_PCN), 0, V_PCN, dtype=jnp.int32)
    inp['numeric_movie_data'] = jax.random.normal(ks[9], (N_MOVIES, D_NUM), dtype=jnp.float32)
    # learned embedding tables
    inp['user_W'] = jax.random.normal(ks[10], (N_USERS, 100), dtype=jnp.float32)
    inp['title_W'] = jax.random.normal(ks[11], (V_TITLE, 20), dtype=jnp.float32)
    inp['overview_W'] = jax.random.normal(ks[12], (V_OV, 20), dtype=jnp.float32)
    inp['director_W'] = jax.random.normal(ks[13], (V_DIR, 8), dtype=jnp.float32)
    inp['cast_W'] = jax.random.normal(ks[14], (V_CAST, 10), dtype=jnp.float32)
    inp['genre_W'] = jax.random.normal(ks[15], (V_GENRE, 15), dtype=jnp.float32)
    inp['prod_comp_W'] = jax.random.normal(ks[16], (V_PC, 10), dtype=jnp.float32)
    inp['prod_count_W'] = jax.random.normal(ks[17], (V_PCN, 10), dtype=jnp.float32)
    return inp

def reference(user_ids, movie_ids, title_idx, overview_idx, director_idx, cast_idx, genre_idx, prod_comp_idx, prod_count_idx, numeric_movie_data, user_W, title_W, overview_W, director_W, cast_W, genre_W, prod_comp_W, prod_count_W):
    m = movie_ids - 1
    user = jnp.take(user_W, user_ids, axis=0)
    tit = jnp.take(title_W, jnp.take(title_idx, m, axis=0), axis=0)
    ovrv = jnp.take(overview_W, jnp.take(overview_idx, m, axis=0), axis=0).mean(axis=1)
    dire = jnp.take(director_W, jnp.take(director_idx, m, axis=0), axis=0)
    ct = jnp.take(cast_W, jnp.take(cast_idx, m, axis=0), axis=0).mean(axis=1)
    gn = jnp.take(genre_W, jnp.take(genre_idx, m, axis=0), axis=0).mean(axis=1)
    pd_cmp = jnp.take(prod_comp_W, jnp.take(prod_comp_idx, m, axis=0), axis=0).mean(axis=1)
    pd_count = jnp.take(prod_count_W, jnp.take(prod_count_idx, m, axis=0), axis=0).mean(axis=1)
    num_data = jnp.take(numeric_movie_data, m, axis=0)
    movie = jnp.concatenate([tit, ovrv, dire, ct, gn, pd_cmp, pd_count, num_data], axis=-1)
    # dropout(p=0.2) is identity in eval mode
    x = jnp.sum(user * movie, axis=-1, keepdims=True)
    return jnp.squeeze(x)

if __name__ == "__main__":
    import jax
    _d = setup_inputs()
    print(jax.jit(kernel)(*tuple(_d.values())))

</pallas_src>

<mosaic_0001>
#map = affine_map<(d0, d1) -> (0)>
#map1 = affine_map<(d0, d1) -> (0, 0)>
module attributes {stable_mosaic.version = 14 : i64} {
  func.func @k(%arg0: i32, %arg1: i32, %arg2: memref<16384xi32, #tpu.memory_space<hbm>>, %arg3: memref<16384xi32, #tpu.memory_space<hbm>>, %arg4: memref<100000xi32, #tpu.memory_space<hbm>>, %arg5: memref<2000000xi32, #tpu.memory_space<hbm>>, %arg6: memref<100000xi32, #tpu.memory_space<hbm>>, %arg7: memref<1000000xi32, #tpu.memory_space<hbm>>, %arg8: memref<500000xi32, #tpu.memory_space<hbm>>, %arg9: memref<500000xi32, #tpu.memory_space<hbm>>, %arg10: memref<300000xi32, #tpu.memory_space<hbm>>, %arg11: memref<100000x16xf32, #tpu.memory_space<hbm>>, %arg12: memref<250000x400xf32, #tpu.memory_space<hbm>>, %arg13: memref<50000x32xf32, #tpu.memory_space<hbm>>, %arg14: memref<50000x32xf32, #tpu.memory_space<hbm>>, %arg15: memref<20000x16xf32, #tpu.memory_space<hbm>>, %arg16: memref<50000x16xf32, #tpu.memory_space<hbm>>, %arg17: memref<20x32xf32, #tpu.memory_space<hbm>>, %arg18: memref<10000x32xf32, #tpu.memory_space<hbm>>, %arg19: memref<100x16xf32, #tpu.memory_space<hbm>>, %arg20: memref<16384xf32, #tpu.memory_space<hbm>>, %arg21: memref<80xi32, #tpu.memory_space<vmem>>, %arg22: memref<64xi32, #tpu.memory_space<vmem>>, %arg23: memref<64xi32, #tpu.memory_space<vmem>>, %arg24: memref<80xi32, #tpu.memory_space<vmem>>, %arg25: memref<64xi32, #tpu.memory_space<vmem>>, %arg26: memref<64xi32, #tpu.memory_space<vmem>>, %arg27: memref<1296xi32, #tpu.memory_space<vmem>>, %arg28: memref<656xi32, #tpu.memory_space<vmem>>, %arg29: memref<336xi32, #tpu.memory_space<vmem>>, %arg30: memref<336xi32, #tpu.memory_space<vmem>>, %arg31: memref<208xi32, #tpu.memory_space<vmem>>, %arg32: memref<1280xi32, #tpu.memory_space<vmem>>, %arg33: memref<640xi32, #tpu.memory_space<vmem>>, %arg34: memref<320xi32, #tpu.memory_space<vmem>>, %arg35: memref<320xi32, #tpu.memory_space<vmem>>, %arg36: memref<192xi32, #tpu.memory_space<vmem>>, %arg37: memref<64x400xf32, #tpu.memory_space<vmem>>, %arg38: memref<64x32xf32, #tpu.memory_space<vmem>>, %arg39: memref<1280x32xf32, #tpu.memory_space<vmem>>, %arg40: memref<64x16xf32, #tpu.memory_space<vmem>>, %arg41: memref<640x16xf32, #tpu.memory_space<vmem>>, %arg42: memref<320x32xf32, #tpu.memory_space<vmem>>, %arg43: memref<320x32xf32, #tpu.memory_space<vmem>>, %arg44: memref<192x16xf32, #tpu.memory_space<vmem>>, %arg45: memref<64x16xf32, #tpu.memory_space<vmem>>, %arg46: memref<64xf32, #tpu.memory_space<vmem>>, %arg47: memref<!tpu.dma_semaphore, #tpu.memory_space<semaphore_mem>>) attributes {dimension_semantics = [#tpu.dimension_semantics<core_parallel>, #tpu.dimension_semantics<subcore_parallel>], iteration_bounds = array<i64: 2, 16>, scalar_prefetch = 0 : i64, scratch_operands = 27 : i64, tpu.core_type = #tpu.core_type<sc_vector_subcore>, window_params = [{transform_indices = #map}, {transform_indices = #map}, {transform_indices = #map}, {transform_indices = #map}, {transform_indices = #map}, {transform_indices = #map}, {transform_indices = #map}, {transform_indices = #map}, {transform_indices = #map}, {transform_indices = #map1}, {transform_indices = #map1}, {transform_indices = #map1}, {transform_indices = #map1}, {transform_indices = #map1}, {transform_indices = #map1}, {transform_indices = #map1}, {transform_indices = #map1}, {transform_indices = #map1}, {transform_indices = #map}]} {
    %mul3A = arith.constant 16 : i32
    %mul3A_0 = arith.muli %arg0, %mul3A : i32
    %add3A = arith.addi %mul3A_0, %arg1 : i32
    %scan3A = arith.constant 0 : i32
    %scan3A_1 = arith.constant 0 : i32
    %scan3A_2 = arith.constant 8 : i32
    %scan3A_3 = arith.addi %scan3A_1, %scan3A_2 : i32
    %scan3A_4 = arith.constant 1 : i32
    %scan3A_5 = scf.for %scan3A_7 = %scan3A_1 to %scan3A_3 step %scan3A_4 iter_args(%scan3A_8 = %scan3A) -> (i32)  : i32 {
      %mul3A_9 = arith.constant 512 : i32
      %mul3A_10 = arith.muli %add3A, %mul3A_9 : i32
      %mul3A_11 = arith.constant 64 : i32
      %mul3A_12 = arith.muli %scan3A_7, %mul3A_11 : i32
      %add3A_13 = arith.addi %mul3A_10, %mul3A_12 : i32
      %multiple_of3A = tpu.assume_multiple %add3A_13, 64 : i32
      "tpu.region"() ({
        %run_scoped3A = tpu.sem_alloc : memref<!tpu.dma_semaphore, #tpu.memory_space<semaphore_mem>>
        %dma_start3A_800 = arith.constant 0 : i32
        %dma_start3A_801 = tpu.memref_slice %arg21[%dma_start3A_800] : memref<80xi32, #tpu.memory_space<vmem>> -> memref<64xi32, #tpu.memory_space<vmem>>
        %dma_start3A_802 = tpu.memref_slice %arg2[%multiple_of3A] : memref<16384xi32, #tpu.memory_space<hbm>> -> memref<64xi32, #tpu.memory_space<hbm>>
        %dma_start3A_803 = arith.constant 0 : i32
        %dma_start3A_804 = tpu.memref_slice %arg21[%dma_start3A_803] : memref<80xi32, #tpu.memory_space<vmem>> -> memref<64xi32, #tpu.memory_space<vmem>>
        %dma_start3A_805 = tpu.memref_slice %arg2[%multiple_of3A] : memref<16384xi32, #tpu.memory_space<hbm>> -> memref<64xi32, #tpu.memory_space<hbm>>
        tpu.enqueue_dma source(%dma_start3A_805 : memref<64xi32, #tpu.memory_space<hbm>>) target(%dma_start3A_804 : memref<64xi32, #tpu.memory_space<vmem>>) target_semaphore(%run_scoped3A : memref<!tpu.dma_semaphore, #tpu.memory_space<semaphore_mem>>)
        %dma_wait3A_806 = arith.constant 0 : i32
        %dma_wait3A_807 = tpu.memref_slice %arg21[%dma_wait3A_806] : memref<80xi32, #tpu.memory_space<vmem>> -> memref<64xi32, #tpu.memory_space<vmem>>
        %dma_wait3A_808 = tpu.memref_slice %arg2[%multiple_of3A] : memref<16384xi32, #tpu.memory_space<hbm>> -> memref<64xi32, #tpu.memory_space<hbm>>
        %dma_wait3A_809 = arith.constant 0 : i32
        %dma_wait3A_810 = tpu.memref_slice %arg21[%dma_wait3A_809] : memref<80xi32, #tpu.memory_space<vmem>> -> memref<64xi32, #tpu.memory_space<vmem>>
        %dma_wait3A_811 = tpu.memref_slice %arg2[%multiple_of3A] : memref<16384xi32, #tpu.memory_space<hbm>> -> memref<64xi32, #tpu.memory_space<hbm>>
        tpu.wait_dma2 semaphore(%run_scoped3A : memref<!tpu.dma_semaphore, #tpu.memory_space<semaphore_mem>>) src(%dma_wait3A_811 : memref<64xi32, #tpu.memory_space<hbm>>) dst(%dma_wait3A_810 : memref<64xi32, #tpu.memory_space<vmem>>)
        tpu.yield
      }) : () -> ()
      "tpu.region"() ({
        %run_scoped3A = tpu.sem_alloc : memref<!tpu.dma_semaphore, #tpu.memory_space<semaphore_mem>>
        %dma_start3A_800 = tpu.memref_slice %arg3[%multiple_of3A] : memref<16384xi32, #tpu.memory_space<hbm>> -> memref<64xi32, #tpu.memory_space<hbm>>
        %dma_start3A_801 = tpu.memref_slice %arg3[%multiple_of3A] : memref<16384xi32, #tpu.memory_space<hbm>> -> memref<64xi32, #tpu.memory_space<hbm>>
        tpu.enqueue_dma source(%dma_start3A_801 : memref<64xi32, #tpu.memory_space<hbm>>) target(%arg22 : memref<64xi32, #tpu.memory_space<vmem>>) target_semaphore(%run_scoped3A : memref<!tpu.dma_semaphore, #tpu.memory_space<semaphore_mem>>)
        %dma_wait3A_802 = tpu.memref_slice %arg3[%multiple_of3A] : memref<16384xi32, #tpu.memory_space<hbm>> -> memref<64xi32, #tpu.memory_space<hbm>>
        %dma_wait3A_803 = tpu.memref_slice %arg3[%multiple_of3A] : memref<16384xi32, #tpu.memory_space<hbm>> -> memref<64xi32, #tpu.memory_space<hbm>>
        tpu.wait_dma2 semaphore(%run_scoped3A : memref<!tpu.dma_semaphore, #tpu.memory_space<semaphore_mem>>) src(%dma_wait3A_803 : memref<64xi32, #tpu.memory_space<hbm>>) dst(%arg22 : memref<64xi32, #tpu.memory_space<vmem>>)
        tpu.yield
      }) : () -> ()
      %get3A = arith.constant 0 : index
      %get3A_14 = tpu.vector_load %arg22[%get3A] {strides = array<i32>} : memref<64xi32, #tpu.memory_space<vmem>>, vector<16xi32>,
      %sub3A = arith.constant 1 : i32
      %sub3A_15 = vector.broadcast %sub3A : i32 to vector<16xi32>
      %sub3A_16 = arith.subi %get3A_14, %sub3A_15 : vector<16xi32>
      %swap3A = arith.constant 0 : index
      %swap3A_17 = tpu.vector_load %arg24[%swap3A] {strides = array<i32>} : memref<80xi32, #tpu.memory_space<vmem>>, vector<16xi32>,
      tpu.vector_store %arg24[%swap3A], %sub3A_16 {strides = array<i32>} : memref<80xi32, #tpu.memory_space<vmem>>, vector<16xi32>,
      %get3A_18 = arith.constant 0 : index
      %get3A_19 = tpu.vector_load %arg21[%get3A_18] {strides = array<i32>} : memref<80xi32, #tpu.memory_space<vmem>>, vector<16xi32>,
      %shift_right_logical3A = arith.constant 2 : i32
      %shift_right_logical3A_20 = vector.broadcast %shift_right_logical3A : i32 to vector<16xi32>
      %shift_right_logical3A_21 = arith.shrui %get3A_19, %shift_right_logical3A_20 : vector<16xi32>
      %swap3A_22 = arith.constant 0 : index
      %swap3A_23 = tpu.vector_load %arg23[%swap3A_22] {strides = array<i32>} : memref<64xi32, #tpu.memory_space<vmem>>, vector<16xi32>,
      tpu.vector_store %arg23[%swap3A_22], %shift_right_logical3A_21 {strides = array<i32>} : memref<64xi32, #tpu.memory_space<vmem>>, vector<16xi32>,
      %get3A_24 = arith.constant 16 : index
      %get3A_25 = tpu.vector_load %arg22[%get3A_24] {strides = array<i32>} : memref<64xi32, #tpu.memory_space<vmem>>, vector<16xi32>,
      %sub3A_26 = arith.constant 1 : i32
      %sub3A_27 = vector.broadcast %sub3A_26 : i32 to vector<16xi32>
      %sub3A_28 = arith.subi %get3A_25, %sub3A_27 : vector<16xi32>
      %swap3A_29 = arith.constant 16 : index
      %swap3A_30 = tpu.vector_load %arg24[%swap3A_29] {strides = array<i32>} : memref<80xi32, #tpu.memory_space<vmem>>, vector<16xi32>,
      tpu.vector_store %arg24[%swap3A_29], %sub3A_28 {strides = array<i32>} : memref<80xi32, #tpu.memory_space<vmem>>, vector<16xi32>,
      %get3A_31 = arith.constant 16 : index
      %get3A_32 = tpu.vector_load %arg21[%get3A_31] {strides = array<i32>} : memref<80xi32, #tpu.memory_space<vmem>>, vector<16xi32>,
      %shift_right_logical3A_33 = arith.constant 2 : i32
      %shift_right_logical3A_34 = vector.broadcast %shift_right_logical3A_33 : i32 to vector<16xi32>
      %shift_right_logical3A_35 = arith.shrui %get3A_32, %shift_right_logical3A_34 : vector<16xi32>
      %swap3A_36 = arith.constant 16 : index
      %swap3A_37 = tpu.vector_load %arg23[%swap3A_36] {strides = array<i32>} : memref<64xi32, #tpu.memory_space<vmem>>, vector<16xi32>,
      tpu.vector_store %arg23[%swap3A_36], %shift_right_logical3A_35 {strides = array<i32>} : memref<64xi32, #tpu.memory_space<vmem>>, vector<16xi32>,
      %get3A_38 = arith.constant 32 : index
      %get3A_39 = tpu.vector_load %arg22[%get3A_38] {strides = array<i32>} : memref<64xi32, #tpu.memory_space<vmem>>, vector<16xi32>,
      %sub3A_40 = arith.constant 1 : i32
      %sub3A_41 = vector.broadcast %sub3A_40 : i32 to vector<16xi32>
      %sub3A_42 = arith.subi %get3A_39, %sub3A_41 : vector<16xi32>
      %swap3A_43 = arith.constant 32 : index
      %swap3A_44 = tpu.vector_load %arg24[%swap3A_43] {strides = array<i32>} : memref<80xi32, #tpu.memory_space<vmem>>, vector<16xi32>,
      tpu.vector_store %arg24[%swap3A_43], %sub3A_42 {strides = array<i32>} : memref<80xi32, #tpu.memory_space<vmem>>, vector<16xi32>,
      %get3A_45 = arith.constant 32 : index
      %get3A_46 = tpu.vector_load %arg21[%get3A_45] {strides = array<i32>} : memref<80xi32, #tpu.memory_space<vmem>>, vector<16xi32>,
      %shift_right_logical3A_47 = arith.constant 2 : i32
      %shift_right_logical3A_48 = vector.broadcast %shift_right_logical3A_47 : i32 to vector<16xi32>
      %shift_right_logical3A_49 = arith.shrui %get3A_46, %shift_right_logical3A_48 : vector<16xi32>
      %swap3A_50 = arith.constant 32 : index
      %swap3A_51 = tpu.vector_load %arg23[%swap3A_50] {strides = array<i32>} : memref<64xi32, #tpu.memory_space<vmem>>, vector<16xi32>,
      tpu.vector_store %arg23[%swap3A_50], %shift_right_logical3A_49 {strides = array<i32>} : memref<64xi32, #tpu.memory_space<vmem>>, vector<16xi32>,
      %get3A_52 = arith.constant 48 : index
      %get3A_53 = tpu.vector_load %arg22[%get3A_52] {strides = array<i32>} : memref<64xi32, #tpu.memory_space<vmem>>, vector<16xi32>,
      %sub3A_54 = arith.constant 1 : i32
      %sub3A_55 = vector.broadcast %sub3A_54 : i32 to vector<16xi32>
      %sub3A_56 = arith.subi %get3A_53, %sub3A_55 : vector<16xi32>
      %swap3A_57 = arith.constant 48 : index
      %swap3A_58 = tpu.vector_load %arg24[%swap3A_57] {strides = array<i32>} : memref<80xi32, #tpu.memory_space<vmem>>, vector<16xi32>,
      tpu.vector_store %arg24[%swap3A_57], %sub3A_56 {strides = array<i32>} : memref<80xi32, #tpu.memory_space<vmem>>, vector<16xi32>,
      %get3A_59 = arith.constant 48 : index
      %get3A_60 = tpu.vector_load %arg21[%get3A_59] {strides = array<i32>} : memref<80xi32, #tpu.memory_space<vmem>>, vector<16xi32>,
      %shift_right_logical3A_61 = arith.constant 2 : i32
      %shift_right_logical3A_62 = vector.broadcast %shift_right_logical3A_61 : i32 to vector<16xi32>
      %shift_right_logical3A_63 = arith.shrui %get3A_60, %shift_right_logical3A_62 : vector<16xi32>
      %swap3A_64 = arith.constant 48 : index
      %swap3A_65 = tpu.vector_load %arg23[%swap3A_64] {strides = array<i32>} : memref<64xi32, #tpu.memory_space<vmem>>, vector<16xi32>,
      tpu.vector_store %arg23[%swap3A_64], %shift_right_logical3A_63 {strides = array<i32>} : memref<64xi32, #tpu.memory_space<vmem>>, vector<16xi32>,
      %dma_start3A = arith.constant 0 : i32
      %dma_start3A_66 = arith.constant 0 : i32
      %dma_start3A_67 = tpu.memref_slice %arg12[%dma_start3A, %dma_start3A_66] : memref<250000x400xf32, #tpu.memory_space<hbm>> -> memref<250000x400xf32, #tpu.memory_space<hbm>>
      tpu.enqueue_indirect_dma source(%dma_start3A_67 : memref<250000x400xf32, #tpu.memory_space<hbm>>) target(%arg37 : memref<64x400xf32, #tpu.memory_space<vmem>>) offsets(%arg23 : memref<64xi32, #tpu.memory_space<vmem>>) semaphore(%arg47 : memref<!tpu.dma_semaphore, #tpu.memory_space<semaphore_mem>>)
      %dma_start3A_68 = arith.constant 0 : i32
      %dma_start3A_69 = tpu.memref_slice %arg24[%dma_start3A_68] : memref<80xi32, #tpu.memory_space<vmem>> -> memref<64xi32, #tpu.memory_space<vmem>>
      %dma_start3A_70 = arith.constant 0 : i32
      %dma_start3A_71 = tpu.memref_slice %arg4[%dma_start3A_70] : memref<100000xi32, #tpu.memory_space<hbm>> -> memref<100000xi32, #tpu.memory_space<hbm>>
      tpu.enqueue_indirect_dma source(%dma_start3A_71 : memref<100000xi32, #tpu.memory_space<hbm>>) target(%arg25 : memref<64xi32, #tpu.memory_space<vmem>>) offsets(%dma_start3A_69 : memref<64xi32, #tpu.memory_space<vmem>>) semaphore(%arg47 : memref<!tpu.dma_semaphore, #tpu.memory_space<semaphore_mem>>)
      %dma_start3A_72 = arith.constant 0 : i32
      %dma_start3A_73 = tpu.memref_slice %arg24[%dma_start3A_72] : memref<80xi32, #tpu.memory_space<vmem>> -> memref<64xi32, #tpu.memory_space<vmem>>
      %dma_start3A_74 = arith.constant 0 : i32
      %dma_start3A_75 = tpu.memref_slice %arg6[%dma_start3A_74] : memref<100000xi32, #tpu.memory_space<hbm>> -> memref<100000xi32, #tpu.memory_space<hbm>>
      tpu.enqueue_indirect_dma source(%dma_start3A_75 : memref<100000xi32, #tpu.memory_space<hbm>>) target(%arg26 : memref<64xi32, #tpu.memory_space<vmem>>) offsets(%dma_start3A_73 : memref<64xi32, #tpu.memory_space<vmem>>) semaphore(%arg47 : memref<!tpu.dma_semaphore, #tpu.memory_space<semaphore_mem>>)
      %dma_start3A_76 = arith.constant 0 : i32
      %dma_start3A_77 = tpu.memref_slice %arg24[%dma_start3A_76] : memref<80xi32, #tpu.memory_space<vmem>> -> memref<64xi32, #tpu.memory_space<vmem>>
      %dma_start3A_78 = arith.constant 0 : i32
      %dma_start3A_79 = arith.constant 0 : i32
      %dma_start3A_80 = tpu.memref_slice %arg11[%dma_start3A_78, %dma_start3A_79] : memref<100000x16xf32, #tpu.memory_space<hbm>> -> memref<100000x16xf32, #tpu.memory_space<hbm>>
      tpu.enqueue_indirect_dma source(%dma_start3A_80 : memref<100000x16xf32, #tpu.memory_space<hbm>>) target(%arg45 : memref<64x16xf32, #tpu.memory_space<vmem>>) offsets(%dma_start3A_77 : memref<64xi32, #tpu.memory_space<vmem>>) semaphore(%arg47 : memref<!tpu.dma_semaphore, #tpu.memory_space<semaphore_mem>>)
      %iota3A = tpu.iota {dimensions = array<i32: 0>} : vector<16xi32>
      %scan3A_81 = arith.constant 0 : i32
      %scan3A_82 = arith.constant 0 : i32
      %scan3A_83 = arith.constant 64 : i32
      %scan3A_84 = arith.addi %scan3A_82, %scan3A_83 : i32
      %scan3A_85 = arith.constant 1 : i32
      %scan3A_86 = scf.for %scan3A_800 = %scan3A_82 to %scan3A_84 step %scan3A_85 iter_args(%scan3A_801 = %scan3A_81) -> (i32)  : i32 {
        %get3A_802 = arith.index_cast %scan3A_800 : i32 to index
        %get3A_803 = tpu.vector_load %arg24[%get3A_802] {strides = array<i32>} : memref<80xi32, #tpu.memory_space<vmem>>, vector<16xi32>,
        %slice3A = vector.extract_strided_slice %get3A_803 {offsets = [0], sizes = [1], strides = [1]} : vector<16xi32> to vector<1xi32>
        %squeeze3A = vector.extract %slice3A[0] : i32 from vector<1xi32>
        %mul3A_804 = arith.constant 20 : i32
        %mul3A_805 = arith.muli %squeeze3A, %mul3A_804 : i32
        %add3A_806 = arith.constant 0 : i32
        %add3A_807 = arith.addi %mul3A_805, %add3A_806 : i32
        %add3A_808 = vector.broadcast %add3A_807 : i32 to vector<16xi32>
        %add3A_809 = arith.addi %iota3A, %add3A_808 : vector<16xi32>
        %mul3A_810 = arith.constant 20 : i32
        %mul3A_811 = arith.muli %scan3A_800, %mul3A_810 : i32
        %add3A_812 = arith.constant 0 : i32
        %add3A_813 = arith.addi %mul3A_811, %add3A_812 : i32
        %swap3A_814 = arith.index_cast %add3A_813 : i32 to index
        %swap3A_815 = tpu.vector_load %arg27[%swap3A_814] {strides = array<i32>} : memref<1296xi32, #tpu.memory_space<vmem>>, vector<16xi32>,
        tpu.vector_store %arg27[%swap3A_814], %add3A_809 {strides = array<i32>} : memref<1296xi32, #tpu.memory_space<vmem>>, vector<16xi32>,
        %add3A_816 = arith.constant 16 : i32
        %add3A_817 = arith.addi %mul3A_805, %add3A_816 : i32
        %add3A_818 = vector.broadcast %add3A_817 : i32 to vector<16xi32>
        %add3A_819 = arith.addi %iota3A, %add3A_818 : vector<16xi32>
        %mul3A_820 = arith.constant 20 : i32
        %mul3A_821 = arith.muli %scan3A_800, %mul3A_820 : i32
        %add3A_822 = arith.constant 16 : i32
        %add3A_823 = arith.addi %mul3A_821, %add3A_822 : i32
        %swap3A_824 = arith.index_cast %add3A_823 : i32 to index
        %swap3A_825 = tpu.vector_load %arg27[%swap3A_824] {strides = array<i32>} : memref<1296xi32, #tpu.memory_space<vmem>>, vector<16xi32>,
        tpu.vector_store %arg27[%swap3A_824], %add3A_819 {strides = array<i32>} : memref<1296xi32, #tpu.memory_space<vmem>>, vector<16xi32>,
        %scan3A_826 = arith.constant 0 : i32
        scf.yield %scan3A_826 : i32
      }
      %scan3A_87 = arith.constant 64 : i32
      %iota3A_88 = tpu.iota {dimensions = array<i32: 0>} : vector<16xi32>
      %scan3A_89 = arith.constant 0 : i32
      %scan3A_90 = arith.constant 0 : i32
      %scan3A_91 = arith.constant 64 : i32
      %scan3A_92 = arith.addi %scan3A_90, %scan3A_91 : i32
      %scan3A_93 = arith.constant 1 : i32
      %scan3A_94 = scf.for %scan3A_800 = %scan3A_90 to %scan3A_92 step %scan3A_93 iter_args(%scan3A_801 = %scan3A_89) -> (i32)  : i32 {
        %get3A_802 = arith.index_cast %scan3A_800 : i32 to index
        %get3A_803 = tpu.vector_load %arg24[%get3A_802] {strides = array<i32>} : memref<80xi32, #tpu.memory_space<vmem>>, vector<16xi32>,
        %slice3A = vector.extract_strided_slice %get3A_803 {offsets = [0], sizes = [1], strides = [1]} : vector<16xi32> to vector<1xi32>
        %squeeze3A = vector.extract %slice3A[0] : i32 from vector<1xi32>
        %mul3A_804 = arith.constant 10 : i32
        %mul3A_805 = arith.muli %squeeze3A, %mul3A_804 : i32
        %add3A_806 = arith.constant 0 : i32
        %add3A_807 = arith.addi %mul3A_805, %add3A_806 : i32
        %add3A_808 = vector.broadcast %add3A_807 : i32 to vector<16xi32>
        %add3A_809 = arith.addi %iota3A_88, %add3A_808 : vector<16xi32>
        %mul3A_810 = arith.constant 10 : i32
        %mul3A_811 = arith.muli %scan3A_800, %mul3A_810 : i32
        %add3A_812 = arith.constant 0 : i32
        %add3A_813 = arith.addi %mul3A_811, %add3A_812 : i32
        %swap3A_814 = arith.index_cast %add3A_813 : i32 to index
        %swap3A_815 = tpu.vector_load %arg28[%swap3A_814] {strides = array<i32>} : memref<656xi32, #tpu.memory_space<vmem>>, vector<16xi32>,
        tpu.vector_store %arg28[%swap3A_814], %add3A_809 {strides = array<i32>} : memref<656xi32, #tpu.memory_space<vmem>>, vector<16xi32>,
        %scan3A_816 = arith.constant 0 : i32
        scf.yield %scan3A_816 : i32
      }
      %scan3A_95 = arith.constant 64 : i32
      %iota3A_96 = tpu.iota {dimensions = array<i32: 0>} : vector<16xi32>
      %scan3A_97 = arith.constant 0 : i32
      %scan3A_98 = arith.constant 0 : i32
      %scan3A_99 = arith.constant 64 : i32
      %scan3A_100 = arith.addi %scan3A_98, %scan3A_99 : i32
      %scan3A_101 = arith.constant 1 : i32
      %scan3A_102 = scf.for %scan3A_800 = %scan3A_98 to %scan3A_100 step %scan3A_101 iter_args(%scan3A_801 = %scan3A_97) -> (i32)  : i32 {
        %get3A_802 = arith.index_cast %scan3A_800 : i32 to index
        %get3A_803 = tpu.vector_load %arg24[%get3A_802] {strides = array<i32>} : memref<80xi32, #tpu.memory_space<vmem>>, vector<16xi32>,
        %slice3A = vector.extract_strided_slice %get3A_803 {offsets = [0], sizes = [1], strides = [1]} : vector<16xi32> to vector<1xi32>
        %squeeze3A = vector.extract %slice3A[0] : i32 from vector<1xi32>
        %mul3A_804 = arith.constant 5 : i32
        %mul3A_805 = arith.muli %squeeze3A, %mul3A_804 : i32
        %add3A_806 = arith.constant 0 : i32
        %add3A_807 = arith.addi %mul3A_805, %add3A_806 : i32
        %add3A_808 = vector.broadcast %add3A_807 : i32 to vector<16xi32>
        %add3A_809 = arith.addi %iota3A_96, %add3A_808 : vector<16xi32>
        %mul3A_810 = arith.constant 5 : i32
        %mul3A_811 = arith.muli %scan3A_800, %mul3A_810 : i32
        %add3A_812 = arith.constant 0 : i32
        %add3A_813 = arith.addi %mul3A_811, %add3A_812 : i32
        %swap3A_814 = arith.index_cast %add3A_813 : i32 to index
        %swap3A_815 = tpu.vector_load %arg29[%swap3A_814] {strides = array<i32>} : memref<336xi32, #tpu.memory_space<vmem>>, vector<16xi32>,
        tpu.vector_store %arg29[%swap3A_814], %add3A_809 {strides = array<i32>} : memref<336xi32, #tpu.memory_space<vmem>>, vector<16xi32>,
        %scan3A_816 = arith.constant 0 : i32
        scf.yield %scan3A_816 : i32
      }
      %scan3A_103 = arith.constant 64 : i32
      %iota3A_104 = tpu.iota {dimensions = array<i32: 0>} : vector<16xi32>
      %scan3A_105 = arith.constant 0 : i32
      %scan3A_106 = arith.constant 0 : i32
      %scan3A_107 = arith.constant 64 : i32
      %scan3A_108 = arith.addi %scan3A_106, %scan3A_107 : i32
      %scan3A_109 = arith.constant 1 : i32
      %scan3A_110 = scf.for %scan3A_800 = %scan3A_106 to %scan3A_108 step %scan3A_109 iter_args(%scan3A_801 = %scan3A_105) -> (i32)  : i32 {
        %get3A_802 = arith.index_cast %scan3A_800 : i32 to index
        %get3A_803 = tpu.vector_load %arg24[%get3A_802] {strides = array<i32>} : memref<80xi32, #tpu.memory_space<vmem>>, vector<16xi32>,
        %slice3A = vector.extract_strided_slice %get3A_803 {offsets = [0], sizes = [1], strides = [1]} : vector<16xi32> to vector<1xi32>
        %squeeze3A = vector.extract %slice3A[0] : i32 from vector<1xi32>
        %mul3A_804 = arith.constant 5 : i32
        %mul3A_805 = arith.muli %squeeze3A, %mul3A_804 : i32
        %add3A_806 = arith.constant 0 : i32
        %add3A_807 = arith.addi %mul3A_805, %add3A_806 : i32
        %add3A_808 = vector.broadcast %add3A_807 : i32 to vector<16xi32>
        %add3A_809 = arith.addi %iota3A_104, %add3A_808 : vector<16xi32>
        %mul3A_810 = arith.constant 5 : i32
        %mul3A_811 = arith.muli %scan3A_800, %mul3A_810 : i32
        %add3A_812 = arith.constant 0 : i32
        %add3A_813 = arith.addi %mul3A_811, %add3A_812 : i32
        %swap3A_814 = arith.index_cast %add3A_813 : i32 to index
        %swap3A_815 = tpu.vector_load %arg30[%swap3A_814] {strides = array<i32>} : memref<336xi32, #tpu.memory_space<vmem>>, vector<16xi32>,
        tpu.vector_store %arg30[%swap3A_814], %add3A_809 {strides = array<i32>} : memref<336xi32, #tpu.memory_space<vmem>>, vector<16xi32>,
        %scan3A_816 = arith.constant 0 : i32
        scf.yield %scan3A_816 : i32
      }
      %scan3A_111 = arith.constant 64 : i32
      %iota3A_112 = tpu.iota {dimensions = array<i32: 0>} : vector<16xi32>
      %scan3A_113 = arith.constant 0 : i32
      %scan3A_114 = arith.constant 0 : i32
      %scan3A_115 = arith.constant 64 : i32
      %scan3A_116 = arith.addi %scan3A_114, %scan3A_115 : i32
      %scan3A_117 = arith.constant 1 : i32
      %scan3A_118 = scf.for %scan3A_800 = %scan3A_114 to %scan3A_116 step %scan3A_117 iter_args(%scan3A_801 = %scan3A_113) -> (i32)  : i32 {
        %get3A_802 = arith.index_cast %scan3A_800 : i32 to index
        %get3A_803 = tpu.vector_load %arg24[%get3A_802] {strides = array<i32>} : memref<80xi32, #tpu.memory_space<vmem>>, vector<16xi32>,
        %slice3A = vector.extract_strided_slice %get3A_803 {offsets = [0], sizes = [1], strides = [1]} : vector<16xi32> to vector<1xi32>
        %squeeze3A = vector.extract %slice3A[0] : i32 from vector<1xi32>
        %mul3A_804 = arith.constant 3 : i32
        %mul3A_805 = arith.muli %squeeze3A, %mul3A_804 : i32
        %add3A_806 = arith.constant 0 : i32
        %add3A_807 = arith.addi %mul3A_805, %add3A_806 : i32
        %add3A_808 = vector.broadcast %add3A_807 : i32 to vector<16xi32>
        %add3A_809 = arith.addi %iota3A_112, %add3A_808 : vector<16xi32>
        %mul3A_810 = arith.constant 3 : i32
        %mul3A_811 = arith.muli %scan3A_800, %mul3A_810 : i32
        %add3A_812 = arith.constant 0 : i32
        %add3A_813 = arith.addi %mul3A_811, %add3A_812 : i32
        %swap3A_814 = arith.index_cast %add3A_813 : i32 to index
        %swap3A_815 = tpu.vector_load %arg31[%swap3A_814] {strides = array<i32>} : memref<208xi32, #tpu.memory_space<vmem>>, vector<16xi32>,
        tpu.vector_store %arg31[%swap3A_814], %add3A_809 {strides = array<i32>} : memref<208xi32, #tpu.memory_space<vmem>>, vector<16xi32>,
        %scan3A_816 = arith.constant 0 : i32
        scf.yield %scan3A_816 : i32
      }
      %scan3A_119 = arith.constant 64 : i32
      %dma_start3A_120 = arith.constant 0 : i32
      %dma_start3A_121 = tpu.memref_slice %arg32[%dma_start3A_120] : memref<1280xi32, #tpu.memory_space<vmem>> -> memref<128xi32, #tpu.memory_space<vmem>>
      %dma_start3A_122 = arith.constant 0 : i32
      %dma_start3A_123 = tpu.memref_slice %arg27[%dma_start3A_122] : memref<1296xi32, #tpu.memory_space<vmem>> -> memref<128xi32, #tpu.memory_space<vmem>>
      %dma_start3A_124 = arith.constant 0 : i32
      %dma_start3A_125 = tpu.memref_slice %arg5[%dma_start3A_124] : memref<2000000xi32, #tpu.memory_space<hbm>> -> memref<2000000xi32, #tpu.memory_space<hbm>>
      tpu.enqueue_indirect_dma source(%dma_start3A_125 : memref<2000000xi32, #tpu.memory_space<hbm>>) target(%dma_start3A_121 : memref<128xi32, #tpu.memory_space<vmem>>) offsets(%dma_start3A_123 : memref<128xi32, #tpu.memory_space<vmem>>) semaphore(%arg47 : memref<!tpu.dma_semaphore, #tpu.memory_space<semaphore_mem>>)
      %dma_start3A_126 = arith.constant 128 : i32
      %dma_start3A_127 = tpu.memref_slice %arg32[%dma_start3A_126] : memref<1280xi32, #tpu.memory_space<vmem>> -> memref<128xi32, #tpu.memory_space<vmem>>
      %dma_start3A_128 = arith.constant 128 : i32
      %dma_start3A_129 = tpu.memref_slice %arg27[%dma_start3A_128] : memref<1296xi32, #tpu.memory_space<vmem>> -> memref<128xi32, #tpu.memory_space<vmem>>
      %dma_start3A_130 = arith.constant 0 : i32
      %dma_start3A_131 = tpu.memref_slice %arg5[%dma_start3A_130] : memref<2000000xi32, #tpu.memory_space<hbm>> -> memref<2000000xi32, #tpu.memory_space<hbm>>
      tpu.enqueue_indirect_dma source(%dma_start3A_131 : memref<2000000xi32, #tpu.memory_space<hbm>>) target(%dma_start3A_127 : memref<128xi32, #tpu.memory_space<vmem>>) offsets(%dma_start3A_129 : memref<128xi32, #tpu.memory_space<vmem>>) semaphore(%arg47 : memref<!tpu.dma_semaphore, #tpu.memory_space<semaphore_mem>>)
      %dma_start3A_132 = arith.constant 256 : i32
      %dma_start3A_133 = tpu.memref_slice %arg32[%dma_start3A_132] : memref<1280xi32, #tpu.memory_space<vmem>> -> memref<128xi32, #tpu.memory_space<vmem>>
      %dma_start3A_134 = arith.constant 256 : i32
      %dma_start3A_135 = tpu.memref_slice %arg27[%dma_start3A_134] : memref<1296xi32, #tpu.memory_space<vmem>> -> memref<128xi32, #tpu.memory_space<vmem>>
      %dma_start3A_136 = arith.constant 0 : i32
      %dma_start3A_137 = tpu.memref_slice %arg5[%dma_start3A_136] : memref<2000000xi32, #tpu.memory_space<hbm>> -> memref<2000000xi32, #tpu.memory_space<hbm>>
      tpu.enqueue_indirect_dma source(%dma_start3A_137 : memref<2000000xi32, #tpu.memory_space<hbm>>) target(%dma_start3A_133 : memref<128xi32, #tpu.memory_space<vmem>>) offsets(%dma_start3A_135 : memref<128xi32, #tpu.memory_space<vmem>>) semaphore(%arg47 : memref<!tpu.dma_semaphore, #tpu.memory_space<semaphore_mem>>)
      %dma_start3A_138 = arith.constant 384 : i32
      %dma_start3A_139 = tpu.memref_slice %arg32[%dma_start3A_138] : memref<1280xi32, #tpu.memory_space<vmem>> -> memref<128xi32, #tpu.memory_space<vmem>>
      %dma_start3A_140 = arith.constant 384 : i32
      %dma_start3A_141 = tpu.memref_slice %arg27[%dma_start3A_140] : memref<1296xi32, #tpu.memory_space<vmem>> -> memref<128xi32, #tpu.memory_space<vmem>>
      %dma_start3A_142 = arith.constant 0 : i32
      %dma_start3A_143 = tpu.memref_slice %arg5[%dma_start3A_142] : memref<2000000xi32, #tpu.memory_space<hbm>> -> memref<2000000xi32, #tpu.memory_space<hbm>>
      tpu.enqueue_indirect_dma source(%dma_start3A_143 : memref<2000000xi32, #tpu.memory_space<hbm>>) target(%dma_start3A_139 : memref<128xi32, #tpu.memory_space<vmem>>) offsets(%dma_start3A_141 : memref<128xi32, #tpu.memory_space<vmem>>) semaphore(%arg47 : memref<!tpu.dma_semaphore, #tpu.memory_space<semaphore_mem>>)
      %dma_start3A_144 = arith.constant 512 : i32
      %dma_start3A_145 = tpu.memref_slice %arg32[%dma_start3A_144] : memref<1280xi32, #tpu.memory_space<vmem>> -> memref<128xi32, #tpu.memory_space<vmem>>
      %dma_start3A_146 = arith.constant 512 : i32
      %dma_start3A_147 = tpu.memref_slice %arg27[%dma_start3A_146] : memref<1296xi32, #tpu.memory_space<vmem>> -> memref<128xi32, #tpu.memory_space<vmem>>
      %dma_start3A_148 = arith.constant 0 : i32
      %dma_start3A_149 = tpu.memref_slice %arg5[%dma_start3A_148] : memref<2000000xi32, #tpu.memory_space<hbm>> -> memref<2000000xi32, #tpu.memory_space<hbm>>
      tpu.enqueue_indirect_dma source(%dma_start3A_149 : memref<2000000xi32, #tpu.memory_space<hbm>>) target(%dma_start3A_145 : memref<128xi32, #tpu.memory_space<vmem>>) offsets(%dma_start3A_147 : memref<128xi32, #tpu.memory_space<vmem>>) semaphore(%arg47 : memref<!tpu.dma_semaphore, #tpu.memory_space<semaphore_mem>>)
      %dma_start3A_150 = arith.constant 640 : i32
      %dma_start3A_151 = tpu.memref_slice %arg32[%dma_start3A_150] : memref<1280xi32, #tpu.memory_space<vmem>> -> memref<128xi32, #tpu.memory_space<vmem>>
      %dma_start3A_152 = arith.constant 640 : i32
      %dma_start3A_153 = tpu.memref_slice %arg27[%dma_start3A_152] : memref<1296xi32, #tpu.memory_space<vmem>> -> memref<128xi32, #tpu.memory_space<vmem>>
      %dma_start3A_154 = arith.constant 0 : i32
      %dma_start3A_155 = tpu.memref_slice %arg5[%dma_start3A_154] : memref<2000000xi32, #tpu.memory_space<hbm>> -> memref<2000000xi32, #tpu.memory_space<hbm>>
      tpu.enqueue_indirect_dma source(%dma_start3A_155 : memref<2000000xi32, #tpu.memory_space<hbm>>) target(%dma_start3A_151 : memref<128xi32, #tpu.memory_space<vmem>>) offsets(%dma_start3A_153 : memref<128xi32, #tpu.memory_space<vmem>>) semaphore(%arg47 : memref<!tpu.dma_semaphore, #tpu.memory_space<semaphore_mem>>)
      %dma_start3A_156 = arith.constant 768 : i32
      %dma_start3A_157 = tpu.memref_slice %arg32[%dma_start3A_156] : memref<1280xi32, #tpu.memory_space<vmem>> -> memref<128xi32, #tpu.memory_space<vmem>>
      %dma_start3A_158 = arith.constant 768 : i32
      %dma_start3A_159 = tpu.memref_slice %arg27[%dma_start3A_158] : memref<1296xi32, #tpu.memory_space<vmem>> -> memref<128xi32, #tpu.memory_space<vmem>>
      %dma_start3A_160 = arith.constant 0 : i32
      %dma_start3A_161 = tpu.memref_slice %arg5[%dma_start3A_160] : memref<2000000xi32, #tpu.memory_space<hbm>> -> memref<2000000xi32, #tpu.memory_space<hbm>>
      tpu.enqueue_indirect_dma source(%dma_start3A_161 : memref<2000000xi32, #tpu.memory_space<hbm>>) target(%dma_start3A_157 : memref<128xi32, #tpu.memory_space<vmem>>) offsets(%dma_start3A_159 : memref<128xi32, #tpu.memory_space<vmem>>) semaphore(%arg47 : memref<!tpu.dma_semaphore, #tpu.memory_space<semaphore_mem>>)
      %dma_start3A_162 = arith.constant 896 : i32
      %dma_start3A_163 = tpu.memref_slice %arg32[%dma_start3A_162] : memref<1280xi32, #tpu.memory_space<vmem>> -> memref<128xi32, #tpu.memory_space<vmem>>
      %dma_start3A_164 = arith.constant 896 : i32
      %dma_start3A_165 = tpu.memref_slice %arg27[%dma_start3A_164] : memref<1296xi32, #tpu.memory_space<vmem>> -> memref<128xi32, #tpu.memory_space<vmem>>
      %dma_start3A_166 = arith.constant 0 : i32
      %dma_start3A_167 = tpu.memref_slice %arg5[%dma_start3A_166] : memref<2000000xi32, #tpu.memory_space<hbm>> -> memref<2000000xi32, #tpu.memory_space<hbm>>
      tpu.enqueue_indirect_dma source(%dma_start3A_167 : memref<2000000xi32, #tpu.memory_space<hbm>>) target(%dma_start3A_163 : memref<128xi32, #tpu.memory_space<vmem>>) offsets(%dma_start3A_165 : memref<128xi32, #tpu.memory_space<vmem>>) semaphore(%arg47 : memref<!tpu.dma_semaphore, #tpu.memory_space<semaphore_mem>>)
      %dma_start3A_168 = arith.constant 1024 : i32
      %dma_start3A_169 = tpu.memref_slice %arg32[%dma_start3A_168] : memref<1280xi32, #tpu.memory_space<vmem>> -> memref<128xi32, #tpu.memory_space<vmem>>
      %dma_start3A_170 = arith.constant 1024 : i32
      %dma_start3A_171 = tpu.memref_slice %arg27[%dma_start3A_170] : memref<1296xi32, #tpu.memory_space<vmem>> -> memref<128xi32, #tpu.memory_space<vmem>>
      %dma_start3A_172 = arith.constant 0 : i32
      %dma_start3A_173 = tpu.memref_slice %arg5[%dma_start3A_172] : memref<2000000xi32, #tpu.memory_space<hbm>> -> memref<2000000xi32, #tpu.memory_space<hbm>>
      tpu.enqueue_indirect_dma source(%dma_start3A_173 : memref<2000000xi32, #tpu.memory_space<hbm>>) target(%dma_start3A_169 : memref<128xi32, #tpu.memory_space<vmem>>) offsets(%dma_start3A_171 : memref<128xi32, #tpu.memory_space<vmem>>) semaphore(%arg47 : memref<!tpu.dma_semaphore, #tpu.memory_space<semaphore_mem>>)
      %dma_start3A_174 = arith.constant 1152 : i32
      %dma_start3A_175 = tpu.memref_slice %arg32[%dma_start3A_174] : memref<1280xi32, #tpu.memory_space<vmem>> -> memref<128xi32, #tpu.memory_space<vmem>>
      %dma_start3A_176 = arith.constant 1152 : i32
      %dma_start3A_177 = tpu.memref_slice %arg27[%dma_start3A_176] : memref<1296xi32, #tpu.memory_space<vmem>> -> memref<128xi32, #tpu.memory_space<vmem>>
      %dma_start3A_178 = arith.constant 0 : i32
      %dma_start3A_179 = tpu.memref_slice %arg5[%dma_start3A_178] : memref<2000000xi32, #tpu.memory_space<hbm>> -> memref<2000000xi32, #tpu.memory_space<hbm>>
      tpu.enqueue_indirect_dma source(%dma_start3A_179 : memref<2000000xi32, #tpu.memory_space<hbm>>) target(%dma_start3A_175 : memref<128xi32, #tpu.memory_space<vmem>>) offsets(%dma_start3A_177 : memref<128xi32, #tpu.memory_space<vmem>>) semaphore(%arg47 : memref<!tpu.dma_semaphore, #tpu.memory_space<semaphore_mem>>)
      %dma_start3A_180 = arith.constant 0 : i32
      %dma_start3A_181 = tpu.memref_slice %arg33[%dma_start3A_180] : memref<640xi32, #tpu.memory_space<vmem>> -> memref<128xi32, #tpu.memory_space<vmem>>
      %dma_start3A_182 = arith.constant 0 : i32
      %dma_start3A_183 = tpu.memref_slice %arg28[%dma_start3A_182] : memref<656xi32, #tpu.memory_space<vmem>> -> memref<128xi32, #tpu.memory_space<vmem>>
      %dma_start3A_184 = arith.constant 0 : i32
      %dma_start3A_185 = tpu.memref_slice %arg7[%dma_start3A_184] : memref<1000000xi32, #tpu.memory_space<hbm>> -> memref<1000000xi32, #tpu.memory_space<hbm>>
      tpu.enqueue_indirect_dma source(%dma_start3A_185 : memref<1000000xi32, #tpu.memory_space<hbm>>) target(%dma_start3A_181 : memref<128xi32, #tpu.memory_space<vmem>>) offsets(%dma_start3A_183 : memref<128xi32, #tpu.memory_space<vmem>>) semaphore(%arg47 : memref<!tpu.dma_semaphore, #tpu.memory_space<semaphore_mem>>)
      %dma_start3A_186 = arith.constant 128 : i32
      %dma_start3A_187 = tpu.memref_slice %arg33[%dma_start3A_186] : memref<640xi32, #tpu.memory_space<vmem>> -> memref<128xi32, #tpu.memory_space<vmem>>
      %dma_start3A_188 = arith.constant 128 : i32
      %dma_start3A_189 = tpu.memref_slice %arg28[%dma_start3A_188] : memref<656xi32, #tpu.memory_space<vmem>> -> memref<128xi32, #tpu.memory_space<vmem>>
      %dma_start3A_190 = arith.constant 0 : i32
      %dma_start3A_191 = tpu.memref_slice %arg7[%dma_start3A_190] : memref<1000000xi32, #tpu.memory_space<hbm>> -> memref<1000000xi32, #tpu.memory_space<hbm>>
      tpu.enqueue_indirect_dma source(%dma_start3A_191 : memref<1000000xi32, #tpu.memory_space<hbm>>) target(%dma_start3A_187 : memref<128xi32, #tpu.memory_space<vmem>>) offsets(%dma_start3A_189 : memref<128xi32, #tpu.memory_space<vmem>>) semaphore(%arg47 : memref<!tpu.dma_semaphore, #tpu.memory_space<semaphore_mem>>)
      %dma_start3A_192 = arith.constant 256 : i32
      %dma_start3A_193 = tpu.memref_slice %arg33[%dma_start3A_192] : memref<640xi32, #tpu.memory_space<vmem>> -> memref<128xi32, #tpu.memory_space<vmem>>
      %dma_start3A_194 = arith.constant 256 : i32
      %dma_start3A_195 = tpu.memref_slice %arg28[%dma_start3A_194] : memref<656xi32, #tpu.memory_space<vmem>> -> memref<128xi32, #tpu.memory_space<vmem>>
      %dma_start3A_196 = arith.constant 0 : i32
      %dma_start3A_197 = tpu.memref_slice %arg7[%dma_start3A_196] : memref<1000000xi32, #tpu.memory_space<hbm>> -> memref<1000000xi32, #tpu.memory_space<hbm>>
      tpu.enqueue_indirect_dma source(%dma_start3A_197 : memref<1000000xi32, #tpu.memory_space<hbm>>) target(%dma_start3A_193 : memref<128xi32, #tpu.memory_space<vmem>>) offsets(%dma_start3A_195 : memref<128xi32, #tpu.memory_space<vmem>>) semaphore(%arg47 : memref<!tpu.dma_semaphore, #tpu.memory_space<semaphore_mem>>)
      %dma_start3A_198 = arith.constant 384 : i32
      %dma_start3A_199 = tpu.memref_slice %arg33[%dma_start3A_198] : memref<640xi32, #tpu.memory_space<vmem>> -> memref<128xi32, #tpu.memory_space<vmem>>
      %dma_start3A_200 = arith.constant 384 : i32
      %dma_start3A_201 = tpu.memref_slice %arg28[%dma_start3A_200] : memref<656xi32, #tpu.memory_space<vmem>> -> memref<128xi32, #tpu.memory_space<vmem>>
      %dma_start3A_202 = arith.constant 0 : i32
      %dma_start3A_203 = tpu.memref_slice %arg7[%dma_start3A_202] : memref<1000000xi32, #tpu.memory_space<hbm>> -> memref<1000000xi32, #tpu.memory_space<hbm>>
      tpu.enqueue_indirect_dma source(%dma_start3A_203 : memref<1000000xi32, #tpu.memory_space<hbm>>) target(%dma_start3A_199 : memref<128xi32, #tpu.memory_space<vmem>>) offsets(%dma_start3A_201 : memref<128xi32, #tpu.memory_space<vmem>>) semaphore(%arg47 : memref<!tpu.dma_semaphore, #tpu.memory_space<semaphore_mem>>)
      %dma_start3A_204 = arith.constant 512 : i32
      %dma_start3A_205 = tpu.memref_slice %arg33[%dma_start3A_204] : memref<640xi32, #tpu.memory_space<vmem>> -> memref<128xi32, #tpu.memory_space<vmem>>
      %dma_start3A_206 = arith.constant 512 : i32
      %dma_start3A_207 = tpu.memref_slice %arg28[%dma_start3A_206] : memref<656xi32, #tpu.memory_space<vmem>> -> memref<128xi32, #tpu.memory_space<vmem>>
      %dma_start3A_208 = arith.constant 0 : i32
      %dma_start3A_209 = tpu.memref_slice %arg7[%dma_start3A_208] : memref<1000000xi32, #tpu.memory_space<hbm>> -> memref<1000000xi32, #tpu.memory_space<hbm>>
      tpu.enqueue_indirect_dma source(%dma_start3A_209 : memref<1000000xi32, #tpu.memory_space<hbm>>) target(%dma_start3A_205 : memref<128xi32, #tpu.memory_space<vmem>>) offsets(%dma_start3A_207 : memref<128xi32, #tpu.memory_space<vmem>>) semaphore(%arg47 : memref<!tpu.dma_semaphore, #tpu.memory_space<semaphore_mem>>)
      %dma_start3A_210 = arith.constant 0 : i32
      %dma_start3A_211 = tpu.memref_slice %arg34[%dma_start3A_210] : memref<320xi32, #tpu.memory_space<vmem>> -> memref<128xi32, #tpu.memory_space<vmem>>
      %dma_start3A_212 = arith.constant 0 : i32
      %dma_start3A_213 = tpu.memref_slice %arg29[%dma_start3A_212] : memref<336xi32, #tpu.memory_space<vmem>> -> memref<128xi32, #tpu.memory_space<vmem>>
      %dma_start3A_214 = arith.constant 0 : i32
      %dma_start3A_215 = tpu.memref_slice %arg8[%dma_start3A_214] : memref<500000xi32, #tpu.memory_space<hbm>> -> memref<500000xi32, #tpu.memory_space<hbm>>
      tpu.enqueue_indirect_dma source(%dma_start3A_215 : memref<500000xi32, #tpu.memory_space<hbm>>) target(%dma_start3A_211 : memref<128xi32, #tpu.memory_space<vmem>>) offsets(%dma_start3A_213 : memref<128xi32, #tpu.memory_space<vmem>>) semaphore(%arg47 : memref<!tpu.dma_semaphore, #tpu.memory_space<semaphore_mem>>)
      %dma_start3A_216 = arith.constant 128 : i32
      %dma_start3A_217 = tpu.memref_slice %arg34[%dma_start3A_216] : memref<320xi32, #tpu.memory_space<vmem>> -> memref<128xi32, #tpu.memory_space<vmem>>
      %dma_start3A_218 = arith.constant 128 : i32
      %dma_start3A_219 = tpu.memref_slice %arg29[%dma_start3A_218] : memref<336xi32, #tpu.memory_space<vmem>> -> memref<128xi32, #tpu.memory_space<vmem>>
      %dma_start3A_220 = arith.constant 0 : i32
      %dma_start3A_221 = tpu.memref_slice %arg8[%dma_start3A_220] : memref<500000xi32, #tpu.memory_space<hbm>> -> memref<500000xi32, #tpu.memory_space<hbm>>
      tpu.enqueue_indirect_dma source(%dma_start3A_221 : memref<500000xi32, #tpu.memory_space<hbm>>) target(%dma_start3A_217 : memref<128xi32, #tpu.memory_space<vmem>>) offsets(%dma_start3A_219 : memref<128xi32, #tpu.memory_space<vmem>>) semaphore(%arg47 : memref<!tpu.dma_semaphore, #tpu.memory_space<semaphore_mem>>)
      %dma_start3A_222 = arith.constant 256 : i32
      %dma_start3A_223 = tpu.memref_slice %arg34[%dma_start3A_222] : memref<320xi32, #tpu.memory_space<vmem>> -> memref<64xi32, #tpu.memory_space<vmem>>
      %dma_start3A_224 = arith.constant 256 : i32
      %dma_start3A_225 = tpu.memref_slice %arg29[%dma_start3A_224] : memref<336xi32, #tpu.memory_space<vmem>> -> memref<64xi32, #tpu.memory_space<vmem>>
      %dma_start3A_226 = arith.constant 0 : i32
      %dma_start3A_227 = tpu.memref_slice %arg8[%dma_start3A_226] : memref<500000xi32, #tpu.memory_space<hbm>> -> memref<500000xi32, #tpu.memory_space<hbm>>
      tpu.enqueue_indirect_dma source(%dma_start3A_227 : memref<500000xi32, #tpu.memory_space<hbm>>) target(%dma_start3A_223 : memref<64xi32, #tpu.memory_space<vmem>>) offsets(%dma_start3A_225 : memref<64xi32, #tpu.memory_space<vmem>>) semaphore(%arg47 : memref<!tpu.dma_semaphore, #tpu.memory_space<semaphore_mem>>)
      %dma_start3A_228 = arith.constant 0 : i32
      %dma_start3A_229 = tpu.memref_slice %arg35[%dma_start3A_228] : memref<320xi32, #tpu.memory_space<vmem>> -> memref<128xi32, #tpu.memory_space<vmem>>
      %dma_start3A_230 = arith.constant 0 : i32
      %dma_start3A_231 = tpu.memref_slice %arg30[%dma_start3A_230] : memref<336xi32, #tpu.memory_space<vmem>> -> memref<128xi32, #tpu.memory_space<vmem>>
      %dma_start3A_232 = arith.constant 0 : i32
      %dma_start3A_233 = tpu.memref_slice %arg9[%dma_start3A_232] : memref<500000xi32, #tpu.memory_space<hbm>> -> memref<500000xi32, #tpu.memory_space<hbm>>
      tpu.enqueue_indirect_dma source(%dma_start3A_233 : memref<500000xi32, #tpu.memory_space<hbm>>) target(%dma_start3A_229 : memref<128xi32, #tpu.memory_space<vmem>>) offsets(%dma_start3A_231 : memref<128xi32, #tpu.memory_space<vmem>>) semaphore(%arg47 : memref<!tpu.dma_semaphore, #tpu.memory_space<semaphore_mem>>)
      %dma_start3A_234 = arith.constant 128 : i32
      %dma_start3A_235 = tpu.memref_slice %arg35[%dma_start3A_234] : memref<320xi32, #tpu.memory_space<vmem>> -> memref<128xi32, #tpu.memory_space<vmem>>
      %dma_start3A_236 = arith.constant 128 : i32
      %dma_start3A_237 = tpu.memref_slice %arg30[%dma_start3A_236] : memref<336xi32, #tpu.memory_space<vmem>> -> memref<128xi32, #tpu.memory_space<vmem>>
      %dma_start3A_238 = arith.constant 0 : i32
      %dma_start3A_239 = tpu.memref_slice %arg9[%dma_start3A_238] : memref<500000xi32, #tpu.memory_space<hbm>> -> memref<500000xi32, #tpu.memory_space<hbm>>
      tpu.enqueue_indirect_dma source(%dma_start3A_239 : memref<500000xi32, #tpu.memory_space<hbm>>) target(%dma_start3A_235 : memref<128xi32, #tpu.memory_space<vmem>>) offsets(%dma_start3A_237 : memref<128xi32, #tpu.memory_space<vmem>>) semaphore(%arg47 : memref<!tpu.dma_semaphore, #tpu.memory_space<semaphore_mem>>)
      %dma_start3A_240 = arith.constant 256 : i32
      %dma_start3A_241 = tpu.memref_slice %arg35[%dma_start3A_240] : memref<320xi32, #tpu.memory_space<vmem>> -> memref<64xi32, #tpu.memory_space<vmem>>
      %dma_start3A_242 = arith.constant 256 : i32
      %dma_start3A_243 = tpu.memref_slice %arg30[%dma_start3A_242] : memref<336xi32, #tpu.memory_space<vmem>> -> memref<64xi32, #tpu.memory_space<vmem>>
      %dma_start3A_244 = arith.constant 0 : i32
      %dma_start3A_245 = tpu.memref_slice %arg9[%dma_start3A_244] : memref<500000xi32, #tpu.memory_space<hbm>> -> memref<500000xi32, #tpu.memory_space<hbm>>
      tpu.enqueue_indirect_dma source(%dma_start3A_245 : memref<500000xi32, #tpu.memory_space<hbm>>) target(%dma_start3A_241 : memref<64xi32, #tpu.memory_space<vmem>>) offsets(%dma_start3A_243 : memref<64xi32, #tpu.memory_space<vmem>>) semaphore(%arg47 : memref<!tpu.dma_semaphore, #tpu.memory_space<semaphore_mem>>)
      %dma_start3A_246 = arith.constant 0 : i32
      %dma_start3A_247 = tpu.memref_slice %arg36[%dma_start3A_246] : memref<192xi32, #tpu.memory_space<vmem>> -> memref<128xi32, #tpu.memory_space<vmem>>
      %dma_start3A_248 = arith.constant 0 : i32
      %dma_start3A_249 = tpu.memref_slice %arg31[%dma_start3A_248] : memref<208xi32, #tpu.memory_space<vmem>> -> memref<128xi32, #tpu.memory_space<vmem>>
      %dma_start3A_250 = arith.constant 0 : i32
      %dma_start3A_251 = tpu.memref_slice %arg10[%dma_start3A_250] : memref<300000xi32, #tpu.memory_space<hbm>> -> memref<300000xi32, #tpu.memory_space<hbm>>
      tpu.enqueue_indirect_dma source(%dma_start3A_251 : memref<300000xi32, #tpu.memory_space<hbm>>) target(%dma_start3A_247 : memref<128xi32, #tpu.memory_space<vmem>>) offsets(%dma_start3A_249 : memref<128xi32, #tpu.memory_space<vmem>>) semaphore(%arg47 : memref<!tpu.dma_semaphore, #tpu.memory_space<semaphore_mem>>)
      %dma_start3A_252 = arith.constant 128 : i32
      %dma_start3A_253 = tpu.memref_slice %arg36[%dma_start3A_252] : memref<192xi32, #tpu.memory_space<vmem>> -> memref<64xi32, #tpu.memory_space<vmem>>
      %dma_start3A_254 = arith.constant 128 : i32
      %dma_start3A_255 = tpu.memref_slice %arg31[%dma_start3A_254] : memref<208xi32, #tpu.memory_space<vmem>> -> memref<64xi32, #tpu.memory_space<vmem>>
      %dma_start3A_256 = arith.constant 0 : i32
      %dma_start3A_257 = tpu.memref_slice %arg10[%dma_start3A_256] : memref<300000xi32, #tpu.memory_space<hbm>> -> memref<300000xi32, #tpu.memory_space<hbm>>
      tpu.enqueue_indirect_dma source(%dma_start3A_257 : memref<300000xi32, #tpu.memory_space<hbm>>) target(%dma_start3A_253 : memref<64xi32, #tpu.memory_space<vmem>>) offsets(%dma_start3A_255 : memref<64xi32, #tpu.memory_space<vmem>>) semaphore(%arg47 : memref<!tpu.dma_semaphore, #tpu.memory_space<semaphore_mem>>)
      %dma_wait3A = arith.constant 0 : i32
      %dma_wait3A_258 = arith.constant 0 : i32
      %dma_wait3A_259 = tpu.memref_slice %arg12[%dma_wait3A, %dma_wait3A_258] : memref<250000x400xf32, #tpu.memory_space<hbm>> -> memref<250000x400xf32, #tpu.memory_space<hbm>>
      tpu.wait_indirect_dma semaphore(%arg47 : memref<!tpu.dma_semaphore, #tpu.memory_space<semaphore_mem>>) src(%dma_wait3A_259 : memref<250000x400xf32, #tpu.memory_space<hbm>>) dst(%arg37 : memref<64x400xf32, #tpu.memory_space<vmem>>)
      %dma_wait3A_260 = arith.constant 0 : i32
      %dma_wait3A_261 = tpu.memref_slice %arg24[%dma_wait3A_260] : memref<80xi32, #tpu.memory_space<vmem>> -> memref<64xi32, #tpu.memory_space<vmem>>
      %dma_wait3A_262 = arith.constant 0 : i32
      %dma_wait3A_263 = tpu.memref_slice %arg4[%dma_wait3A_262] : memref<100000xi32, #tpu.memory_space<hbm>> -> memref<100000xi32, #tpu.memory_space<hbm>>
      tpu.wait_indirect_dma semaphore(%arg47 : memref<!tpu.dma_semaphore, #tpu.memory_space<semaphore_mem>>) src(%dma_wait3A_263 : memref<100000xi32, #tpu.memory_space<hbm>>) dst(%arg25 : memref<64xi32, #tpu.memory_space<vmem>>)
      %dma_wait3A_264 = arith.constant 0 : i32
      %dma_wait3A_265 = tpu.memref_slice %arg24[%dma_wait3A_264] : memref<80xi32, #tpu.memory_space<vmem>> -> memref<64xi32, #tpu.memory_space<vmem>>
      %dma_wait3A_266 = arith.constant 0 : i32
      %dma_wait3A_267 = tpu.memref_slice %arg6[%dma_wait3A_266] : memref<100000xi32, #tpu.memory_space<hbm>> -> memref<100000xi32, #tpu.memory_space<hbm>>
      tpu.wait_indirect_dma semaphore(%arg47 : memref<!tpu.dma_semaphore, #tpu.memory_space<semaphore_mem>>) src(%dma_wait3A_267 : memref<100000xi32, #tpu.memory_space<hbm>>) dst(%arg26 : memref<64xi32, #tpu.memory_space<vmem>>)
      %dma_wait3A_268 = arith.constant 0 : i32
      %dma_wait3A_269 = tpu.memref_slice %arg24[%dma_wait3A_268] : memref<80xi32, #tpu.memory_space<vmem>> -> memref<64xi32, #tpu.memory_space<vmem>>
      %dma_wait3A_270 = arith.constant 0 : i32
      %dma_wait3A_271 = arith.constant 0 : i32
      %dma_wait3A_272 = tpu.memref_slice %arg11[%dma_wait3A_270, %dma_wait3A_271] : memref<100000x16xf32, #tpu.memory_space<hbm>> -> memref<100000x16xf32, #tpu.memory_space<hbm>>
      tpu.wait_indirect_dma semaphore(%arg47 : memref<!tpu.dma_semaphore, #tpu.memory_space<semaphore_mem>>) src(%dma_wait3A_272 : memref<100000x16xf32, #tpu.memory_space<hbm>>) dst(%arg45 : memref<64x16xf32, #tpu.memory_space<vmem>>)
      %dma_wait3A_273 = arith.constant 0 : i32
      %dma_wait3A_274 = tpu.memref_slice %arg32[%dma_wait3A_273] : memref<1280xi32, #tpu.memory_space<vmem>> -> memref<128xi32, #tpu.memory_space<vmem>>
      %dma_wait3A_275 = arith.constant 0 : i32
      %dma_wait3A_276 = tpu.memref_slice %arg27[%dma_wait3A_275] : memref<1296xi32, #tpu.memory_space<vmem>> -> memref<128xi32, #tpu.memory_space<vmem>>
      %dma_wait3A_277 = arith.constant 0 : i32
      %dma_wait3A_278 = tpu.memref_slice %arg5[%dma_wait3A_277] : memref<2000000xi32, #tpu.memory_space<hbm>> -> memref<2000000xi32, #tpu.memory_space<hbm>>
      tpu.wait_indirect_dma semaphore(%arg47 : memref<!tpu.dma_semaphore, #tpu.memory_space<semaphore_mem>>) src(%dma_wait3A_278 : memref<2000000xi32, #tpu.memory_space<hbm>>) dst(%dma_wait3A_274 : memref<128xi32, #tpu.memory_space<vmem>>)
      %dma_wait3A_279 = arith.constant 128 : i32
      %dma_wait3A_280 = tpu.memref_slice %arg32[%dma_wait3A_279] : memref<1280xi32, #tpu.memory_space<vmem>> -> memref<128xi32, #tpu.memory_space<vmem>>
      %dma_wait3A_281 = arith.constant 128 : i32
      %dma_wait3A_282 = tpu.memref_slice %arg27[%dma_wait3A_281] : memref<1296xi32, #tpu.memory_space<vmem>> -> memref<128xi32, #tpu.memory_space<vmem>>
      %dma_wait3A_283 = arith.constant 0 : i32
      %dma_wait3A_284 = tpu.memref_slice %arg5[%dma_wait3A_283] : memref<2000000xi32, #tpu.memory_space<hbm>> -> memref<2000000xi32, #tpu.memory_space<hbm>>
      tpu.wait_indirect_dma semaphore(%arg47 : memref<!tpu.dma_semaphore, #tpu.memory_space<semaphore_mem>>) src(%dma_wait3A_284 : memref<2000000xi32, #tpu.memory_space<hbm>>) dst(%dma_wait3A_280 : memref<128xi32, #tpu.memory_space<vmem>>)
      %dma_wait3A_285 = arith.constant 256 : i32
      %dma_wait3A_286 = tpu.memref_slice %arg32[%dma_wait3A_285] : memref<1280xi32, #tpu.memory_space<vmem>> -> memref<128xi32, #tpu.memory_space<vmem>>
      %dma_wait3A_287 = arith.constant 256 : i32
      %dma_wait3A_288 = tpu.memref_slice %arg27[%dma_wait3A_287] : memref<1296xi32, #tpu.memory_space<vmem>> -> memref<128xi32, #tpu.memory_space<vmem>>
      %dma_wait3A_289 = arith.constant 0 : i32
      %dma_wait3A_290 = tpu.memref_slice %arg5[%dma_wait3A_289] : memref<2000000xi32, #tpu.memory_space<hbm>> -> memref<2000000xi32, #tpu.memory_space<hbm>>
      tpu.wait_indirect_dma semaphore(%arg47 : memref<!tpu.dma_semaphore, #tpu.memory_space<semaphore_mem>>) src(%dma_wait3A_290 : memref<2000000xi32, #tpu.memory_space<hbm>>) dst(%dma_wait3A_286 : memref<128xi32, #tpu.memory_space<vmem>>)
      %dma_wait3A_291 = arith.constant 384 : i32
      %dma_wait3A_292 = tpu.memref_slice %arg32[%dma_wait3A_291] : memref<1280xi32, #tpu.memory_space<vmem>> -> memref<128xi32, #tpu.memory_space<vmem>>
      %dma_wait3A_293 = arith.constant 384 : i32
      %dma_wait3A_294 = tpu.memref_slice %arg27[%dma_wait3A_293] : memref<1296xi32, #tpu.memory_space<vmem>> -> memref<128xi32, #tpu.memory_space<vmem>>
      %dma_wait3A_295 = arith.constant 0 : i32
      %dma_wait3A_296 = tpu.memref_slice %arg5[%dma_wait3A_295] : memref<2000000xi32, #tpu.memory_space<hbm>> -> memref<2000000xi32, #tpu.memory_space<hbm>>
      tpu.wait_indirect_dma semaphore(%arg47 : memref<!tpu.dma_semaphore, #tpu.memory_space<semaphore_mem>>) src(%dma_wait3A_296 : memref<2000000xi32, #tpu.memory_space<hbm>>) dst(%dma_wait3A_292 : memref<128xi32, #tpu.memory_space<vmem>>)
      %dma_wait3A_297 = arith.constant 512 : i32
      %dma_wait3A_298 = tpu.memref_slice %arg32[%dma_wait3A_297] : memref<1280xi32, #tpu.memory_space<vmem>> -> memref<128xi32, #tpu.memory_space<vmem>>
      %dma_wait3A_299 = arith.constant 512 : i32
      %dma_wait3A_300 = tpu.memref_slice %arg27[%dma_wait3A_299] : memref<1296xi32, #tpu.memory_space<vmem>> -> memref<128xi32, #tpu.memory_space<vmem>>
      %dma_wait3A_301 = arith.constant 0 : i32
      %dma_wait3A_302 = tpu.memref_slice %arg5[%dma_wait3A_301] : memref<2000000xi32, #tpu.memory_space<hbm>> -> memref<2000000xi32, #tpu.memory_space<hbm>>
      tpu.wait_indirect_dma semaphore(%arg47 : memref<!tpu.dma_semaphore, #tpu.memory_space<semaphore_mem>>) src(%dma_wait3A_302 : memref<2000000xi32, #tpu.memory_space<hbm>>) dst(%dma_wait3A_298 : memref<128xi32, #tpu.memory_space<vmem>>)
      %dma_wait3A_303 = arith.constant 640 : i32
      %dma_wait3A_304 = tpu.memref_slice %arg32[%dma_wait3A_303] : memref<1280xi32, #tpu.memory_space<vmem>> -> memref<128xi32, #tpu.memory_space<vmem>>
      %dma_wait3A_305 = arith.constant 640 : i32
      %dma_wait3A_306 = tpu.memref_slice %arg27[%dma_wait3A_305] : memref<1296xi32, #tpu.memory_space<vmem>> -> memref<128xi32, #tpu.memory_space<vmem>>
      %dma_wait3A_307 = arith.constant 0 : i32
      %dma_wait3A_308 = tpu.memref_slice %arg5[%dma_wait3A_307] : memref<2000000xi32, #tpu.memory_space<hbm>> -> memref<2000000xi32, #tpu.memory_space<hbm>>
      tpu.wait_indirect_dma semaphore(%arg47 : memref<!tpu.dma_semaphore, #tpu.memory_space<semaphore_mem>>) src(%dma_wait3A_308 : memref<2000000xi32, #tpu.memory_space<hbm>>) dst(%dma_wait3A_304 : memref<128xi32, #tpu.memory_space<vmem>>)
      %dma_wait3A_309 = arith.constant 768 : i32
      %dma_wait3A_310 = tpu.memref_slice %arg32[%dma_wait3A_309] : memref<1280xi32, #tpu.memory_space<vmem>> -> memref<128xi32, #tpu.memory_space<vmem>>
      %dma_wait3A_311 = arith.constant 768 : i32
      %dma_wait3A_312 = tpu.memref_slice %arg27[%dma_wait3A_311] : memref<1296xi32, #tpu.memory_space<vmem>> -> memref<128xi32, #tpu.memory_space<vmem>>
      %dma_wait3A_313 = arith.constant 0 : i32
      %dma_wait3A_314 = tpu.memref_slice %arg5[%dma_wait3A_313] : memref<2000000xi32, #tpu.memory_space<hbm>> -> memref<2000000xi32, #tpu.memory_space<hbm>>
      tpu.wait_indirect_dma semaphore(%arg47 : memref<!tpu.dma_semaphore, #tpu.memory_space<semaphore_mem>>) src(%dma_wait3A_314 : memref<2000000xi32, #tpu.memory_space<hbm>>) dst(%dma_wait3A_310 : memref<128xi32, #tpu.memory_space<vmem>>)
      %dma_wait3A_315 = arith.constant 896 : i32
      %dma_wait3A_316 = tpu.memref_slice %arg32[%dma_wait3A_315] : memref<1280xi32, #tpu.memory_space<vmem>> -> memref<128xi32, #tpu.memory_space<vmem>>
      %dma_wait3A_317 = arith.constant 896 : i32
      %dma_wait3A_318 = tpu.memref_slice %arg27[%dma_wait3A_317] : memref<1296xi32, #tpu.memory_space<vmem>> -> memref<128xi32, #tpu.memory_space<vmem>>
      %dma_wait3A_319 = arith.constant 0 : i32
      %dma_wait3A_320 = tpu.memref_slice %arg5[%dma_wait3A_319] : memref<2000000xi32, #tpu.memory_space<hbm>> -> memref<2000000xi32, #tpu.memory_space<hbm>>
      tpu.wait_indirect_dma semaphore(%arg47 : memref<!tpu.dma_semaphore, #tpu.memory_space<semaphore_mem>>) src(%dma_wait3A_320 : memref<2000000xi32, #tpu.memory_space<hbm>>) dst(%dma_wait3A_316 : memref<128xi32, #tpu.memory_space<vmem>>)
      %dma_wait3A_321 = arith.constant 1024 : i32
      %dma_wait3A_322 = tpu.memref_slice %arg32[%dma_wait3A_321] : memref<1280xi32, #tpu.memory_space<vmem>> -> memref<128xi32, #tpu.memory_space<vmem>>
      %dma_wait3A_323 = arith.constant 1024 : i32
      %dma_wait3A_324 = tpu.memref_slice %arg27[%dma_wait3A_323] : memref<1296xi32, #tpu.memory_space<vmem>> -> memref<128xi32, #tpu.memory_space<vmem>>
      %dma_wait3A_325 = arith.constant 0 : i32
      %dma_wait3A_326 = tpu.memref_slice %arg5[%dma_wait3A_325] : memref<2000000xi32, #tpu.memory_space<hbm>> -> memref<2000000xi32, #tpu.memory_space<hbm>>
      tpu.wait_indirect_dma semaphore(%arg47 : memref<!tpu.dma_semaphore, #tpu.memory_space<semaphore_mem>>) src(%dma_wait3A_326 : memref<2000000xi32, #tpu.memory_space<hbm>>) dst(%dma_wait3A_322 : memref<128xi32, #tpu.memory_space<vmem>>)
      %dma_wait3A_327 = arith.constant 1152 : i32
      %dma_wait3A_328 = tpu.memref_slice %arg32[%dma_wait3A_327] : memref<1280xi32, #tpu.memory_space<vmem>> -> memref<128xi32, #tpu.memory_space<vmem>>
      %dma_wait3A_329 = arith.constant 1152 : i32
      %dma_wait3A_330 = tpu.memref_slice %arg27[%dma_wait3A_329] : memref<1296xi32, #tpu.memory_space<vmem>> -> memref<128xi32, #tpu.memory_space<vmem>>
      %dma_wait3A_331 = arith.constant 0 : i32
      %dma_wait3A_332 = tpu.memref_slice %arg5[%dma_wait3A_331] : memref<2000000xi32, #tpu.memory_space<hbm>> -> memref<2000000xi32, #tpu.memory_space<hbm>>
      tpu.wait_indirect_dma semaphore(%arg47 : memref<!tpu.dma_semaphore, #tpu.memory_space<semaphore_mem>>) src(%dma_wait3A_332 : memref<2000000xi32, #tpu.memory_space<hbm>>) dst(%dma_wait3A_328 : memref<128xi32, #tpu.memory_space<vmem>>)
      %dma_wait3A_333 = arith.constant 0 : i32
      %dma_wait3A_334 = tpu.memref_slice %arg33[%dma_wait3A_333] : memref<640xi32, #tpu.memory_space<vmem>> -> memref<128xi32, #tpu.memory_space<vmem>>
      %dma_wait3A_335 = arith.constant 0 : i32
      %dma_wait3A_336 = tpu.memref_slice %arg28[%dma_wait3A_335] : memref<656xi32, #tpu.memory_space<vmem>> -> memref<128xi32, #tpu.memory_space<vmem>>
      %dma_wait3A_337 = arith.constant 0 : i32
      %dma_wait3A_338 = tpu.memref_slice %arg7[%dma_wait3A_337] : memref<1000000xi32, #tpu.memory_space<hbm>> -> memref<1000000xi32, #tpu.memory_space<hbm>>
      tpu.wait_indirect_dma semaphore(%arg47 : memref<!tpu.dma_semaphore, #tpu.memory_space<semaphore_mem>>) src(%dma_wait3A_338 : memref<1000000xi32, #tpu.memory_space<hbm>>) dst(%dma_wait3A_334 : memref<128xi32, #tpu.memory_space<vmem>>)
      %dma_wait3A_339 = arith.constant 128 : i32
      %dma_wait3A_340 = tpu.memref_slice %arg33[%dma_wait3A_339] : memref<640xi32, #tpu.memory_space<vmem>> -> memref<128xi32, #tpu.memory_space<vmem>>
      %dma_wait3A_341 = arith.constant 128 : i32
      %dma_wait3A_342 = tpu.memref_slice %arg28[%dma_wait3A_341] : memref<656xi32, #tpu.memory_space<vmem>> -> memref<128xi32, #tpu.memory_space<vmem>>
      %dma_wait3A_343 = arith.constant 0 : i32
      %dma_wait3A_344 = tpu.memref_slice %arg7[%dma_wait3A_343] : memref<1000000xi32, #tpu.memory_space<hbm>> -> memref<1000000xi32, #tpu.memory_space<hbm>>
      tpu.wait_indirect_dma semaphore(%arg47 : memref<!tpu.dma_semaphore, #tpu.memory_space<semaphore_mem>>) src(%dma_wait3A_344 : memref<1000000xi32, #tpu.memory_space<hbm>>) dst(%dma_wait3A_340 : memref<128xi32, #tpu.memory_space<vmem>>)
      %dma_wait3A_345 = arith.constant 256 : i32
      %dma_wait3A_346 = tpu.memref_slice %arg33[%dma_wait3A_345] : memref<640xi32, #tpu.memory_space<vmem>> -> memref<128xi32, #tpu.memory_space<vmem>>
      %dma_wait3A_347 = arith.constant 256 : i32
      %dma_wait3A_348 = tpu.memref_slice %arg28[%dma_wait3A_347] : memref<656xi32, #tpu.memory_space<vmem>> -> memref<128xi32, #tpu.memory_space<vmem>>
      %dma_wait3A_349 = arith.constant 0 : i32
      %dma_wait3A_350 = tpu.memref_slice %arg7[%dma_wait3A_349] : memref<1000000xi32, #tpu.memory_space<hbm>> -> memref<1000000xi32, #tpu.memory_space<hbm>>
      tpu.wait_indirect_dma semaphore(%arg47 : memref<!tpu.dma_semaphore, #tpu.memory_space<semaphore_mem>>) src(%dma_wait3A_350 : memref<1000000xi32, #tpu.memory_space<hbm>>) dst(%dma_wait3A_346 : memref<128xi32, #tpu.memory_space<vmem>>)
      %dma_wait3A_351 = arith.constant 384 : i32
      %dma_wait3A_352 = tpu.memref_slice %arg33[%dma_wait3A_351] : memref<640xi32, #tpu.memory_space<vmem>> -> memref<128xi32, #tpu.memory_space<vmem>>
      %dma_wait3A_353 = arith.constant 384 : i32
      %dma_wait3A_354 = tpu.memref_slice %arg28[%dma_wait3A_353] : memref<656xi32, #tpu.memory_space<vmem>> -> memref<128xi32, #tpu.memory_space<vmem>>
      %dma_wait3A_355 = arith.constant 0 : i32
      %dma_wait3A_356 = tpu.memref_slice %arg7[%dma_wait3A_355] : memref<1000000xi32, #tpu.memory_space<hbm>> -> memref<1000000xi32, #tpu.memory_space<hbm>>
      tpu.wait_indirect_dma semaphore(%arg47 : memref<!tpu.dma_semaphore, #tpu.memory_space<semaphore_mem>>) src(%dma_wait3A_356 : memref<1000000xi32, #tpu.memory_space<hbm>>) dst(%dma_wait3A_352 : memref<128xi32, #tpu.memory_space<vmem>>)
      %dma_wait3A_357 = arith.constant 512 : i32
      %dma_wait3A_358 = tpu.memref_slice %arg33[%dma_wait3A_357] : memref<640xi32, #tpu.memory_space<vmem>> -> memref<128xi32, #tpu.memory_space<vmem>>
      %dma_wait3A_359 = arith.constant 512 : i32
      %dma_wait3A_360 = tpu.memref_slice %arg28[%dma_wait3A_359] : memref<656xi32, #tpu.memory_space<vmem>> -> memref<128xi32, #tpu.memory_space<vmem>>
      %dma_wait3A_361 = arith.constant 0 : i32
      %dma_wait3A_362 = tpu.memref_slice %arg7[%dma_wait3A_361] : memref<1000000xi32, #tpu.memory_space<hbm>> -> memref<1000000xi32, #tpu.memory_space<hbm>>
      tpu.wait_indirect_dma semaphore(%arg47 : memref<!tpu.dma_semaphore, #tpu.memory_space<semaphore_mem>>) src(%dma_wait3A_362 : memref<1000000xi32, #tpu.memory_space<hbm>>) dst(%dma_wait3A_358 : memref<128xi32, #tpu.memory_space<vmem>>)
      %dma_wait3A_363 = arith.constant 0 : i32
      %dma_wait3A_364 = tpu.memref_slice %arg34[%dma_wait3A_363] : memref<320xi32, #tpu.memory_space<vmem>> -> memref<128xi32, #tpu.memory_space<vmem>>
      %dma_wait3A_365 = arith.constant 0 : i32
      %dma_wait3A_366 = tpu.memref_slice %arg29[%dma_wait3A_365] : memref<336xi32, #tpu.memory_space<vmem>> -> memref<128xi32, #tpu.memory_space<vmem>>
      %dma_wait3A_367 = arith.constant 0 : i32
      %dma_wait3A_368 = tpu.memref_slice %arg8[%dma_wait3A_367] : memref<500000xi32, #tpu.memory_space<hbm>> -> memref<500000xi32, #tpu.memory_space<hbm>>
      tpu.wait_indirect_dma semaphore(%arg47 : memref<!tpu.dma_semaphore, #tpu.memory_space<semaphore_mem>>) src(%dma_wait3A_368 : memref<500000xi32, #tpu.memory_space<hbm>>) dst(%dma_wait3A_364 : memref<128xi32, #tpu.memory_space<vmem>>)
      %dma_wait3A_369 = arith.constant 128 : i32
      %dma_wait3A_370 = tpu.memref_slice %arg34[%dma_wait3A_369] : memref<320xi32, #tpu.memory_space<vmem>> -> memref<128xi32, #tpu.memory_space<vmem>>
      %dma_wait3A_371 = arith.constant 128 : i32
      %dma_wait3A_372 = tpu.memref_slice %arg29[%dma_wait3A_371] : memref<336xi32, #tpu.memory_space<vmem>> -> memref<128xi32, #tpu.memory_space<vmem>>
      %dma_wait3A_373 = arith.constant 0 : i32
      %dma_wait3A_374 = tpu.memref_slice %arg8[%dma_wait3A_373] : memref<500000xi32, #tpu.memory_space<hbm>> -> memref<500000xi32, #tpu.memory_space<hbm>>
      tpu.wait_indirect_dma semaphore(%arg47 : memref<!tpu.dma_semaphore, #tpu.memory_space<semaphore_mem>>) src(%dma_wait3A_374 : memref<500000xi32, #tpu.memory_space<hbm>>) dst(%dma_wait3A_370 : memref<128xi32, #tpu.memory_space<vmem>>)
      %dma_wait3A_375 = arith.constant 256 : i32
      %dma_wait3A_376 = tpu.memref_slice %arg34[%dma_wait3A_375] : memref<320xi32, #tpu.memory_space<vmem>> -> memref<64xi32, #tpu.memory_space<vmem>>
      %dma_wait3A_377 = arith.constant 256 : i32
      %dma_wait3A_378 = tpu.memref_slice %arg29[%dma_wait3A_377] : memref<336xi32, #tpu.memory_space<vmem>> -> memref<64xi32, #tpu.memory_space<vmem>>
      %dma_wait3A_379 = arith.constant 0 : i32
      %dma_wait3A_380 = tpu.memref_slice %arg8[%dma_wait3A_379] : memref<500000xi32, #tpu.memory_space<hbm>> -> memref<500000xi32, #tpu.memory_space<hbm>>
      tpu.wait_indirect_dma semaphore(%arg47 : memref<!tpu.dma_semaphore, #tpu.memory_space<semaphore_mem>>) src(%dma_wait3A_380 : memref<500000xi32, #tpu.memory_space<hbm>>) dst(%dma_wait3A_376 : memref<64xi32, #tpu.memory_space<vmem>>)
      %dma_wait3A_381 = arith.constant 0 : i32
      %dma_wait3A_382 = tpu.memref_slice %arg35[%dma_wait3A_381] : memref<320xi32, #tpu.memory_space<vmem>> -> memref<128xi32, #tpu.memory_space<vmem>>
      %dma_wait3A_383 = arith.constant 0 : i32
      %dma_wait3A_384 = tpu.memref_slice %arg30[%dma_wait3A_383] : memref<336xi32, #tpu.memory_space<vmem>> -> memref<128xi32, #tpu.memory_space<vmem>>
      %dma_wait3A_385 = arith.constant 0 : i32
      %dma_wait3A_386 = tpu.memref_slice %arg9[%dma_wait3A_385] : memref<500000xi32, #tpu.memory_space<hbm>> -> memref<500000xi32, #tpu.memory_space<hbm>>
      tpu.wait_indirect_dma semaphore(%arg47 : memref<!tpu.dma_semaphore, #tpu.memory_space<semaphore_mem>>) src(%dma_wait3A_386 : memref<500000xi32, #tpu.memory_space<hbm>>) dst(%dma_wait3A_382 : memref<128xi32, #tpu.memory_space<vmem>>)
      %dma_wait3A_387 = arith.constant 128 : i32
      %dma_wait3A_388 = tpu.memref_slice %arg35[%dma_wait3A_387] : memref<320xi32, #tpu.memory_space<vmem>> -> memref<128xi32, #tpu.memory_space<vmem>>
      %dma_wait3A_389 = arith.constant 128 : i32
      %dma_wait3A_390 = tpu.memref_slice %arg30[%dma_wait3A_389] : memref<336xi32, #tpu.memory_space<vmem>> -> memref<128xi32, #tpu.memory_space<vmem>>
      %dma_wait3A_391 = arith.constant 0 : i32
      %dma_wait3A_392 = tpu.memref_slice %arg9[%dma_wait3A_391] : memref<500000xi32, #tpu.memory_space<hbm>> -> memref<500000xi32, #tpu.memory_space<hbm>>
      tpu.wait_indirect_dma semaphore(%arg47 : memref<!tpu.dma_semaphore, #tpu.memory_space<semaphore_mem>>) src(%dma_wait3A_392 : memref<500000xi32, #tpu.memory_space<hbm>>) dst(%dma_wait3A_388 : memref<128xi32, #tpu.memory_space<vmem>>)
      %dma_wait3A_393 = arith.constant 256 : i32
      %dma_wait3A_394 = tpu.memref_slice %arg35[%dma_wait3A_393] : memref<320xi32, #tpu.memory_space<vmem>> -> memref<64xi32, #tpu.memory_space<vmem>>
      %dma_wait3A_395 = arith.constant 256 : i32
      %dma_wait3A_396 = tpu.memref_slice %arg30[%dma_wait3A_395] : memref<336xi32, #tpu.memory_space<vmem>> -> memref<64xi32, #tpu.memory_space<vmem>>
      %dma_wait3A_397 = arith.constant 0 : i32
      %dma_wait3A_398 = tpu.memref_slice %arg9[%dma_wait3A_397] : memref<500000xi32, #tpu.memory_space<hbm>> -> memref<500000xi32, #tpu.memory_space<hbm>>
      tpu.wait_indirect_dma semaphore(%arg47 : memref<!tpu.dma_semaphore, #tpu.memory_space<semaphore_mem>>) src(%dma_wait3A_398 : memref<500000xi32, #tpu.memory_space<hbm>>) dst(%dma_wait3A_394 : memref<64xi32, #tpu.memory_space<vmem>>)
      %dma_wait3A_399 = arith.constant 0 : i32
      %dma_wait3A_400 = tpu.memref_slice %arg36[%dma_wait3A_399] : memref<192xi32, #tpu.memory_space<vmem>> -> memref<128xi32, #tpu.memory_space<vmem>>
      %dma_wait3A_401 = arith.constant 0 : i32
      %dma_wait3A_402 = tpu.memref_slice %arg31[%dma_wait3A_401] : memref<208xi32, #tpu.memory_space<vmem>> -> memref<128xi32, #tpu.memory_space<vmem>>
      %dma_wait3A_403 = arith.constant 0 : i32
      %dma_wait3A_404 = tpu.memref_slice %arg10[%dma_wait3A_403] : memref<300000xi32, #tpu.memory_space<hbm>> -> memref<300000xi32, #tpu.memory_space<hbm>>
      tpu.wait_indirect_dma semaphore(%arg47 : memref<!tpu.dma_semaphore, #tpu.memory_space<semaphore_mem>>) src(%dma_wait3A_404 : memref<300000xi32, #tpu.memory_space<hbm>>) dst(%dma_wait3A_400 : memref<128xi32, #tpu.memory_space<vmem>>)
      %dma_wait3A_405 = arith.constant 128 : i32
      %dma_wait3A_406 = tpu.memref_slice %arg36[%dma_wait3A_405] : memref<192xi32, #tpu.memory_space<vmem>> -> memref<64xi32, #tpu.memory_space<vmem>>
      %dma_wait3A_407 = arith.constant 128 : i32
      %dma_wait3A_408 = tpu.memref_slice %arg31[%dma_wait3A_407] : memref<208xi32, #tpu.memory_space<vmem>> -> memref<64xi32, #tpu.memory_space<vmem>>
      %dma_wait3A_409 = arith.constant 0 : i32
      %dma_wait3A_410 = tpu.memref_slice %arg10[%dma_wait3A_409] : memref<300000xi32, #tpu.memory_space<hbm>> -> memref<300000xi32, #tpu.memory_space<hbm>>
      tpu.wait_indirect_dma semaphore(%arg47 : memref<!tpu.dma_semaphore, #tpu.memory_space<semaphore_mem>>) src(%dma_wait3A_410 : memref<300000xi32, #tpu.memory_space<hbm>>) dst(%dma_wait3A_406 : memref<64xi32, #tpu.memory_space<vmem>>)
      %dma_start3A_411 = arith.constant 0 : i32
      %dma_start3A_412 = arith.constant 0 : i32
      %dma_start3A_413 = tpu.memref_slice %arg13[%dma_start3A_411, %dma_start3A_412] : memref<50000x32xf32, #tpu.memory_space<hbm>> -> memref<50000x32xf32, #tpu.memory_space<hbm>>
      tpu.enqueue_indirect_dma source(%dma_start3A_413 : memref<50000x32xf32, #tpu.memory_space<hbm>>) target(%arg38 : memref<64x32xf32, #tpu.memory_space<vmem>>) offsets(%arg25 : memref<64xi32, #tpu.memory_space<vmem>>) semaphore(%arg47 : memref<!tpu.dma_semaphore, #tpu.memory_space<semaphore_mem>>)
      %dma_start3A_414 = arith.constant 0 : i32
      %dma_start3A_415 = arith.constant 0 : i32
      %dma_start3A_416 = tpu.memref_slice %arg15[%dma_start3A_414, %dma_start3A_415] : memref<20000x16xf32, #tpu.memory_space<hbm>> -> memref<20000x16xf32, #tpu.memory_space<hbm>>
      tpu.enqueue_indirect_dma source(%dma_start3A_416 : memref<20000x16xf32, #tpu.memory_space<hbm>>) target(%arg40 : memref<64x16xf32, #tpu.memory_space<vmem>>) offsets(%arg26 : memref<64xi32, #tpu.memory_space<vmem>>) semaphore(%arg47 : memref<!tpu.dma_semaphore, #tpu.memory_space<semaphore_mem>>)
      %dma_start3A_417 = arith.constant 0 : i32
      %dma_start3A_418 = arith.constant 0 : i32
      %dma_start3A_419 = tpu.memref_slice %arg39[%dma_start3A_417, %dma_start3A_418] : memref<1280x32xf32, #tpu.memory_space<vmem>> -> memref<128x32xf32, #tpu.memory_space<vmem>>
      %dma_start3A_420 = arith.constant 0 : i32
      %dma_start3A_421 = tpu.memref_slice %arg32[%dma_start3A_420] : memref<1280xi32, #tpu.memory_space<vmem>> -> memref<128xi32, #tpu.memory_space<vmem>>
      %dma_start3A_422 = arith.constant 0 : i32
      %dma_start3A_423 = arith.constant 0 : i32
      %dma_start3A_424 = tpu.memref_slice %arg14[%dma_start3A_422, %dma_start3A_423] : memref<50000x32xf32, #tpu.memory_space<hbm>> -> memref<50000x32xf32, #tpu.memory_space<hbm>>
      tpu.enqueue_indirect_dma source(%dma_start3A_424 : memref<50000x32xf32, #tpu.memory_space<hbm>>) target(%dma_start3A_419 : memref<128x32xf32, #tpu.memory_space<vmem>>) offsets(%dma_start3A_421 : memref<128xi32, #tpu.memory_space<vmem>>) semaphore(%arg47 : memref<!tpu.dma_semaphore, #tpu.memory_space<semaphore_mem>>)
      %dma_start3A_425 = arith.constant 128 : i32
      %dma_start3A_426 = arith.constant 0 : i32
      %dma_start3A_427 = tpu.memref_slice %arg39[%dma_start3A_425, %dma_start3A_426] : memref<1280x32xf32, #tpu.memory_space<vmem>> -> memref<128x32xf32, #tpu.memory_space<vmem>>
      %dma_start3A_428 = arith.constant 128 : i32
      %dma_start3A_429 = tpu.memref_slice %arg32[%dma_start3A_428] : memref<1280xi32, #tpu.memory_space<vmem>> -> memref<128xi32, #tpu.memory_space<vmem>>
      %dma_start3A_430 = arith.constant 0 : i32
      %dma_start3A_431 = arith.constant 0 : i32
      %dma_start3A_432 = tpu.memref_slice %arg14[%dma_start3A_430, %dma_start3A_431] : memref<50000x32xf32, #tpu.memory_space<hbm>> -> memref<50000x32xf32, #tpu.memory_space<hbm>>
      tpu.enqueue_indirect_dma source(%dma_start3A_432 : memref<50000x32xf32, #tpu.memory_space<hbm>>) target(%dma_start3A_427 : memref<128x32xf32, #tpu.memory_space<vmem>>) offsets(%dma_start3A_429 : memref<128xi32, #tpu.memory_space<vmem>>) semaphore(%arg47 : memref<!tpu.dma_semaphore, #tpu.memory_space<semaphore_mem>>)
      %dma_start3A_433 = arith.constant 256 : i32
      %dma_start3A_434 = arith.constant 0 : i32
      %dma_start3A_435 = tpu.memref_slice %arg39[%dma_start3A_433, %dma_start3A_434] : memref<1280x32xf32, #tpu.memory_space<vmem>> -> memref<128x32xf32, #tpu.memory_space<vmem>>
      %dma_start3A_436 = arith.constant 256 : i32
      %dma_start3A_437 = tpu.memref_slice %arg32[%dma_start3A_436] : memref<1280xi32, #tpu.memory_space<vmem>> -> memref<128xi32, #tpu.memory_space<vmem>>
      %dma_start3A_438 = arith.constant 0 : i32
      %dma_start3A_439 = arith.constant 0 : i32
      %dma_start3A_440 = tpu.memref_slice %arg14[%dma_start3A_438, %dma_start3A_439] : memref<50000x32xf32, #tpu.memory_space<hbm>> -> memref<50000x32xf32, #tpu.memory_space<hbm>>
      tpu.enqueue_indirect_dma source(%dma_start3A_440 : memref<50000x32xf32, #tpu.memory_space<hbm>>) target(%dma_start3A_435 : memref<128x32xf32, #tpu.memory_space<vmem>>) offsets(%dma_start3A_437 : memref<128xi32, #tpu.memory_space<vmem>>) semaphore(%arg47 : memref<!tpu.dma_semaphore, #tpu.memory_space<semaphore_mem>>)
      %dma_start3A_441 = arith.constant 384 : i32
      %dma_start3A_442 = arith.constant 0 : i32
      %dma_start3A_443 = tpu.memref_slice %arg39[%dma_start3A_441, %dma_start3A_442] : memref<1280x32xf32, #tpu.memory_space<vmem>> -> memref<128x32xf32, #tpu.memory_space<vmem>>
      %dma_start3A_444 = arith.constant 384 : i32
      %dma_start3A_445 = tpu.memref_slice %arg32[%dma_start3A_444] : memref<1280xi32, #tpu.memory_space<vmem>> -> memref<128xi32, #tpu.memory_space<vmem>>
      %dma_start3A_446 = arith.constant 0 : i32
      %dma_start3A_447 = arith.constant 0 : i32
      %dma_start3A_448 = tpu.memref_slice %arg14[%dma_start3A_446, %dma_start3A_447] : memref<50000x32xf32, #tpu.memory_space<hbm>> -> memref<50000x32xf32, #tpu.memory_space<hbm>>
      tpu.enqueue_indirect_dma source(%dma_start3A_448 : memref<50000x32xf32, #tpu.memory_space<hbm>>) target(%dma_start3A_443 : memref<128x32xf32, #tpu.memory_space<vmem>>) offsets(%dma_start3A_445 : memref<128xi32, #tpu.memory_space<vmem>>) semaphore(%arg47 : memref<!tpu.dma_semaphore, #tpu.memory_space<semaphore_mem>>)
      %dma_start3A_449 = arith.constant 512 : i32
      %dma_start3A_450 = arith.constant 0 : i32
      %dma_start3A_451 = tpu.memref_slice %arg39[%dma_start3A_449, %dma_start3A_450] : memref<1280x32xf32, #tpu.memory_space<vmem>> -> memref<128x32xf32, #tpu.memory_space<vmem>>
      %dma_start3A_452 = arith.constant 512 : i32
      %dma_start3A_453 = tpu.memref_slice %arg32[%dma_start3A_452] : memref<1280xi32, #tpu.memory_space<vmem>> -> memref<128xi32, #tpu.memory_space<vmem>>
      %dma_start3A_454 = arith.constant 0 : i32
      %dma_start3A_455 = arith.constant 0 : i32
      %dma_start3A_456 = tpu.memref_slice %arg14[%dma_start3A_454, %dma_start3A_455] : memref<50000x32xf32, #tpu.memory_space<hbm>> -> memref<50000x32xf32, #tpu.memory_space<hbm>>
      tpu.enqueue_indirect_dma source(%dma_start3A_456 : memref<50000x32xf32, #tpu.memory_space<hbm>>) target(%dma_start3A_451 : memref<128x32xf32, #tpu.memory_space<vmem>>) offsets(%dma_start3A_453 : memref<128xi32, #tpu.memory_space<vmem>>) semaphore(%arg47 : memref<!tpu.dma_semaphore, #tpu.memory_space<semaphore_mem>>)
      %dma_start3A_457 = arith.constant 640 : i32
      %dma_start3A_458 = arith.constant 0 : i32
      %dma_start3A_459 = tpu.memref_slice %arg39[%dma_start3A_457, %dma_start3A_458] : memref<1280x32xf32, #tpu.memory_space<vmem>> -> memref<128x32xf32, #tpu.memory_space<vmem>>
      %dma_start3A_460 = arith.constant 640 : i32
      %dma_start3A_461 = tpu.memref_slice %arg32[%dma_start3A_460] : memref<1280xi32, #tpu.memory_space<vmem>> -> memref<128xi32, #tpu.memory_space<vmem>>
      %dma_start3A_462 = arith.constant 0 : i32
      %dma_start3A_463 = arith.constant 0 : i32
      %dma_start3A_464 = tpu.memref_slice %arg14[%dma_start3A_462, %dma_start3A_463] : memref<50000x32xf32, #tpu.memory_space<hbm>> -> memref<50000x32xf32, #tpu.memory_space<hbm>>
      tpu.enqueue_indirect_dma source(%dma_start3A_464 : memref<50000x32xf32, #tpu.memory_space<hbm>>) target(%dma_start3A_459 : memref<128x32xf32, #tpu.memory_space<vmem>>) offsets(%dma_start3A_461 : memref<128xi32, #tpu.memory_space<vmem>>) semaphore(%arg47 : memref<!tpu.dma_semaphore, #tpu.memory_space<semaphore_mem>>)
      %dma_start3A_465 = arith.constant 768 : i32
      %dma_start3A_466 = arith.constant 0 : i32
      %dma_start3A_467 = tpu.memref_slice %arg39[%dma_start3A_465, %dma_start3A_466] : memref<1280x32xf32, #tpu.memory_space<vmem>> -> memref<128x32xf32, #tpu.memory_space<vmem>>
      %dma_start3A_468 = arith.constant 768 : i32
      %dma_start3A_469 = tpu.memref_slice %arg32[%dma_start3A_468] : memref<1280xi32, #tpu.memory_space<vmem>> -> memref<128xi32, #tpu.memory_space<vmem>>
      %dma_start3A_470 = arith.constant 0 : i32
      %dma_start3A_471 = arith.constant 0 : i32
      %dma_start3A_472 = tpu.memref_slice %arg14[%dma_start3A_470, %dma_start3A_471] : memref<50000x32xf32, #tpu.memory_space<hbm>> -> memref<50000x32xf32, #tpu.memory_space<hbm>>
      tpu.enqueue_indirect_dma source(%dma_start3A_472 : memref<50000x32xf32, #tpu.memory_space<hbm>>) target(%dma_start3A_467 : memref<128x32xf32, #tpu.memory_space<vmem>>) offsets(%dma_start3A_469 : memref<128xi32, #tpu.memory_space<vmem>>) semaphore(%arg47 : memref<!tpu.dma_semaphore, #tpu.memory_space<semaphore_mem>>)
      %dma_start3A_473 = arith.constant 896 : i32
      %dma_start3A_474 = arith.constant 0 : i32
      %dma_start3A_475 = tpu.memref_slice %arg39[%dma_start3A_473, %dma_start3A_474] : memref<1280x32xf32, #tpu.memory_space<vmem>> -> memref<128x32xf32, #tpu.memory_space<vmem>>
      %dma_start3A_476 = arith.constant 896 : i32
      %dma_start3A_477 = tpu.memref_slice %arg32[%dma_start3A_476] : memref<1280xi32, #tpu.memory_space<vmem>> -> memref<128xi32, #tpu.memory_space<vmem>>
      %dma_start3A_478 = arith.constant 0 : i32
      %dma_start3A_479 = arith.constant 0 : i32
      %dma_start3A_480 = tpu.memref_slice %arg14[%dma_start3A_478, %dma_start3A_479] : memref<50000x32xf32, #tpu.memory_space<hbm>> -> memref<50000x32xf32, #tpu.memory_space<hbm>>
      tpu.enqueue_indirect_dma source(%dma_start3A_480 : memref<50000x32xf32, #tpu.memory_space<hbm>>) target(%dma_start3A_475 : memref<128x32xf32, #tpu.memory_space<vmem>>) offsets(%dma_start3A_477 : memref<128xi32, #tpu.memory_space<vmem>>) semaphore(%arg47 : memref<!tpu.dma_semaphore, #tpu.memory_space<semaphore_mem>>)
      %dma_start3A_481 = arith.constant 1024 : i32
      %dma_start3A_482 = arith.constant 0 : i32
      %dma_start3A_483 = tpu.memref_slice %arg39[%dma_start3A_481, %dma_start3A_482] : memref<1280x32xf32, #tpu.memory_space<vmem>> -> memref<128x32xf32, #tpu.memory_space<vmem>>
      %dma_start3A_484 = arith.constant 1024 : i32
      %dma_start3A_485 = tpu.memref_slice %arg32[%dma_start3A_484] : memref<1280xi32, #tpu.memory_space<vmem>> -> memref<128xi32, #tpu.memory_space<vmem>>
      %dma_start3A_486 = arith.constant 0 : i32
      %dma_start3A_487 = arith.constant 0 : i32
      %dma_start3A_488 = tpu.memref_slice %arg14[%dma_start3A_486, %dma_start3A_487] : memref<50000x32xf32, #tpu.memory_space<hbm>> -> memref<50000x32xf32, #tpu.memory_space<hbm>>
      tpu.enqueue_indirect_dma source(%dma_start3A_488 : memref<50000x32xf32, #tpu.memory_space<hbm>>) target(%dma_start3A_483 : memref<128x32xf32, #tpu.memory_space<vmem>>) offsets(%dma_start3A_485 : memref<128xi32, #tpu.memory_space<vmem>>) semaphore(%arg47 : memref<!tpu.dma_semaphore, #tpu.memory_space<semaphore_mem>>)
      %dma_start3A_489 = arith.constant 1152 : i32
      %dma_start3A_490 = arith.constant 0 : i32
      %dma_start3A_491 = tpu.memref_slice %arg39[%dma_start3A_489, %dma_start3A_490] : memref<1280x32xf32, #tpu.memory_space<vmem>> -> memref<128x32xf32, #tpu.memory_space<vmem>>
      %dma_start3A_492 = arith.constant 1152 : i32
      %dma_start3A_493 = tpu.memref_slice %arg32[%dma_start3A_492] : memref<1280xi32, #tpu.memory_space<vmem>> -> memref<128xi32, #tpu.memory_space<vmem>>
      %dma_start3A_494 = arith.constant 0 : i32
      %dma_start3A_495 = arith.constant 0 : i32
      %dma_start3A_496 = tpu.memref_slice %arg14[%dma_start3A_494, %dma_start3A_495] : memref<50000x32xf32, #tpu.memory_space<hbm>> -> memref<50000x32xf32, #tpu.memory_space<hbm>>
      tpu.enqueue_indirect_dma source(%dma_start3A_496 : memref<50000x32xf32, #tpu.memory_space<hbm>>) target(%dma_start3A_491 : memref<128x32xf32, #tpu.memory_space<vmem>>) offsets(%dma_start3A_493 : memref<128xi32, #tpu.memory_space<vmem>>) semaphore(%arg47 : memref<!tpu.dma_semaphore, #tpu.memory_space<semaphore_mem>>)
      %dma_start3A_497 = arith.constant 0 : i32
      %dma_start3A_498 = arith.constant 0 : i32
      %dma_start3A_499 = tpu.memref_slice %arg41[%dma_start3A_497, %dma_start3A_498] : memref<640x16xf32, #tpu.memory_space<vmem>> -> memref<128x16xf32, #tpu.memory_space<vmem>>
      %dma_start3A_500 = arith.constant 0 : i32
      %dma_start3A_501 = tpu.memref_slice %arg33[%dma_start3A_500] : memref<640xi32, #tpu.memory_space<vmem>> -> memref<128xi32, #tpu.memory_space<vmem>>
      %dma_start3A_502 = arith.constant 0 : i32
      %dma_start3A_503 = arith.constant 0 : i32
      %dma_start3A_504 = tpu.memref_slice %arg16[%dma_start3A_502, %dma_start3A_503] : memref<50000x16xf32, #tpu.memory_space<hbm>> -> memref<50000x16xf32, #tpu.memory_space<hbm>>
      tpu.enqueue_indirect_dma source(%dma_start3A_504 : memref<50000x16xf32, #tpu.memory_space<hbm>>) target(%dma_start3A_499 : memref<128x16xf32, #tpu.memory_space<vmem>>) offsets(%dma_start3A_501 : memref<128xi32, #tpu.memory_space<vmem>>) semaphore(%arg47 : memref<!tpu.dma_semaphore, #tpu.memory_space<semaphore_mem>>)
      %dma_start3A_505 = arith.constant 128 : i32
      %dma_start3A_506 = arith.constant 0 : i32
      %dma_start3A_507 = tpu.memref_slice %arg41[%dma_start3A_505, %dma_start3A_506] : memref<640x16xf32, #tpu.memory_space<vmem>> -> memref<128x16xf32, #tpu.memory_space<vmem>>
      %dma_start3A_508 = arith.constant 128 : i32
      %dma_start3A_509 = tpu.memref_slice %arg33[%dma_start3A_508] : memref<640xi32, #tpu.memory_space<vmem>> -> memref<128xi32, #tpu.memory_space<vmem>>
      %dma_start3A_510 = arith.constant 0 : i32
      %dma_start3A_511 = arith.constant 0 : i32
      %dma_start3A_512 = tpu.memref_slice %arg16[%dma_start3A_510, %dma_start3A_511] : memref<50000x16xf32, #tpu.memory_space<hbm>> -> memref<50000x16xf32, #tpu.memory_space<hbm>>
      tpu.enqueue_indirect_dma source(%dma_start3A_512 : memref<50000x16xf32, #tpu.memory_space<hbm>>) target(%dma_start3A_507 : memref<128x16xf32, #tpu.memory_space<vmem>>) offsets(%dma_start3A_509 : memref<128xi32, #tpu.memory_space<vmem>>) semaphore(%arg47 : memref<!tpu.dma_semaphore, #tpu.memory_space<semaphore_mem>>)
      %dma_start3A_513 = arith.constant 256 : i32
      %dma_start3A_514 = arith.constant 0 : i32
      %dma_start3A_515 = tpu.memref_slice %arg41[%dma_start3A_513, %dma_start3A_514] : memref<640x16xf32, #tpu.memory_space<vmem>> -> memref<128x16xf32, #tpu.memory_space<vmem>>
      %dma_start3A_516 = arith.constant 256 : i32
      %dma_start3A_517 = tpu.memref_slice %arg33[%dma_start3A_516] : memref<640xi32, #tpu.memory_space<vmem>> -> memref<128xi32, #tpu.memory_space<vmem>>
      %dma_start3A_518 = arith.constant 0 : i32
      %dma_start3A_519 = arith.constant 0 : i32
      %dma_start3A_520 = tpu.memref_slice %arg16[%dma_start3A_518, %dma_start3A_519] : memref<50000x16xf32, #tpu.memory_space<hbm>> -> memref<50000x16xf32, #tpu.memory_space<hbm>>
      tpu.enqueue_indirect_dma source(%dma_start3A_520 : memref<50000x16xf32, #tpu.memory_space<hbm>>) target(%dma_start3A_515 : memref<128x16xf32, #tpu.memory_space<vmem>>) offsets(%dma_start3A_517 : memref<128xi32, #tpu.memory_space<vmem>>) semaphore(%arg47 : memref<!tpu.dma_semaphore, #tpu.memory_space<semaphore_mem>>)
      %dma_start3A_521 = arith.constant 384 : i32
      %dma_start3A_522 = arith.constant 0 : i32
      %dma_start3A_523 = tpu.memref_slice %arg41[%dma_start3A_521, %dma_start3A_522] : memref<640x16xf32, #tpu.memory_space<vmem>> -> memref<128x16xf32, #tpu.memory_space<vmem>>
      %dma_start3A_524 = arith.constant 384 : i32
      %dma_start3A_525 = tpu.memref_slice %arg33[%dma_start3A_524] : memref<640xi32, #tpu.memory_space<vmem>> -> memref<128xi32, #tpu.memory_space<vmem>>
      %dma_start3A_526 = arith.constant 0 : i32
      %dma_start3A_527 = arith.constant 0 : i32
      %dma_start3A_528 = tpu.memref_slice %arg16[%dma_start3A_526, %dma_start3A_527] : memref<50000x16xf32, #tpu.memory_space<hbm>> -> memref<50000x16xf32, #tpu.memory_space<hbm>>
      tpu.enqueue_indirect_dma source(%dma_start3A_528 : memref<50000x16xf32, #tpu.memory_space<hbm>>) target(%dma_start3A_523 : memref<128x16xf32, #tpu.memory_space<vmem>>) offsets(%dma_start3A_525 : memref<128xi32, #tpu.memory_space<vmem>>) semaphore(%arg47 : memref<!tpu.dma_semaphore, #tpu.memory_space<semaphore_mem>>)
      %dma_start3A_529 = arith.constant 512 : i32
      %dma_start3A_530 = arith.constant 0 : i32
      %dma_start3A_531 = tpu.memref_slice %arg41[%dma_start3A_529, %dma_start3A_530] : memref<640x16xf32, #tpu.memory_space<vmem>> -> memref<128x16xf32, #tpu.memory_space<vmem>>
      %dma_start3A_532 = arith.constant 512 : i32
      %dma_start3A_533 = tpu.memref_slice %arg33[%dma_start3A_532] : memref<640xi32, #tpu.memory_space<vmem>> -> memref<128xi32, #tpu.memory_space<vmem>>
      %dma_start3A_534 = arith.constant 0 : i32
      %dma_start3A_535 = arith.constant 0 : i32
      %dma_start3A_536 = tpu.memref_slice %arg16[%dma_start3A_534, %dma_start3A_535] : memref<50000x16xf32, #tpu.memory_space<hbm>> -> memref<50000x16xf32, #tpu.memory_space<hbm>>
      tpu.enqueue_indirect_dma source(%dma_start3A_536 : memref<50000x16xf32, #tpu.memory_space<hbm>>) target(%dma_start3A_531 : memref<128x16xf32, #tpu.memory_space<vmem>>) offsets(%dma_start3A_533 : memref<128xi32, #tpu.memory_space<vmem>>) semaphore(%arg47 : memref<!tpu.dma_semaphore, #tpu.memory_space<semaphore_mem>>)
      %dma_start3A_537 = arith.constant 0 : i32
      %dma_start3A_538 = arith.constant 0 : i32
      %dma_start3A_539 = tpu.memref_slice %arg42[%dma_start3A_537, %dma_start3A_538] : memref<320x32xf32, #tpu.memory_space<vmem>> -> memref<128x32xf32, #tpu.memory_space<vmem>>
      %dma_start3A_540 = arith.constant 0 : i32
      %dma_start3A_541 = tpu.memref_slice %arg34[%dma_start3A_540] : memref<320xi32, #tpu.memory_space<vmem>> -> memref<128xi32, #tpu.memory_space<vmem>>
      %dma_start3A_542 = arith.constant 0 : i32
      %dma_start3A_543 = arith.constant 0 : i32
      %dma_start3A_544 = tpu.memref_slice %arg17[%dma_start3A_542, %dma_start3A_543] : memref<20x32xf32, #tpu.memory_space<hbm>> -> memref<20x32xf32, #tpu.memory_space<hbm>>
      tpu.enqueue_indirect_dma source(%dma_start3A_544 : memref<20x32xf32, #tpu.memory_space<hbm>>) target(%dma_start3A_539 : memref<128x32xf32, #tpu.memory_space<vmem>>) offsets(%dma_start3A_541 : memref<128xi32, #tpu.memory_space<vmem>>) semaphore(%arg47 : memref<!tpu.dma_semaphore, #tpu.memory_space<semaphore_mem>>)
      %dma_start3A_545 = arith.constant 128 : i32
      %dma_start3A_546 = arith.constant 0 : i32
      %dma_start3A_547 = tpu.memref_slice %arg42[%dma_start3A_545, %dma_start3A_546] : memref<320x32xf32, #tpu.memory_space<vmem>> -> memref<128x32xf32, #tpu.memory_space<vmem>>
      %dma_start3A_548 = arith.constant 128 : i32
      %dma_start3A_549 = tpu.memref_slice %arg34[%dma_start3A_548] : memref<320xi32, #tpu.memory_space<vmem>> -> memref<128xi32, #tpu.memory_space<vmem>>
      %dma_start3A_550 = arith.constant 0 : i32
      %dma_start3A_551 = arith.constant 0 : i32
      %dma_start3A_552 = tpu.memref_slice %arg17[%dma_start3A_550, %dma_start3A_551] : memref<20x32xf32, #tpu.memory_space<hbm>> -> memref<20x32xf32, #tpu.memory_space<hbm>>
      tpu.enqueue_indirect_dma source(%dma_start3A_552 : memref<20x32xf32, #tpu.memory_space<hbm>>) target(%dma_start3A_547 : memref<128x32xf32, #tpu.memory_space<vmem>>) offsets(%dma_start3A_549 : memref<128xi32, #tpu.memory_space<vmem>>) semaphore(%arg47 : memref<!tpu.dma_semaphore, #tpu.memory_space<semaphore_mem>>)
      %dma_start3A_553 = arith.constant 256 : i32
      %dma_start3A_554 = arith.constant 0 : i32
      %dma_start3A_555 = tpu.memref_slice %arg42[%dma_start3A_553, %dma_start3A_554] : memref<320x32xf32, #tpu.memory_space<vmem>> -> memref<64x32xf32, #tpu.memory_space<vmem>>
      %dma_start3A_556 = arith.constant 256 : i32
      %dma_start3A_557 = tpu.memref_slice %arg34[%dma_start3A_556] : memref<320xi32, #tpu.memory_space<vmem>> -> memref<64xi32, #tpu.memory_space<vmem>>
      %dma_start3A_558 = arith.constant 0 : i32
      %dma_start3A_559 = arith.constant 0 : i32
      %dma_start3A_560 = tpu.memref_slice %arg17[%dma_start3A_558, %dma_start3A_559] : memref<20x32xf32, #tpu.memory_space<hbm>> -> memref<20x32xf32, #tpu.memory_space<hbm>>
      tpu.enqueue_indirect_dma source(%dma_start3A_560 : memref<20x32xf32, #tpu.memory_space<hbm>>) target(%dma_start3A_555 : memref<64x32xf32, #tpu.memory_space<vmem>>) offsets(%dma_start3A_557 : memref<64xi32, #tpu.memory_space<vmem>>) semaphore(%arg47 : memref<!tpu.dma_semaphore, #tpu.memory_space<semaphore_mem>>)
      %dma_start3A_561 = arith.constant 0 : i32
      %dma_start3A_562 = arith.constant 0 : i32
      %dma_start3A_563 = tpu.memref_slice %arg43[%dma_start3A_561, %dma_start3A_562] : memref<320x32xf32, #tpu.memory_space<vmem>> -> memref<128x32xf32, #tpu.memory_space<vmem>>
      %dma_start3A_564 = arith.constant 0 : i32
      %dma_start3A_565 = tpu.memref_slice %arg35[%dma_start3A_564] : memref<320xi32, #tpu.memory_space<vmem>> -> memref<128xi32, #tpu.memory_space<vmem>>
      %dma_start3A_566 = arith.constant 0 : i32
      %dma_start3A_567 = arith.constant 0 : i32
      %dma_start3A_568 = tpu.memref_slice %arg18[%dma_start3A_566, %dma_start3A_567] : memref<10000x32xf32, #tpu.memory_space<hbm>> -> memref<10000x32xf32, #tpu.memory_space<hbm>>
      tpu.enqueue_indirect_dma source(%dma_start3A_568 : memref<10000x32xf32, #tpu.memory_space<hbm>>) target(%dma_start3A_563 : memref<128x32xf32, #tpu.memory_space<vmem>>) offsets(%dma_start3A_565 : memref<128xi32, #tpu.memory_space<vmem>>) semaphore(%arg47 : memref<!tpu.dma_semaphore, #tpu.memory_space<semaphore_mem>>)
      %dma_start3A_569 = arith.constant 128 : i32
      %dma_start3A_570 = arith.constant 0 : i32
      %dma_start3A_571 = tpu.memref_slice %arg43[%dma_start3A_569, %dma_start3A_570] : memref<320x32xf32, #tpu.memory_space<vmem>> -> memref<128x32xf32, #tpu.memory_space<vmem>>
      %dma_start3A_572 = arith.constant 128 : i32
      %dma_start3A_573 = tpu.memref_slice %arg35[%dma_start3A_572] : memref<320xi32, #tpu.memory_space<vmem>> -> memref<128xi32, #tpu.memory_space<vmem>>
      %dma_start3A_574 = arith.constant 0 : i32
      %dma_start3A_575 = arith.constant 0 : i32
      %dma_start3A_576 = tpu.memref_slice %arg18[%dma_start3A_574, %dma_start3A_575] : memref<10000x32xf32, #tpu.memory_space<hbm>> -> memref<10000x32xf32, #tpu.memory_space<hbm>>
      tpu.enqueue_indirect_dma source(%dma_start3A_576 : memref<10000x32xf32, #tpu.memory_space<hbm>>) target(%dma_start3A_571 : memref<128x32xf32, #tpu.memory_space<vmem>>) offsets(%dma_start3A_573 : memref<128xi32, #tpu.memory_space<vmem>>) semaphore(%arg47 : memref<!tpu.dma_semaphore, #tpu.memory_space<semaphore_mem>>)
      %dma_start3A_577 = arith.constant 256 : i32
      %dma_start3A_578 = arith.constant 0 : i32
      %dma_start3A_579 = tpu.memref_slice %arg43[%dma_start3A_577, %dma_start3A_578] : memref<320x32xf32, #tpu.memory_space<vmem>> -> memref<64x32xf32, #tpu.memory_space<vmem>>
      %dma_start3A_580 = arith.constant 256 : i32
      %dma_start3A_581 = tpu.memref_slice %arg35[%dma_start3A_580] : memref<320xi32, #tpu.memory_space<vmem>> -> memref<64xi32, #tpu.memory_space<vmem>>
      %dma_start3A_582 = arith.constant 0 : i32
      %dma_start3A_583 = arith.constant 0 : i32
      %dma_start3A_584 = tpu.memref_slice %arg18[%dma_start3A_582, %dma_start3A_583] : memref<10000x32xf32, #tpu.memory_space<hbm>> -> memref<10000x32xf32, #tpu.memory_space<hbm>>
      tpu.enqueue_indirect_dma source(%dma_start3A_584 : memref<10000x32xf32, #tpu.memory_space<hbm>>) target(%dma_start3A_579 : memref<64x32xf32, #tpu.memory_space<vmem>>) offsets(%dma_start3A_581 : memref<64xi32, #tpu.memory_space<vmem>>) semaphore(%arg47 : memref<!tpu.dma_semaphore, #tpu.memory_space<semaphore_mem>>)
      %dma_start3A_585 = arith.constant 0 : i32
      %dma_start3A_586 = arith.constant 0 : i32
      %dma_start3A_587 = tpu.memref_slice %arg44[%dma_start3A_585, %dma_start3A_586] : memref<192x16xf32, #tpu.memory_space<vmem>> -> memref<128x16xf32, #tpu.memory_space<vmem>>
      %dma_start3A_588 = arith.constant 0 : i32
      %dma_start3A_589 = tpu.memref_slice %arg36[%dma_start3A_588] : memref<192xi32, #tpu.memory_space<vmem>> -> memref<128xi32, #tpu.memory_space<vmem>>
      %dma_start3A_590 = arith.constant 0 : i32
      %dma_start3A_591 = arith.constant 0 : i32
      %dma_start3A_592 = tpu.memref_slice %arg19[%dma_start3A_590, %dma_start3A_591] : memref<100x16xf32, #tpu.memory_space<hbm>> -> memref<100x16xf32, #tpu.memory_space<hbm>>
      tpu.enqueue_indirect_dma source(%dma_start3A_592 : memref<100x16xf32, #tpu.memory_space<hbm>>) target(%dma_start3A_587 : memref<128x16xf32, #tpu.memory_space<vmem>>) offsets(%dma_start3A_589 : memref<128xi32, #tpu.memory_space<vmem>>) semaphore(%arg47 : memref<!tpu.dma_semaphore, #tpu.memory_space<semaphore_mem>>)
      %dma_start3A_593 = arith.constant 128 : i32
      %dma_start3A_594 = arith.constant 0 : i32
      %dma_start3A_595 = tpu.memref_slice %arg44[%dma_start3A_593, %dma_start3A_594] : memref<192x16xf32, #tpu.memory_space<vmem>> -> memref<64x16xf32, #tpu.memory_space<vmem>>
      %dma_start3A_596 = arith.constant 128 : i32
      %dma_start3A_597 = tpu.memref_slice %arg36[%dma_start3A_596] : memref<192xi32, #tpu.memory_space<vmem>> -> memref<64xi32, #tpu.memory_space<vmem>>
      %dma_start3A_598 = arith.constant 0 : i32
      %dma_start3A_599 = arith.constant 0 : i32
      %dma_start3A_600 = tpu.memref_slice %arg19[%dma_start3A_598, %dma_start3A_599] : memref<100x16xf32, #tpu.memory_space<hbm>> -> memref<100x16xf32, #tpu.memory_space<hbm>>
      tpu.enqueue_indirect_dma source(%dma_start3A_600 : memref<100x16xf32, #tpu.memory_space<hbm>>) target(%dma_start3A_595 : memref<64x16xf32, #tpu.memory_space<vmem>>) offsets(%dma_start3A_597 : memref<64xi32, #tpu.memory_space<vmem>>) semaphore(%arg47 : memref<!tpu.dma_semaphore, #tpu.memory_space<semaphore_mem>>)
      %dma_wait3A_601 = arith.constant 0 : i32
      %dma_wait3A_602 = arith.constant 0 : i32
      %dma_wait3A_603 = tpu.memref_slice %arg13[%dma_wait3A_601, %dma_wait3A_602] : memref<50000x32xf32, #tpu.memory_space<hbm>> -> memref<50000x32xf32, #tpu.memory_space<hbm>>
      tpu.wait_indirect_dma semaphore(%arg47 : memref<!tpu.dma_semaphore, #tpu.memory_space<semaphore_mem>>) src(%dma_wait3A_603 : memref<50000x32xf32, #tpu.memory_space<hbm>>) dst(%arg38 : memref<64x32xf32, #tpu.memory_space<vmem>>)
      %dma_wait3A_604 = arith.constant 0 : i32
      %dma_wait3A_605 = arith.constant 0 : i32
      %dma_wait3A_606 = tpu.memref_slice %arg15[%dma_wait3A_604, %dma_wait3A_605] : memref<20000x16xf32, #tpu.memory_space<hbm>> -> memref<20000x16xf32, #tpu.memory_space<hbm>>
      tpu.wait_indirect_dma semaphore(%arg47 : memref<!tpu.dma_semaphore, #tpu.memory_space<semaphore_mem>>) src(%dma_wait3A_606 : memref<20000x16xf32, #tpu.memory_space<hbm>>) dst(%arg40 : memref<64x16xf32, #tpu.memory_space<vmem>>)
      %dma_wait3A_607 = arith.constant 0 : i32
      %dma_wait3A_608 = arith.constant 0 : i32
      %dma_wait3A_609 = tpu.memref_slice %arg39[%dma_wait3A_607, %dma_wait3A_608] : memref<1280x32xf32, #tpu.memory_space<vmem>> -> memref<128x32xf32, #tpu.memory_space<vmem>>
      %dma_wait3A_610 = arith.constant 0 : i32
      %dma_wait3A_611 = tpu.memref_slice %arg32[%dma_wait3A_610] : memref<1280xi32, #tpu.memory_space<vmem>> -> memref<128xi32, #tpu.memory_space<vmem>>
      %dma_wait3A_612 = arith.constant 0 : i32
      %dma_wait3A_613 = arith.constant 0 : i32
      %dma_wait3A_614 = tpu.memref_slice %arg14[%dma_wait3A_612, %dma_wait3A_613] : memref<50000x32xf32, #tpu.memory_space<hbm>> -> memref<50000x32xf32, #tpu.memory_space<hbm>>
      tpu.wait_indirect_dma semaphore(%arg47 : memref<!tpu.dma_semaphore, #tpu.memory_space<semaphore_mem>>) src(%dma_wait3A_614 : memref<50000x32xf32, #tpu.memory_space<hbm>>) dst(%dma_wait3A_609 : memref<128x32xf32, #tpu.memory_space<vmem>>)
      %dma_wait3A_615 = arith.constant 128 : i32
      %dma_wait3A_616 = arith.constant 0 : i32
      %dma_wait3A_617 = tpu.memref_slice %arg39[%dma_wait3A_615, %dma_wait3A_616] : memref<1280x32xf32, #tpu.memory_space<vmem>> -> memref<128x32xf32, #tpu.memory_space<vmem>>
      %dma_wait3A_618 = arith.constant 128 : i32
      %dma_wait3A_619 = tpu.memref_slice %arg32[%dma_wait3A_618] : memref<1280xi32, #tpu.memory_space<vmem>> -> memref<128xi32, #tpu.memory_space<vmem>>
      %dma_wait3A_620 = arith.constant 0 : i32
      %dma_wait3A_621 = arith.constant 0 : i32
      %dma_wait3A_622 = tpu.memref_slice %arg14[%dma_wait3A_620, %dma_wait3A_621] : memref<50000x32xf32, #tpu.memory_space<hbm>> -> memref<50000x32xf32, #tpu.memory_space<hbm>>
      tpu.wait_indirect_dma semaphore(%arg47 : memref<!tpu.dma_semaphore, #tpu.memory_space<semaphore_mem>>) src(%dma_wait3A_622 : memref<50000x32xf32, #tpu.memory_space<hbm>>) dst(%dma_wait3A_617 : memref<128x32xf32, #tpu.memory_space<vmem>>)
      %dma_wait3A_623 = arith.constant 256 : i32
      %dma_wait3A_624 = arith.constant 0 : i32
      %dma_wait3A_625 = tpu.memref_slice %arg39[%dma_wait3A_623, %dma_wait3A_624] : memref<1280x32xf32, #tpu.memory_space<vmem>> -> memref<128x32xf32, #tpu.memory_space<vmem>>
      %dma_wait3A_626 = arith.constant 256 : i32
      %dma_wait3A_627 = tpu.memref_slice %arg32[%dma_wait3A_626] : memref<1280xi32, #tpu.memory_space<vmem>> -> memref<128xi32, #tpu.memory_space<vmem>>
      %dma_wait3A_628 = arith.constant 0 : i32
      %dma_wait3A_629 = arith.constant 0 : i32
      %dma_wait3A_630 = tpu.memref_slice %arg14[%dma_wait3A_628, %dma_wait3A_629] : memref<50000x32xf32, #tpu.memory_space<hbm>> -> memref<50000x32xf32, #tpu.memory_space<hbm>>
      tpu.wait_indirect_dma semaphore(%arg47 : memref<!tpu.dma_semaphore, #tpu.memory_space<semaphore_mem>>) src(%dma_wait3A_630 : memref<50000x32xf32, #tpu.memory_space<hbm>>) dst(%dma_wait3A_625 : memref<128x32xf32, #tpu.memory_space<vmem>>)
      %dma_wait3A_631 = arith.constant 384 : i32
      %dma_wait3A_632 = arith.constant 0 : i32
      %dma_wait3A_633 = tpu.memref_slice %arg39[%dma_wait3A_631, %dma_wait3A_632] : memref<1280x32xf32, #tpu.memory_space<vmem>> -> memref<128x32xf32, #tpu.memory_space<vmem>>
      %dma_wait3A_634 = arith.constant 384 : i32
      %dma_wait3A_635 = tpu.memref_slice %arg32[%dma_wait3A_634] : memref<1280xi32, #tpu.memory_space<vmem>> -> memref<128xi32, #tpu.memory_space<vmem>>
      %dma_wait3A_636 = arith.constant 0 : i32
      %dma_wait3A_637 = arith.constant 0 : i32
      %dma_wait3A_638 = tpu.memref_slice %arg14[%dma_wait3A_636, %dma_wait3A_637] : memref<50000x32xf32, #tpu.memory_space<hbm>> -> memref<50000x32xf32, #tpu.memory_space<hbm>>
      tpu.wait_indirect_dma semaphore(%arg47 : memref<!tpu.dma_semaphore, #tpu.memory_space<semaphore_mem>>) src(%dma_wait3A_638 : memref<50000x32xf32, #tpu.memory_space<hbm>>) dst(%dma_wait3A_633 : memref<128x32xf32, #tpu.memory_space<vmem>>)
      %dma_wait3A_639 = arith.constant 512 : i32
      %dma_wait3A_640 = arith.constant 0 : i32
      %dma_wait3A_641 = tpu.memref_slice %arg39[%dma_wait3A_639, %dma_wait3A_640] : memref<1280x32xf32, #tpu.memory_space<vmem>> -> memref<128x32xf32, #tpu.memory_space<vmem>>
      %dma_wait3A_642 = arith.constant 512 : i32
      %dma_wait3A_643 = tpu.memref_slice %arg32[%dma_wait3A_642] : memref<1280xi32, #tpu.memory_space<vmem>> -> memref<128xi32, #tpu.memory_space<vmem>>
      %dma_wait3A_644 = arith.constant 0 : i32
      %dma_wait3A_645 = arith.constant 0 : i32
      %dma_wait3A_646 = tpu.memref_slice %arg14[%dma_wait3A_644, %dma_wait3A_645] : memref<50000x32xf32, #tpu.memory_space<hbm>> -> memref<50000x32xf32, #tpu.memory_space<hbm>>
      tpu.wait_indirect_dma semaphore(%arg47 : memref<!tpu.dma_semaphore, #tpu.memory_space<semaphore_mem>>) src(%dma_wait3A_646 : memref<50000x32xf32, #tpu.memory_space<hbm>>) dst(%dma_wait3A_641 : memref<128x32xf32, #tpu.memory_space<vmem>>)
      %dma_wait3A_647 = arith.constant 640 : i32
      %dma_wait3A_648 = arith.constant 0 : i32
      %dma_wait3A_649 = tpu.memref_slice %arg39[%dma_wait3A_647, %dma_wait3A_648] : memref<1280x32xf32, #tpu.memory_space<vmem>> -> memref<128x32xf32, #tpu.memory_space<vmem>>
      %dma_wait3A_650 = arith.constant 640 : i32
      %dma_wait3A_651 = tpu.memref_slice %arg32[%dma_wait3A_650] : memref<1280xi32, #tpu.memory_space<vmem>> -> memref<128xi32, #tpu.memory_space<vmem>>
      %dma_wait3A_652 = arith.constant 0 : i32
      %dma_wait3A_653 = arith.constant 0 : i32
      %dma_wait3A_654 = tpu.memref_slice %arg14[%dma_wait3A_652, %dma_wait3A_653] : memref<50000x32xf32, #tpu.memory_space<hbm>> -> memref<50000x32xf32, #tpu.memory_space<hbm>>
      tpu.wait_indirect_dma semaphore(%arg47 : memref<!tpu.dma_semaphore, #tpu.memory_space<semaphore_mem>>) src(%dma_wait3A_654 : memref<50000x32xf32, #tpu.memory_space<hbm>>) dst(%dma_wait3A_649 : memref<128x32xf32, #tpu.memory_space<vmem>>)
      %dma_wait3A_655 = arith.constant 768 : i32
      %dma_wait3A_656 = arith.constant 0 : i32
      %dma_wait3A_657 = tpu.memref_slice %arg39[%dma_wait3A_655, %dma_wait3A_656] : memref<1280x32xf32, #tpu.memory_space<vmem>> -> memref<128x32xf32, #tpu.memory_space<vmem>>
      %dma_wait3A_658 = arith.constant 768 : i32
      %dma_wait3A_659 = tpu.memref_slice %arg32[%dma_wait3A_658] : memref<1280xi32, #tpu.memory_space<vmem>> -> memref<128xi32, #tpu.memory_space<vmem>>
      %dma_wait3A_660 = arith.constant 0 : i32
      %dma_wait3A_661 = arith.constant 0 : i32
      %dma_wait3A_662 = tpu.memref_slice %arg14[%dma_wait3A_660, %dma_wait3A_661] : memref<50000x32xf32, #tpu.memory_space<hbm>> -> memref<50000x32xf32, #tpu.memory_space<hbm>>
      tpu.wait_indirect_dma semaphore(%arg47 : memref<!tpu.dma_semaphore, #tpu.memory_space<semaphore_mem>>) src(%dma_wait3A_662 : memref<50000x32xf32, #tpu.memory_space<hbm>>) dst(%dma_wait3A_657 : memref<128x32xf32, #tpu.memory_space<vmem>>)
      %dma_wait3A_663 = arith.constant 896 : i32
      %dma_wait3A_664 = arith.constant 0 : i32
      %dma_wait3A_665 = tpu.memref_slice %arg39[%dma_wait3A_663, %dma_wait3A_664] : memref<1280x32xf32, #tpu.memory_space<vmem>> -> memref<128x32xf32, #tpu.memory_space<vmem>>
      %dma_wait3A_666 = arith.constant 896 : i32
      %dma_wait3A_667 = tpu.memref_slice %arg32[%dma_wait3A_666] : memref<1280xi32, #tpu.memory_space<vmem>> -> memref<128xi32, #tpu.memory_space<vmem>>
      %dma_wait3A_668 = arith.constant 0 : i32
      %dma_wait3A_669 = arith.constant 0 : i32
      %dma_wait3A_670 = tpu.memref_slice %arg14[%dma_wait3A_668, %dma_wait3A_669] : memref<50000x32xf32, #tpu.memory_space<hbm>> -> memref<50000x32xf32, #tpu.memory_space<hbm>>
      tpu.wait_indirect_dma semaphore(%arg47 : memref<!tpu.dma_semaphore, #tpu.memory_space<semaphore_mem>>) src(%dma_wait3A_670 : memref<50000x32xf32, #tpu.memory_space<hbm>>) dst(%dma_wait3A_665 : memref<128x32xf32, #tpu.memory_space<vmem>>)
      %dma_wait3A_671 = arith.constant 1024 : i32
      %dma_wait3A_672 = arith.constant 0 : i32
      %dma_wait3A_673 = tpu.memref_slice %arg39[%dma_wait3A_671, %dma_wait3A_672] : memref<1280x32xf32, #tpu.memory_space<vmem>> -> memref<128x32xf32, #tpu.memory_space<vmem>>
      %dma_wait3A_674 = arith.constant 1024 : i32
      %dma_wait3A_675 = tpu.memref_slice %arg32[%dma_wait3A_674] : memref<1280xi32, #tpu.memory_space<vmem>> -> memref<128xi32, #tpu.memory_space<vmem>>
      %dma_wait3A_676 = arith.constant 0 : i32
      %dma_wait3A_677 = arith.constant 0 : i32
      %dma_wait3A_678 = tpu.memref_slice %arg14[%dma_wait3A_676, %dma_wait3A_677] : memref<50000x32xf32, #tpu.memory_space<hbm>> -> memref<50000x32xf32, #tpu.memory_space<hbm>>
      tpu.wait_indirect_dma semaphore(%arg47 : memref<!tpu.dma_semaphore, #tpu.memory_space<semaphore_mem>>) src(%dma_wait3A_678 : memref<50000x32xf32, #tpu.memory_space<hbm>>) dst(%dma_wait3A_673 : memref<128x32xf32, #tpu.memory_space<vmem>>)
      %dma_wait3A_679 = arith.constant 1152 : i32
      %dma_wait3A_680 = arith.constant 0 : i32
      %dma_wait3A_681 = tpu.memref_slice %arg39[%dma_wait3A_679, %dma_wait3A_680] : memref<1280x32xf32, #tpu.memory_space<vmem>> -> memref<128x32xf32, #tpu.memory_space<vmem>>
      %dma_wait3A_682 = arith.constant 1152 : i32
      %dma_wait3A_683 = tpu.memref_slice %arg32[%dma_wait3A_682] : memref<1280xi32, #tpu.memory_space<vmem>> -> memref<128xi32, #tpu.memory_space<vmem>>
      %dma_wait3A_684 = arith.constant 0 : i32
      %dma_wait3A_685 = arith.constant 0 : i32
      %dma_wait3A_686 = tpu.memref_slice %arg14[%dma_wait3A_684, %dma_wait3A_685] : memref<50000x32xf32, #tpu.memory_space<hbm>> -> memref<50000x32xf32, #tpu.memory_space<hbm>>
      tpu.wait_indirect_dma semaphore(%arg47 : memref<!tpu.dma_semaphore, #tpu.memory_space<semaphore_mem>>) src(%dma_wait3A_686 : memref<50000x32xf32, #tpu.memory_space<hbm>>) dst(%dma_wait3A_681 : memref<128x32xf32, #tpu.memory_space<vmem>>)
      %dma_wait3A_687 = arith.constant 0 : i32
      %dma_wait3A_688 = arith.constant 0 : i32
      %dma_wait3A_689 = tpu.memref_slice %arg41[%dma_wait3A_687, %dma_wait3A_688] : memref<640x16xf32, #tpu.memory_space<vmem>> -> memref<128x16xf32, #tpu.memory_space<vmem>>
      %dma_wait3A_690 = arith.constant 0 : i32
      %dma_wait3A_691 = tpu.memref_slice %arg33[%dma_wait3A_690] : memref<640xi32, #tpu.memory_space<vmem>> -> memref<128xi32, #tpu.memory_space<vmem>>
      %dma_wait3A_692 = arith.constant 0 : i32
      %dma_wait3A_693 = arith.constant 0 : i32
      %dma_wait3A_694 = tpu.memref_slice %arg16[%dma_wait3A_692, %dma_wait3A_693] : memref<50000x16xf32, #tpu.memory_space<hbm>> -> memref<50000x16xf32, #tpu.memory_space<hbm>>
      tpu.wait_indirect_dma semaphore(%arg47 : memref<!tpu.dma_semaphore, #tpu.memory_space<semaphore_mem>>) src(%dma_wait3A_694 : memref<50000x16xf32, #tpu.memory_space<hbm>>) dst(%dma_wait3A_689 : memref<128x16xf32, #tpu.memory_space<vmem>>)
      %dma_wait3A_695 = arith.constant 128 : i32
      %dma_wait3A_696 = arith.constant 0 : i32
      %dma_wait3A_697 = tpu.memref_slice %arg41[%dma_wait3A_695, %dma_wait3A_696] : memref<640x16xf32, #tpu.memory_space<vmem>> -> memref<128x16xf32, #tpu.memory_space<vmem>>
      %dma_wait3A_698 = arith.constant 128 : i32
      %dma_wait3A_699 = tpu.memref_slice %arg33[%dma_wait3A_698] : memref<640xi32, #tpu.memory_space<vmem>> -> memref<128xi32, #tpu.memory_space<vmem>>
      %dma_wait3A_700 = arith.constant 0 : i32
      %dma_wait3A_701 = arith.constant 0 : i32
      %dma_wait3A_702 = tpu.memref_slice %arg16[%dma_wait3A_700, %dma_wait3A_701] : memref<50000x16xf32, #tpu.memory_space<hbm>> -> memref<50000x16xf32, #tpu.memory_space<hbm>>
      tpu.wait_indirect_dma semaphore(%arg47 : memref<!tpu.dma_semaphore, #tpu.memory_space<semaphore_mem>>) src(%dma_wait3A_702 : memref<50000x16xf32, #tpu.memory_space<hbm>>) dst(%dma_wait3A_697 : memref<128x16xf32, #tpu.memory_space<vmem>>)
      %dma_wait3A_703 = arith.constant 256 : i32
      %dma_wait3A_704 = arith.constant 0 : i32
      %dma_wait3A_705 = tpu.memref_slice %arg41[%dma_wait3A_703, %dma_wait3A_704] : memref<640x16xf32, #tpu.memory_space<vmem>> -> memref<128x16xf32, #tpu.memory_space<vmem>>
      %dma_wait3A_706 = arith.constant 256 : i32
      %dma_wait3A_707 = tpu.memref_slice %arg33[%dma_wait3A_706] : memref<640xi32, #tpu.memory_space<vmem>> -> memref<128xi32, #tpu.memory_space<vmem>>
      %dma_wait3A_708 = arith.constant 0 : i32
      %dma_wait3A_709 = arith.constant 0 : i32
      %dma_wait3A_710 = tpu.memref_slice %arg16[%dma_wait3A_708, %dma_wait3A_709] : memref<50000x16xf32, #tpu.memory_space<hbm>> -> memref<50000x16xf32, #tpu.memory_space<hbm>>
      tpu.wait_indirect_dma semaphore(%arg47 : memref<!tpu.dma_semaphore, #tpu.memory_space<semaphore_mem>>) src(%dma_wait3A_710 : memref<50000x16xf32, #tpu.memory_space<hbm>>) dst(%dma_wait3A_705 : memref<128x16xf32, #tpu.memory_space<vmem>>)
      %dma_wait3A_711 = arith.constant 384 : i32
      %dma_wait3A_712 = arith.constant 0 : i32
      %dma_wait3A_713 = tpu.memref_slice %arg41[%dma_wait3A_711, %dma_wait3A_712] : memref<640x16xf32, #tpu.memory_space<vmem>> -> memref<128x16xf32, #tpu.memory_space<vmem>>
      %dma_wait3A_714 = arith.constant 384 : i32
      %dma_wait3A_715 = tpu.memref_slice %arg33[%dma_wait3A_714] : memref<640xi32, #tpu.memory_space<vmem>> -> memref<128xi32, #tpu.memory_space<vmem>>
      %dma_wait3A_716 = arith.constant 0 : i32
      %dma_wait3A_717 = arith.constant 0 : i32
      %dma_wait3A_718 = tpu.memref_slice %arg16[%dma_wait3A_716, %dma_wait3A_717] : memref<50000x16xf32, #tpu.memory_space<hbm>> -> memref<50000x16xf32, #tpu.memory_space<hbm>>
      tpu.wait_indirect_dma semaphore(%arg47 : memref<!tpu.dma_semaphore, #tpu.memory_space<semaphore_mem>>) src(%dma_wait3A_718 : memref<50000x16xf32, #tpu.memory_space<hbm>>) dst(%dma_wait3A_713 : memref<128x16xf32, #tpu.memory_space<vmem>>)
      %dma_wait3A_719 = arith.constant 512 : i32
      %dma_wait3A_720 = arith.constant 0 : i32
      %dma_wait3A_721 = tpu.memref_slice %arg41[%dma_wait3A_719, %dma_wait3A_720] : memref<640x16xf32, #tpu.memory_space<vmem>> -> memref<128x16xf32, #tpu.memory_space<vmem>>
      %dma_wait3A_722 = arith.constant 512 : i32
      %dma_wait3A_723 = tpu.memref_slice %arg33[%dma_wait3A_722] : memref<640xi32, #tpu.memory_space<vmem>> -> memref<128xi32, #tpu.memory_space<vmem>>
      %dma_wait3A_724 = arith.constant 0 : i32
      %dma_wait3A_725 = arith.constant 0 : i32
      %dma_wait3A_726 = tpu.memref_slice %arg16[%dma_wait3A_724, %dma_wait3A_725] : memref<50000x16xf32, #tpu.memory_space<hbm>> -> memref<50000x16xf32, #tpu.memory_space<hbm>>
      tpu.wait_indirect_dma semaphore(%arg47 : memref<!tpu.dma_semaphore, #tpu.memory_space<semaphore_mem>>) src(%dma_wait3A_726 : memref<50000x16xf32, #tpu.memory_space<hbm>>) dst(%dma_wait3A_721 : memref<128x16xf32, #tpu.memory_space<vmem>>)
      %dma_wait3A_727 = arith.constant 0 : i32
      %dma_wait3A_728 = arith.constant 0 : i32
      %dma_wait3A_729 = tpu.memref_slice %arg42[%dma_wait3A_727, %dma_wait3A_728] : memref<320x32xf32, #tpu.memory_space<vmem>> -> memref<128x32xf32, #tpu.memory_space<vmem>>
      %dma_wait3A_730 = arith.constant 0 : i32
      %dma_wait3A_731 = tpu.memref_slice %arg34[%dma_wait3A_730] : memref<320xi32, #tpu.memory_space<vmem>> -> memref<128xi32, #tpu.memory_space<vmem>>
      %dma_wait3A_732 = arith.constant 0 : i32
      %dma_wait3A_733 = arith.constant 0 : i32
      %dma_wait3A_734 = tpu.memref_slice %arg17[%dma_wait3A_732, %dma_wait3A_733] : memref<20x32xf32, #tpu.memory_space<hbm>> -> memref<20x32xf32, #tpu.memory_space<hbm>>
      tpu.wait_indirect_dma semaphore(%arg47 : memref<!tpu.dma_semaphore, #tpu.memory_space<semaphore_mem>>) src(%dma_wait3A_734 : memref<20x32xf32, #tpu.memory_space<hbm>>) dst(%dma_wait3A_729 : memref<128x32xf32, #tpu.memory_space<vmem>>)
      %dma_wait3A_735 = arith.constant 128 : i32
      %dma_wait3A_736 = arith.constant 0 : i32
      %dma_wait3A_737 = tpu.memref_slice %arg42[%dma_wait3A_735, %dma_wait3A_736] : memref<320x32xf32, #tpu.memory_space<vmem>> -> memref<128x32xf32, #tpu.memory_space<vmem>>
      %dma_wait3A_738 = arith.constant 128 : i32
      %dma_wait3A_739 = tpu.memref_slice %arg34[%dma_wait3A_738] : memref<320xi32, #tpu.memory_space<vmem>> -> memref<128xi32, #tpu.memory_space<vmem>>
      %dma_wait3A_740 = arith.constant 0 : i32
      %dma_wait3A_741 = arith.constant 0 : i32
      %dma_wait3A_742 = tpu.memref_slice %arg17[%dma_wait3A_740, %dma_wait3A_741] : memref<20x32xf32, #tpu.memory_space<hbm>> -> memref<20x32xf32, #tpu.memory_space<hbm>>
      tpu.wait_indirect_dma semaphore(%arg47 : memref<!tpu.dma_semaphore, #tpu.memory_space<semaphore_mem>>) src(%dma_wait3A_742 : memref<20x32xf32, #tpu.memory_space<hbm>>) dst(%dma_wait3A_737 : memref<128x32xf32, #tpu.memory_space<vmem>>)
      %dma_wait3A_743 = arith.constant 256 : i32
      %dma_wait3A_744 = arith.constant 0 : i32
      %dma_wait3A_745 = tpu.memref_slice %arg42[%dma_wait3A_743, %dma_wait3A_744] : memref<320x32xf32, #tpu.memory_space<vmem>> -> memref<64x32xf32, #tpu.memory_space<vmem>>
      %dma_wait3A_746 = arith.constant 256 : i32
      %dma_wait3A_747 = tpu.memref_slice %arg34[%dma_wait3A_746] : memref<320xi32, #tpu.memory_space<vmem>> -> memref<64xi32, #tpu.memory_space<vmem>>
      %dma_wait3A_748 = arith.constant 0 : i32
      %dma_wait3A_749 = arith.constant 0 : i32
      %dma_wait3A_750 = tpu.memref_slice %arg17[%dma_wait3A_748, %dma_wait3A_749] : memref<20x32xf32, #tpu.memory_space<hbm>> -> memref<20x32xf32, #tpu.memory_space<hbm>>
      tpu.wait_indirect_dma semaphore(%arg47 : memref<!tpu.dma_semaphore, #tpu.memory_space<semaphore_mem>>) src(%dma_wait3A_750 : memref<20x32xf32, #tpu.memory_space<hbm>>) dst(%dma_wait3A_745 : memref<64x32xf32, #tpu.memory_space<vmem>>)
      %dma_wait3A_751 = arith.constant 0 : i32
      %dma_wait3A_752 = arith.constant 0 : i32
      %dma_wait3A_753 = tpu.memref_slice %arg43[%dma_wait3A_751, %dma_wait3A_752] : memref<320x32xf32, #tpu.memory_space<vmem>> -> memref<128x32xf32, #tpu.memory_space<vmem>>
      %dma_wait3A_754 = arith.constant 0 : i32
      %dma_wait3A_755 = tpu.memref_slice %arg35[%dma_wait3A_754] : memref<320xi32, #tpu.memory_space<vmem>> -> memref<128xi32, #tpu.memory_space<vmem>>
      %dma_wait3A_756 = arith.constant 0 : i32
      %dma_wait3A_757 = arith.constant 0 : i32
      %dma_wait3A_758 = tpu.memref_slice %arg18[%dma_wait3A_756, %dma_wait3A_757] : memref<10000x32xf32, #tpu.memory_space<hbm>> -> memref<10000x32xf32, #tpu.memory_space<hbm>>
      tpu.wait_indirect_dma semaphore(%arg47 : memref<!tpu.dma_semaphore, #tpu.memory_space<semaphore_mem>>) src(%dma_wait3A_758 : memref<10000x32xf32, #tpu.memory_space<hbm>>) dst(%dma_wait3A_753 : memref<128x32xf32, #tpu.memory_space<vmem>>)
      %dma_wait3A_759 = arith.constant 128 : i32
      %dma_wait3A_760 = arith.constant 0 : i32
      %dma_wait3A_761 = tpu.memref_slice %arg43[%dma_wait3A_759, %dma_wait3A_760] : memref<320x32xf32, #tpu.memory_space<vmem>> -> memref<128x32xf32, #tpu.memory_space<vmem>>
      %dma_wait3A_762 = arith.constant 128 : i32
      %dma_wait3A_763 = tpu.memref_slice %arg35[%dma_wait3A_762] : memref<320xi32, #tpu.memory_space<vmem>> -> memref<128xi32, #tpu.memory_space<vmem>>
      %dma_wait3A_764 = arith.constant 0 : i32
      %dma_wait3A_765 = arith.constant 0 : i32
      %dma_wait3A_766 = tpu.memref_slice %arg18[%dma_wait3A_764, %dma_wait3A_765] : memref<10000x32xf32, #tpu.memory_space<hbm>> -> memref<10000x32xf32, #tpu.memory_space<hbm>>
      tpu.wait_indirect_dma semaphore(%arg47 : memref<!tpu.dma_semaphore, #tpu.memory_space<semaphore_mem>>) src(%dma_wait3A_766 : memref<10000x32xf32, #tpu.memory_space<hbm>>) dst(%dma_wait3A_761 : memref<128x32xf32, #tpu.memory_space<vmem>>)
      %dma_wait3A_767 = arith.constant 256 : i32
      %dma_wait3A_768 = arith.constant 0 : i32
      %dma_wait3A_769 = tpu.memref_slice %arg43[%dma_wait3A_767, %dma_wait3A_768] : memref<320x32xf32, #tpu.memory_space<vmem>> -> memref<64x32xf32, #tpu.memory_space<vmem>>
      %dma_wait3A_770 = arith.constant 256 : i32
      %dma_wait3A_771 = tpu.memref_slice %arg35[%dma_wait3A_770] : memref<320xi32, #tpu.memory_space<vmem>> -> memref<64xi32, #tpu.memory_space<vmem>>
      %dma_wait3A_772 = arith.constant 0 : i32
      %dma_wait3A_773 = arith.constant 0 : i32
      %dma_wait3A_774 = tpu.memref_slice %arg18[%dma_wait3A_772, %dma_wait3A_773] : memref<10000x32xf32, #tpu.memory_space<hbm>> -> memref<10000x32xf32, #tpu.memory_space<hbm>>
      tpu.wait_indirect_dma semaphore(%arg47 : memref<!tpu.dma_semaphore, #tpu.memory_space<semaphore_mem>>) src(%dma_wait3A_774 : memref<10000x32xf32, #tpu.memory_space<hbm>>) dst(%dma_wait3A_769 : memref<64x32xf32, #tpu.memory_space<vmem>>)
      %dma_wait3A_775 = arith.constant 0 : i32
      %dma_wait3A_776 = arith.constant 0 : i32
      %dma_wait3A_777 = tpu.memref_slice %arg44[%dma_wait3A_775, %dma_wait3A_776] : memref<192x16xf32, #tpu.memory_space<vmem>> -> memref<128x16xf32, #tpu.memory_space<vmem>>
      %dma_wait3A_778 = arith.constant 0 : i32
      %dma_wait3A_779 = tpu.memref_slice %arg36[%dma_wait3A_778] : memref<192xi32, #tpu.memory_space<vmem>> -> memref<128xi32, #tpu.memory_space<vmem>>
      %dma_wait3A_780 = arith.constant 0 : i32
      %dma_wait3A_781 = arith.constant 0 : i32
      %dma_wait3A_782 = tpu.memref_slice %arg19[%dma_wait3A_780, %dma_wait3A_781] : memref<100x16xf32, #tpu.memory_space<hbm>> -> memref<100x16xf32, #tpu.memory_space<hbm>>
      tpu.wait_indirect_dma semaphore(%arg47 : memref<!tpu.dma_semaphore, #tpu.memory_space<semaphore_mem>>) src(%dma_wait3A_782 : memref<100x16xf32, #tpu.memory_space<hbm>>) dst(%dma_wait3A_777 : memref<128x16xf32, #tpu.memory_space<vmem>>)
      %dma_wait3A_783 = arith.constant 128 : i32
      %dma_wait3A_784 = arith.constant 0 : i32
      %dma_wait3A_785 = tpu.memref_slice %arg44[%dma_wait3A_783, %dma_wait3A_784] : memref<192x16xf32, #tpu.memory_space<vmem>> -> memref<64x16xf32, #tpu.memory_space<vmem>>
      %dma_wait3A_786 = arith.constant 128 : i32
      %dma_wait3A_787 = tpu.memref_slice %arg36[%dma_wait3A_786] : memref<192xi32, #tpu.memory_space<vmem>> -> memref<64xi32, #tpu.memory_space<vmem>>
      %dma_wait3A_788 = arith.constant 0 : i32
      %dma_wait3A_789 = arith.constant 0 : i32
      %dma_wait3A_790 = tpu.memref_slice %arg19[%dma_wait3A_788, %dma_wait3A_789] : memref<100x16xf32, #tpu.memory_space<hbm>> -> memref<100x16xf32, #tpu.memory_space<hbm>>
      tpu.wait_indirect_dma semaphore(%arg47 : memref<!tpu.dma_semaphore, #tpu.memory_space<semaphore_mem>>) src(%dma_wait3A_790 : memref<100x16xf32, #tpu.memory_space<hbm>>) dst(%dma_wait3A_785 : memref<64x16xf32, #tpu.memory_space<vmem>>)
      %iota3A_791 = tpu.iota {dimensions = array<i32: 0>} : vector<16xi32>
      %scan3A_792 = arith.constant 0 : i32
      %scan3A_793 = arith.constant 0 : i32
      %scan3A_794 = arith.constant 4 : i32
      %scan3A_795 = arith.addi %scan3A_793, %scan3A_794 : i32
      %scan3A_796 = arith.constant 1 : i32
      %scan3A_797 = scf.for %scan3A_800 = %scan3A_793 to %scan3A_795 step %scan3A_796 iter_args(%scan3A_801 = %scan3A_792) -> (i32)  : i32 {
        %mul3A_802 = arith.constant 16 : i32
        %mul3A_803 = arith.muli %scan3A_800, %mul3A_802 : i32
        %add3A_804 = arith.constant 1 : i32
        %add3A_805 = arith.addi %scan3A_800, %add3A_804 : i32
        %mul3A_806 = arith.constant 16 : i32
        %mul3A_807 = arith.muli %add3A_805, %mul3A_806 : i32
        %broadcast_in_dim3A = arith.constant 0.000000e+00 : f32
        %broadcast_in_dim3A_808 = vector.broadcast %broadcast_in_dim3A : f32 to vector<16xf32>
        %while3A = arith.subi %mul3A_807, %mul3A_803 : i32
        %while3A_809 = arith.addi %mul3A_803, %while3A : i32
        %while3A_810 = arith.constant 1 : i32
        %while3A_811 = arith.divsi %while3A, %while3A_810 : i32
        %while3A_812 = arith.muli %while3A_811, %while3A_810 : i32
        %while3A_813 = arith.addi %mul3A_803, %while3A_812 : i32
        %while3A_814 = arith.constant 1 : i32
        %while3A_815 = scf.for %while3A_823 = %mul3A_803 to %while3A_813 step %while3A_814 iter_args(%while3A_824 = %broadcast_in_dim3A_808) -> (vector<16xf32>)  : i32 {
          %get3A_825 = arith.index_cast %while3A_823 : i32 to index
          %get3A_826 = tpu.vector_load %arg21[%get3A_825] {strides = array<i32>} : memref<80xi32, #tpu.memory_space<vmem>>, vector<16xi32>,
          %slice3A = vector.extract_strided_slice %get3A_826 {offsets = [0], sizes = [1], strides = [1]} : vector<16xi32> to vector<1xi32>
          %squeeze3A = vector.extract %slice3A[0] : i32 from vector<1xi32>
          %and3A = arith.constant 3 : i32
          %and3A_827 = arith.andi %squeeze3A, %and3A : i32
          %mul3A_828 = arith.constant 100 : i32
          %mul3A_829 = arith.muli %and3A_827, %mul3A_828 : i32
          %get3A_830 = arith.index_cast %while3A_823 : i32 to index
          %get3A_831 = arith.index_cast %mul3A_829 : i32 to index
          %get3A_832 = tpu.vector_load %arg37[%get3A_830, %get3A_831] {strides = array<i32>} : memref<64x400xf32, #tpu.memory_space<vmem>>, vector<16xf32>,
          %add3A_833 = arith.constant 16 : i32
          %add3A_834 = arith.addi %mul3A_829, %add3A_833 : i32
          %get3A_835 = arith.index_cast %while3A_823 : i32 to index
          %get3A_836 = arith.index_cast %add3A_834 : i32 to index
          %get3A_837 = tpu.vector_load %arg37[%get3A_835, %get3A_836] {strides = array<i32>} : memref<64x400xf32, #tpu.memory_space<vmem>>, vector<16xf32>,
          %add3A_838 = arith.constant 32 : i32
          %add3A_839 = arith.addi %mul3A_829, %add3A_838 : i32
          %get3A_840 = arith.index_cast %while3A_823 : i32 to index
          %get3A_841 = arith.index_cast %add3A_839 : i32 to index
          %get3A_842 = tpu.vector_load %arg37[%get3A_840, %get3A_841] {strides = array<i32>} : memref<64x400xf32, #tpu.memory_space<vmem>>, vector<16xf32>,
          %add3A_843 = arith.constant 48 : i32
          %add3A_844 = arith.addi %mul3A_829, %add3A_843 : i32
          %get3A_845 = arith.index_cast %while3A_823 : i32 to index
          %get3A_846 = arith.index_cast %add3A_844 : i32 to index
          %get3A_847 = tpu.vector_load %arg37[%get3A_845, %get3A_846] {strides = array<i32>} : memref<64x400xf32, #tpu.memory_space<vmem>>, vector<16xf32>,
          %add3A_848 = arith.constant 64 : i32
          %add3A_849 = arith.addi %mul3A_829, %add3A_848 : i32
          %get3A_850 = arith.index_cast %while3A_823 : i32 to index
          %get3A_851 = arith.index_cast %add3A_849 : i32 to index
          %get3A_852 = tpu.vector_load %arg37[%get3A_850, %get3A_851] {strides = array<i32>} : memref<64x400xf32, #tpu.memory_space<vmem>>, vector<16xf32>,
          %add3A_853 = arith.constant 80 : i32
          %add3A_854 = arith.addi %mul3A_829, %add3A_853 : i32
          %get3A_855 = arith.index_cast %while3A_823 : i32 to index
          %get3A_856 = arith.index_cast %add3A_854 : i32 to index
          %get3A_857 = tpu.vector_load %arg37[%get3A_855, %get3A_856] {strides = array<i32>} : memref<64x400xf32, #tpu.memory_space<vmem>>, vector<16xf32>,
          %add3A_858 = arith.constant 84 : i32
          %add3A_859 = arith.addi %mul3A_829, %add3A_858 : i32
          %get3A_860 = arith.index_cast %while3A_823 : i32 to index
          %get3A_861 = arith.index_cast %add3A_859 : i32 to index
          %get3A_862 = tpu.vector_load %arg37[%get3A_860, %get3A_861] {strides = array<i32>} : memref<64x400xf32, #tpu.memory_space<vmem>>, vector<16xf32>,
          %get3A_863 = arith.index_cast %while3A_823 : i32 to index
          %get3A_864 = arith.constant 0 : index
          %get3A_865 = tpu.vector_load %arg38[%get3A_863, %get3A_864] {strides = array<i32>} : memref<64x32xf32, #tpu.memory_space<vmem>>, vector<16xf32>,
          %mul3A_866 = arith.mulf %get3A_832, %get3A_865 : vector<16xf32>
          %get3A_867 = arith.index_cast %while3A_823 : i32 to index
          %get3A_868 = arith.constant 16 : index
          %get3A_869 = tpu.vector_load %arg38[%get3A_867, %get3A_868] {strides = array<i32>} : memref<64x32xf32, #tpu.memory_space<vmem>>, vector<16xf32>,
          %mul3A_870 = arith.mulf %get3A_837, %get3A_869 : vector<16xf32>
          %mul3A_871 = arith.constant 20 : i32
          %mul3A_872 = arith.muli %while3A_823, %mul3A_871 : i32
          %get3A_873 = arith.index_cast %mul3A_872 : i32 to index
          %get3A_874 = arith.constant 0 : index
          %get3A_875 = tpu.vector_load %arg39[%get3A_873, %get3A_874] {strides = array<i32>} : memref<1280x32xf32, #tpu.memory_space<vmem>>, vector<16xf32>,
          %get3A_876 = arith.index_cast %mul3A_872 : i32 to index
          %get3A_877 = arith.constant 16 : index
          %get3A_878 = tpu.vector_load %arg39[%get3A_876, %get3A_877] {strides = array<i32>} : memref<1280x32xf32, #tpu.memory_space<vmem>>, vector<16xf32>,
          %add3A_879 = arith.constant 1 : i32
          %add3A_880 = arith.addi %mul3A_872, %add3A_879 : i32
          %get3A_881 = arith.index_cast %add3A_880 : i32 to index
          %get3A_882 = arith.constant 0 : index
          %get3A_883 = tpu.vector_load %arg39[%get3A_881, %get3A_882] {strides = array<i32>} : memref<1280x32xf32, #tpu.memory_space<vmem>>, vector<16xf32>,
          %add3A_884 = arith.addf %get3A_875, %get3A_883 : vector<16xf32>
          %add3A_885 = arith.constant 1 : i32
          %add3A_886 = arith.addi %mul3A_872, %add3A_885 : i32
          %get3A_887 = arith.index_cast %add3A_886 : i32 to index
          %get3A_888 = arith.constant 16 : index
          %get3A_889 = tpu.vector_load %arg39[%get3A_887, %get3A_888] {strides = array<i32>} : memref<1280x32xf32, #tpu.memory_space<vmem>>, vector<16xf32>,
          %add3A_890 = arith.addf %get3A_878, %get3A_889 : vector<16xf32>
          %add3A_891 = arith.constant 2 : i32
          %add3A_892 = arith.addi %mul3A_872, %add3A_891 : i32
          %get3A_893 = arith.index_cast %add3A_892 : i32 to index
          %get3A_894 = arith.constant 0 : index
          %get3A_895 = tpu.vector_load %arg39[%get3A_893, %get3A_894] {strides = array<i32>} : memref<1280x32xf32, #tpu.memory_space<vmem>>, vector<16xf32>,
          %add3A_896 = arith.addf %add3A_884, %get3A_895 : vector<16xf32>
          %add3A_897 = arith.constant 2 : i32
          %add3A_898 = arith.addi %mul3A_872, %add3A_897 : i32
          %get3A_899 = arith.index_cast %add3A_898 : i32 to index
          %get3A_900 = arith.constant 16 : index
          %get3A_901 = tpu.vector_load %arg39[%get3A_899, %get3A_900] {strides = array<i32>} : memref<1280x32xf32, #tpu.memory_space<vmem>>, vector<16xf32>,
          %add3A_902 = arith.addf %add3A_890, %get3A_901 : vector<16xf32>
          %add3A_903 = arith.constant 3 : i32
          %add3A_904 = arith.addi %mul3A_872, %add3A_903 : i32
          %get3A_905 = arith.index_cast %add3A_904 : i32 to index
          %get3A_906 = arith.constant 0 : index
          %get3A_907 = tpu.vector_load %arg39[%get3A_905, %get3A_906] {strides = array<i32>} : memref<1280x32xf32, #tpu.memory_space<vmem>>, vector<16xf32>,
          %add3A_908 = arith.addf %add3A_896, %get3A_907 : vector<16xf32>
          %add3A_909 = arith.constant 3 : i32
          %add3A_910 = arith.addi %mul3A_872, %add3A_909 : i32
          %get3A_911 = arith.index_cast %add3A_910 : i32 to index
          %get3A_912 = arith.constant 16 : index
          %get3A_913 = tpu.vector_load %arg39[%get3A_911, %get3A_912] {strides = array<i32>} : memref<1280x32xf32, #tpu.memory_space<vmem>>, vector<16xf32>,
          %add3A_914 = arith.addf %add3A_902, %get3A_913 : vector<16xf32>
          %add3A_915 = arith.constant 4 : i32
          %add3A_916 = arith.addi %mul3A_872, %add3A_915 : i32
          %get3A_917 = arith.index_cast %add3A_916 : i32 to index
          %get3A_918 = arith.constant 0 : index
          %get3A_919 = tpu.vector_load %arg39[%get3A_917, %get3A_918] {strides = array<i32>} : memref<1280x32xf32, #tpu.memory_space<vmem>>, vector<16xf32>,
          %add3A_920 = arith.addf %add3A_908, %get3A_919 : vector<16xf32>
          %add3A_921 = arith.constant 4 : i32
          %add3A_922 = arith.addi %mul3A_872, %add3A_921 : i32
          %get3A_923 = arith.index_cast %add3A_922 : i32 to index
          %get3A_924 = arith.constant 16 : index
          %get3A_925 = tpu.vector_load %arg39[%get3A_923, %get3A_924] {strides = array<i32>} : memref<1280x32xf32, #tpu.memory_space<vmem>>, vector<16xf32>,
          %add3A_926 = arith.addf %add3A_914, %get3A_925 : vector<16xf32>
          %add3A_927 = arith.constant 5 : i32
          %add3A_928 = arith.addi %mul3A_872, %add3A_927 : i32
          %get3A_929 = arith.index_cast %add3A_928 : i32 to index
          %get3A_930 = arith.constant 0 : index
          %get3A_931 = tpu.vector_load %arg39[%get3A_929, %get3A_930] {strides = array<i32>} : memref<1280x32xf32, #tpu.memory_space<vmem>>, vector<16xf32>,
          %add3A_932 = arith.addf %add3A_920, %get3A_931 : vector<16xf32>
          %add3A_933 = arith.constant 5 : i32
          %add3A_934 = arith.addi %mul3A_872, %add3A_933 : i32
          %get3A_935 = arith.index_cast %add3A_934 : i32 to index
          %get3A_936 = arith.constant 16 : index
          %get3A_937 = tpu.vector_load %arg39[%get3A_935, %get3A_936] {strides = array<i32>} : memref<1280x32xf32, #tpu.memory_space<vmem>>, vector<16xf32>,
          %add3A_938 = arith.addf %add3A_926, %get3A_937 : vector<16xf32>
          %add3A_939 = arith.constant 6 : i32
          %add3A_940 = arith.addi %mul3A_872, %add3A_939 : i32
          %get3A_941 = arith.index_cast %add3A_940 : i32 to index
          %get3A_942 = arith.constant 0 : index
          %get3A_943 = tpu.vector_load %arg39[%get3A_941, %get3A_942] {strides = array<i32>} : memref<1280x32xf32, #tpu.memory_space<vmem>>, vector<16xf32>,
          %add3A_944 = arith.addf %add3A_932, %get3A_943 : vector<16xf32>
          %add3A_945 = arith.constant 6 : i32
          %add3A_946 = arith.addi %mul3A_872, %add3A_945 : i32
          %get3A_947 = arith.index_cast %add3A_946 : i32 to index
          %get3A_948 = arith.constant 16 : index
          %get3A_949 = tpu.vector_load %arg39[%get3A_947, %get3A_948] {strides = array<i32>} : memref<1280x32xf32, #tpu.memory_space<vmem>>, vector<16xf32>,
          %add3A_950 = arith.addf %add3A_938, %get3A_949 : vector<16xf32>
          %add3A_951 = arith.constant 7 : i32
          %add3A_952 = arith.addi %mul3A_872, %add3A_951 : i32
          %get3A_953 = arith.index_cast %add3A_952 : i32 to index
          %get3A_954 = arith.constant 0 : index
          %get3A_955 = tpu.vector_load %arg39[%get3A_953, %get3A_954] {strides = array<i32>} : memref<1280x32xf32, #tpu.memory_space<vmem>>, vector<16xf32>,
          %add3A_956 = arith.addf %add3A_944, %get3A_955 : vector<16xf32>
          %add3A_957 = arith.constant 7 : i32
          %add3A_958 = arith.addi %mul3A_872, %add3A_957 : i32
          %get3A_959 = arith.index_cast %add3A_958 : i32 to index
          %get3A_960 = arith.constant 16 : index
          %get3A_961 = tpu.vector_load %arg39[%get3A_959, %get3A_960] {strides = array<i32>} : memref<1280x32xf32, #tpu.memory_space<vmem>>, vector<16xf32>,
          %add3A_962 = arith.addf %add3A_950, %get3A_961 : vector<16xf32>
          %add3A_963 = arith.constant 8 : i32
          %add3A_964 = arith.addi %mul3A_872, %add3A_963 : i32
          %get3A_965 = arith.index_cast %add3A_964 : i32 to index
          %get3A_966 = arith.constant 0 : index
          %get3A_967 = tpu.vector_load %arg39[%get3A_965, %get3A_966] {strides = array<i32>} : memref<1280x32xf32, #tpu.memory_space<vmem>>, vector<16xf32>,
          %add3A_968 = arith.addf %add3A_956, %get3A_967 : vector<16xf32>
          %add3A_969 = arith.constant 8 : i32
          %add3A_970 = arith.addi %mul3A_872, %add3A_969 : i32
          %get3A_971 = arith.index_cast %add3A_970 : i32 to index
          %get3A_972 = arith.constant 16 : index
          %get3A_973 = tpu.vector_load %arg39[%get3A_971, %get3A_972] {strides = array<i32>} : memref<1280x32xf32, #tpu.memory_space<vmem>>, vector<16xf32>,
          %add3A_974 = arith.addf %add3A_962, %get3A_973 : vector<16xf32>
          %add3A_975 = arith.constant 9 : i32
          %add3A_976 = arith.addi %mul3A_872, %add3A_975 : i32
          %get3A_977 = arith.index_cast %add3A_976 : i32 to index
          %get3A_978 = arith.constant 0 : index
          %get3A_979 = tpu.vector_load %arg39[%get3A_977, %get3A_978] {strides = array<i32>} : memref<1280x32xf32, #tpu.memory_space<vmem>>, vector<16xf32>,
          %add3A_980 = arith.addf %add3A_968, %get3A_979 : vector<16xf32>
          %add3A_981 = arith.constant 9 : i32
          %add3A_982 = arith.addi %mul3A_872, %add3A_981 : i32
          %get3A_983 = arith.index_cast %add3A_982 : i32 to index
          %get3A_984 = arith.constant 16 : index
          %get3A_985 = tpu.vector_load %arg39[%get3A_983, %get3A_984] {strides = array<i32>} : memref<1280x32xf32, #tpu.memory_space<vmem>>, vector<16xf32>,
          %add3A_986 = arith.addf %add3A_974, %get3A_985 : vector<16xf32>
          %add3A_987 = arith.constant 10 : i32
          %add3A_988 = arith.addi %mul3A_872, %add3A_987 : i32
          %get3A_989 = arith.index_cast %add3A_988 : i32 to index
          %get3A_990 = arith.constant 0 : index
          %get3A_991 = tpu.vector_load %arg39[%get3A_989, %get3A_990] {strides = array<i32>} : memref<1280x32xf32, #tpu.memory_space<vmem>>, vector<16xf32>,
          %add3A_992 = arith.addf %add3A_980, %get3A_991 : vector<16xf32>
          %add3A_993 = arith.constant 10 : i32
          %add3A_994 = arith.addi %mul3A_872, %add3A_993 : i32
          %get3A_995 = arith.index_cast %add3A_994 : i32 to index
          %get3A_996 = arith.constant 16 : index
          %get3A_997 = tpu.vector_load %arg39[%get3A_995, %get3A_996] {strides = array<i32>} : memref<1280x32xf32, #tpu.memory_space<vmem>>, vector<16xf32>,
          %add3A_998 = arith.addf %add3A_986, %get3A_997 : vector<16xf32>
          %add3A_999 = arith.constant 11 : i32
          %add3A_1000 = arith.addi %mul3A_872, %add3A_999 : i32
          %get3A_1001 = arith.index_cast %add3A_1000 : i32 to index
          %get3A_1002 = arith.constant 0 : index
          %get3A_1003 = tpu.vector_load %arg39[%get3A_1001, %get3A_1002] {strides = array<i32>} : memref<1280x32xf32, #tpu.memory_space<vmem>>, vector<16xf32>,
          %add3A_1004 = arith.addf %add3A_992, %get3A_1003 : vector<16xf32>
          %add3A_1005 = arith.constant 11 : i32
          %add3A_1006 = arith.addi %mul3A_872, %add3A_1005 : i32
          %get3A_1007 = arith.index_cast %add3A_1006 : i32 to index
          %get3A_1008 = arith.constant 16 : index
          %get3A_1009 = tpu.vector_load %arg39[%get3A_1007, %get3A_1008] {strides = array<i32>} : memref<1280x32xf32, #tpu.memory_space<vmem>>, vector<16xf32>,
          %add3A_1010 = arith.addf %add3A_998, %get3A_1009 : vector<16xf32>
          %add3A_1011 = arith.constant 12 : i32
          %add3A_1012 = arith.addi %mul3A_872, %add3A_1011 : i32
          %get3A_1013 = arith.index_cast %add3A_1012 : i32 to index
          %get3A_1014 = arith.constant 0 : index
          %get3A_1015 = tpu.vector_load %arg39[%get3A_1013, %get3A_1014] {strides = array<i32>} : memref<1280x32xf32, #tpu.memory_space<vmem>>, vector<16xf32>,
          %add3A_1016 = arith.addf %add3A_1004, %get3A_1015 : vector<16xf32>
          %add3A_1017 = arith.constant 12 : i32
          %add3A_1018 = arith.addi %mul3A_872, %add3A_1017 : i32
          %get3A_1019 = arith.index_cast %add3A_1018 : i32 to index
          %get3A_1020 = arith.constant 16 : index
          %get3A_1021 = tpu.vector_load %arg39[%get3A_1019, %get3A_1020] {strides = array<i32>} : memref<1280x32xf32, #tpu.memory_space<vmem>>, vector<16xf32>,
          %add3A_1022 = arith.addf %add3A_1010, %get3A_1021 : vector<16xf32>
          %add3A_1023 = arith.constant 13 : i32
          %add3A_1024 = arith.addi %mul3A_872, %add3A_1023 : i32
          %get3A_1025 = arith.index_cast %add3A_1024 : i32 to index
          %get3A_1026 = arith.constant 0 : index
          %get3A_1027 = tpu.vector_load %arg39[%get3A_1025, %get3A_1026] {strides = array<i32>} : memref<1280x32xf32, #tpu.memory_space<vmem>>, vector<16xf32>,
          %add3A_1028 = arith.addf %add3A_1016, %get3A_1027 : vector<16xf32>
          %add3A_1029 = arith.constant 13 : i32
          %add3A_1030 = arith.addi %mul3A_872, %add3A_1029 : i32
          %get3A_1031 = arith.index_cast %add3A_1030 : i32 to index
          %get3A_1032 = arith.constant 16 : index
          %get3A_1033 = tpu.vector_load %arg39[%get3A_1031, %get3A_1032] {strides = array<i32>} : memref<1280x32xf32, #tpu.memory_space<vmem>>, vector<16xf32>,
          %add3A_1034 = arith.addf %add3A_1022, %get3A_1033 : vector<16xf32>
          %add3A_1035 = arith.constant 14 : i32
          %add3A_1036 = arith.addi %mul3A_872, %add3A_1035 : i32
          %get3A_1037 = arith.index_cast %add3A_1036 : i32 to index
          %get3A_1038 = arith.constant 0 : index
          %get3A_1039 = tpu.vector_load %arg39[%get3A_1037, %get3A_1038] {strides = array<i32>} : memref<1280x32xf32, #tpu.memory_space<vmem>>, vector<16xf32>,
          %add3A_1040 = arith.addf %add3A_1028, %get3A_1039 : vector<16xf32>
          %add3A_1041 = arith.constant 14 : i32
          %add3A_1042 = arith.addi %mul3A_872, %add3A_1041 : i32
          %get3A_1043 = arith.index_cast %add3A_1042 : i32 to index
          %get3A_1044 = arith.constant 16 : index
          %get3A_1045 = tpu.vector_load %arg39[%get3A_1043, %get3A_1044] {strides = array<i32>} : memref<1280x32xf32, #tpu.memory_space<vmem>>, vector<16xf32>,
          %add3A_1046 = arith.addf %add3A_1034, %get3A_1045 : vector<16xf32>
          %add3A_1047 = arith.constant 15 : i32
          %add3A_1048 = arith.addi %mul3A_872, %add3A_1047 : i32
          %get3A_1049 = arith.index_cast %add3A_1048 : i32 to index
          %get3A_1050 = arith.constant 0 : index
          %get3A_1051 = tpu.vector_load %arg39[%get3A_1049, %get3A_1050] {strides = array<i32>} : memref<1280x32xf32, #tpu.memory_space<vmem>>, vector<16xf32>,
          %add3A_1052 = arith.addf %add3A_1040, %get3A_1051 : vector<16xf32>
          %add3A_1053 = arith.constant 15 : i32
          %add3A_1054 = arith.addi %mul3A_872, %add3A_1053 : i32
          %get3A_1055 = arith.index_cast %add3A_1054 : i32 to index
          %get3A_1056 = arith.constant 16 : index
          %get3A_1057 = tpu.vector_load %arg39[%get3A_1055, %get3A_1056] {strides = array<i32>} : memref<1280x32xf32, #tpu.memory_space<vmem>>, vector<16xf32>,
          %add3A_1058 = arith.addf %add3A_1046, %get3A_1057 : vector<16xf32>
          %add3A_1059 = arith.constant 16 : i32
          %add3A_1060 = arith.addi %mul3A_872, %add3A_1059 : i32
          %get3A_1061 = arith.index_cast %add3A_1060 : i32 to index
          %get3A_1062 = arith.constant 0 : index
          %get3A_1063 = tpu.vector_load %arg39[%get3A_1061, %get3A_1062] {strides = array<i32>} : memref<1280x32xf32, #tpu.memory_space<vmem>>, vector<16xf32>,
          %add3A_1064 = arith.addf %add3A_1052, %get3A_1063 : vector<16xf32>
          %add3A_1065 = arith.constant 16 : i32
          %add3A_1066 = arith.addi %mul3A_872, %add3A_1065 : i32
          %get3A_1067 = arith.index_cast %add3A_1066 : i32 to index
          %get3A_1068 = arith.constant 16 : index
          %get3A_1069 = tpu.vector_load %arg39[%get3A_1067, %get3A_1068] {strides = array<i32>} : memref<1280x32xf32, #tpu.memory_space<vmem>>, vector<16xf32>,
          %add3A_1070 = arith.addf %add3A_1058, %get3A_1069 : vector<16xf32>
          %add3A_1071 = arith.constant 17 : i32
          %add3A_1072 = arith.addi %mul3A_872, %add3A_1071 : i32
          %get3A_1073 = arith.index_cast %add3A_1072 : i32 to index
          %get3A_1074 = arith.constant 0 : index
          %get3A_1075 = tpu.vector_load %arg39[%get3A_1073, %get3A_1074] {strides = array<i32>} : memref<1280x32xf32, #tpu.memory_space<vmem>>, vector<16xf32>,
          %add3A_1076 = arith.addf %add3A_1064, %get3A_1075 : vector<16xf32>
          %add3A_1077 = arith.constant 17 : i32
          %add3A_1078 = arith.addi %mul3A_872, %add3A_1077 : i32
          %get3A_1079 = arith.index_cast %add3A_1078 : i32 to index
          %get3A_1080 = arith.constant 16 : index
          %get3A_1081 = tpu.vector_load %arg39[%get3A_1079, %get3A_1080] {strides = array<i32>} : memref<1280x32xf32, #tpu.memory_space<vmem>>, vector<16xf32>,
          %add3A_1082 = arith.addf %add3A_1070, %get3A_1081 : vector<16xf32>
          %add3A_1083 = arith.constant 18 : i32
          %add3A_1084 = arith.addi %mul3A_872, %add3A_1083 : i32
          %get3A_1085 = arith.index_cast %add3A_1084 : i32 to index
          %get3A_1086 = arith.constant 0 : index
          %get3A_1087 = tpu.vector_load %arg39[%get3A_1085, %get3A_1086] {strides = array<i32>} : memref<1280x32xf32, #tpu.memory_space<vmem>>, vector<16xf32>,
          %add3A_1088 = arith.addf %add3A_1076, %get3A_1087 : vector<16xf32>
          %add3A_1089 = arith.constant 18 : i32
          %add3A_1090 = arith.addi %mul3A_872, %add3A_1089 : i32
          %get3A_1091 = arith.index_cast %add3A_1090 : i32 to index
          %get3A_1092 = arith.constant 16 : index
          %get3A_1093 = tpu.vector_load %arg39[%get3A_1091, %get3A_1092] {strides = array<i32>} : memref<1280x32xf32, #tpu.memory_space<vmem>>, vector<16xf32>,
          %add3A_1094 = arith.addf %add3A_1082, %get3A_1093 : vector<16xf32>
          %add3A_1095 = arith.constant 19 : i32
          %add3A_1096 = arith.addi %mul3A_872, %add3A_1095 : i32
          %get3A_1097 = arith.index_cast %add3A_1096 : i32 to index
          %get3A_1098 = arith.constant 0 : index
          %get3A_1099 = tpu.vector_load %arg39[%get3A_1097, %get3A_1098] {strides = array<i32>} : memref<1280x32xf32, #tpu.memory_space<vmem>>, vector<16xf32>,
          %add3A_1100 = arith.addf %add3A_1088, %get3A_1099 : vector<16xf32>
          %add3A_1101 = arith.constant 19 : i32
          %add3A_1102 = arith.addi %mul3A_872, %add3A_1101 : i32
          %get3A_1103 = arith.index_cast %add3A_1102 : i32 to index
          %get3A_1104 = arith.constant 16 : index
          %get3A_1105 = tpu.vector_load %arg39[%get3A_1103, %get3A_1104] {strides = array<i32>} : memref<1280x32xf32, #tpu.memory_space<vmem>>, vector<16xf32>,
          %add3A_1106 = arith.addf %add3A_1094, %get3A_1105 : vector<16xf32>
          %mul3A_1107 = arith.mulf %get3A_837, %add3A_1100 : vector<16xf32>
          %add3A_1108 = arith.addf %mul3A_866, %mul3A_1107 : vector<16xf32>
          %mul3A_1109 = arith.mulf %get3A_842, %add3A_1106 : vector<16xf32>
          %add3A_1110 = arith.addf %mul3A_870, %mul3A_1109 : vector<16xf32>
          %get3A_1111 = arith.index_cast %while3A_823 : i32 to index
          %get3A_1112 = arith.constant 0 : index
          %get3A_1113 = tpu.vector_load %arg40[%get3A_1111, %get3A_1112] {strides = array<i32>} : memref<64x16xf32, #tpu.memory_space<vmem>>, vector<16xf32>,
          %mul3A_1114 = arith.mulf %get3A_842, %get3A_1113 : vector<16xf32>
          %add3A_1115 = arith.addf %add3A_1108, %mul3A_1114 : vector<16xf32>
          %mul3A_1116 = arith.constant 10 : i32
          %mul3A_1117 = arith.muli %while3A_823, %mul3A_1116 : i32
          %get3A_1118 = arith.index_cast %mul3A_1117 : i32 to index
          %get3A_1119 = arith.constant 0 : index
          %get3A_1120 = tpu.vector_load %arg41[%get3A_1118, %get3A_1119] {strides = array<i32>} : memref<640x16xf32, #tpu.memory_space<vmem>>, vector<16xf32>,
          %add3A_1121 = arith.constant 1 : i32
          %add3A_1122 = arith.addi %mul3A_1117, %add3A_1121 : i32
          %get3A_1123 = arith.index_cast %add3A_1122 : i32 to index
          %get3A_1124 = arith.constant 0 : index
          %get3A_1125 = tpu.vector_load %arg41[%get3A_1123, %get3A_1124] {strides = array<i32>} : memref<640x16xf32, #tpu.memory_space<vmem>>, vector<16xf32>,
          %add3A_1126 = arith.addf %get3A_1120, %get3A_1125 : vector<16xf32>
          %add3A_1127 = arith.constant 2 : i32
          %add3A_1128 = arith.addi %mul3A_1117, %add3A_1127 : i32
          %get3A_1129 = arith.index_cast %add3A_1128 : i32 to index
          %get3A_1130 = arith.constant 0 : index
          %get3A_1131 = tpu.vector_load %arg41[%get3A_1129, %get3A_1130] {strides = array<i32>} : memref<640x16xf32, #tpu.memory_space<vmem>>, vector<16xf32>,
          %add3A_1132 = arith.addf %add3A_1126, %get3A_1131 : vector<16xf32>
          %add3A_1133 = arith.constant 3 : i32
          %add3A_1134 = arith.addi %mul3A_1117, %add3A_1133 : i32
          %get3A_1135 = arith.index_cast %add3A_1134 : i32 to index
          %get3A_1136 = arith.constant 0 : index
          %get3A_1137 = tpu.vector_load %arg41[%get3A_1135, %get3A_1136] {strides = array<i32>} : memref<640x16xf32, #tpu.memory_space<vmem>>, vector<16xf32>,
          %add3A_1138 = arith.addf %add3A_1132, %get3A_1137 : vector<16xf32>
          %add3A_1139 = arith.constant 4 : i32
          %add3A_1140 = arith.addi %mul3A_1117, %add3A_1139 : i32
          %get3A_1141 = arith.index_cast %add3A_1140 : i32 to index
          %get3A_1142 = arith.constant 0 : index
          %get3A_1143 = tpu.vector_load %arg41[%get3A_1141, %get3A_1142] {strides = array<i32>} : memref<640x16xf32, #tpu.memory_space<vmem>>, vector<16xf32>,
          %add3A_1144 = arith.addf %add3A_1138, %get3A_1143 : vector<16xf32>
          %add3A_1145 = arith.constant 5 : i32
          %add3A_1146 = arith.addi %mul3A_1117, %add3A_1145 : i32
          %get3A_1147 = arith.index_cast %add3A_1146 : i32 to index
          %get3A_1148 = arith.constant 0 : index
          %get3A_1149 = tpu.vector_load %arg41[%get3A_1147, %get3A_1148] {strides = array<i32>} : memref<640x16xf32, #tpu.memory_space<vmem>>, vector<16xf32>,
          %add3A_1150 = arith.addf %add3A_1144, %get3A_1149 : vector<16xf32>
          %add3A_1151 = arith.constant 6 : i32
          %add3A_1152 = arith.addi %mul3A_1117, %add3A_1151 : i32
          %get3A_1153 = arith.index_cast %add3A_1152 : i32 to index
          %get3A_1154 = arith.constant 0 : index
          %get3A_1155 = tpu.vector_load %arg41[%get3A_1153, %get3A_1154] {strides = array<i32>} : memref<640x16xf32, #tpu.memory_space<vmem>>, vector<16xf32>,
          %add3A_1156 = arith.addf %add3A_1150, %get3A_1155 : vector<16xf32>
          %add3A_1157 = arith.constant 7 : i32
          %add3A_1158 = arith.addi %mul3A_1117, %add3A_1157 : i32
          %get3A_1159 = arith.index_cast %add3A_1158 : i32 to index
          %get3A_1160 = arith.constant 0 : index
          %get3A_1161 = tpu.vector_load %arg41[%get3A_1159, %get3A_1160] {strides = array<i32>} : memref<640x16xf32, #tpu.memory_space<vmem>>, vector<16xf32>,
          %add3A_1162 = arith.addf %add3A_1156, %get3A_1161 : vector<16xf32>
          %add3A_1163 = arith.constant 8 : i32
          %add3A_1164 = arith.addi %mul3A_1117, %add3A_1163 : i32
          %get3A_1165 = arith.index_cast %add3A_1164 : i32 to index
          %get3A_1166 = arith.constant 0 : index
          %get3A_1167 = tpu.vector_load %arg41[%get3A_1165, %get3A_1166] {strides = array<i32>} : memref<640x16xf32, #tpu.memory_space<vmem>>, vector<16xf32>,
          %add3A_1168 = arith.addf %add3A_1162, %get3A_1167 : vector<16xf32>
          %add3A_1169 = arith.constant 9 : i32
          %add3A_1170 = arith.addi %mul3A_1117, %add3A_1169 : i32
          %get3A_1171 = arith.index_cast %add3A_1170 : i32 to index
          %get3A_1172 = arith.constant 0 : index
          %get3A_1173 = tpu.vector_load %arg41[%get3A_1171, %get3A_1172] {strides = array<i32>} : memref<640x16xf32, #tpu.memory_space<vmem>>, vector<16xf32>,
          %add3A_1174 = arith.addf %add3A_1168, %get3A_1173 : vector<16xf32>
          %mul3A_1175 = arith.mulf %get3A_847, %add3A_1174 : vector<16xf32>
          %add3A_1176 = arith.addf %add3A_1110, %mul3A_1175 : vector<16xf32>
          %mul3A_1177 = arith.constant 5 : i32
          %mul3A_1178 = arith.muli %while3A_823, %mul3A_1177 : i32
          %get3A_1179 = arith.index_cast %mul3A_1178 : i32 to index
          %get3A_1180 = arith.constant 0 : index
          %get3A_1181 = tpu.vector_load %arg42[%get3A_1179, %get3A_1180] {strides = array<i32>} : memref<320x32xf32, #tpu.memory_space<vmem>>, vector<16xf32>,
          %get3A_1182 = arith.index_cast %mul3A_1178 : i32 to index
          %get3A_1183 = arith.constant 16 : index
          %get3A_1184 = tpu.vector_load %arg42[%get3A_1182, %get3A_1183] {strides = array<i32>} : memref<320x32xf32, #tpu.memory_space<vmem>>, vector<16xf32>,
          %add3A_1185 = arith.constant 1 : i32
          %add3A_1186 = arith.addi %mul3A_1178, %add3A_1185 : i32
          %get3A_1187 = arith.index_cast %add3A_1186 : i32 to index
          %get3A_1188 = arith.constant 0 : index
          %get3A_1189 = tpu.vector_load %arg42[%get3A_1187, %get3A_1188] {strides = array<i32>} : memref<320x32xf32, #tpu.memory_space<vmem>>, vector<16xf32>,
          %add3A_1190 = arith.addf %get3A_1181, %get3A_1189 : vector<16xf32>
          %add3A_1191 = arith.constant 1 : i32
          %add3A_1192 = arith.addi %mul3A_1178, %add3A_1191 : i32
          %get3A_1193 = arith.index_cast %add3A_1192 : i32 to index
          %get3A_1194 = arith.constant 16 : index
          %get3A_1195 = tpu.vector_load %arg42[%get3A_1193, %get3A_1194] {strides = array<i32>} : memref<320x32xf32, #tpu.memory_space<vmem>>, vector<16xf32>,
          %add3A_1196 = arith.addf %get3A_1184, %get3A_1195 : vector<16xf32>
          %add3A_1197 = arith.constant 2 : i32
          %add3A_1198 = arith.addi %mul3A_1178, %add3A_1197 : i32
          %get3A_1199 = arith.index_cast %add3A_1198 : i32 to index
          %get3A_1200 = arith.constant 0 : index
          %get3A_1201 = tpu.vector_load %arg42[%get3A_1199, %get3A_1200] {strides = array<i32>} : memref<320x32xf32, #tpu.memory_space<vmem>>, vector<16xf32>,
          %add3A_1202 = arith.addf %add3A_1190, %get3A_1201 : vector<16xf32>
          %add3A_1203 = arith.constant 2 : i32
          %add3A_1204 = arith.addi %mul3A_1178, %add3A_1203 : i32
          %get3A_1205 = arith.index_cast %add3A_1204 : i32 to index
          %get3A_1206 = arith.constant 16 : index
          %get3A_1207 = tpu.vector_load %arg42[%get3A_1205, %get3A_1206] {strides = array<i32>} : memref<320x32xf32, #tpu.memory_space<vmem>>, vector<16xf32>,
          %add3A_1208 = arith.addf %add3A_1196, %get3A_1207 : vector<16xf32>
          %add3A_1209 = arith.constant 3 : i32
          %add3A_1210 = arith.addi %mul3A_1178, %add3A_1209 : i32
          %get3A_1211 = arith.index_cast %add3A_1210 : i32 to index
          %get3A_1212 = arith.constant 0 : index
          %get3A_1213 = tpu.vector_load %arg42[%get3A_1211, %get3A_1212] {strides = array<i32>} : memref<320x32xf32, #tpu.memory_space<vmem>>, vector<16xf32>,
          %add3A_1214 = arith.addf %add3A_1202, %get3A_1213 : vector<16xf32>
          %add3A_1215 = arith.constant 3 : i32
          %add3A_1216 = arith.addi %mul3A_1178, %add3A_1215 : i32
          %get3A_1217 = arith.index_cast %add3A_1216 : i32 to index
          %get3A_1218 = arith.constant 16 : index
          %get3A_1219 = tpu.vector_load %arg42[%get3A_1217, %get3A_1218] {strides = array<i32>} : memref<320x32xf32, #tpu.memory_space<vmem>>, vector<16xf32>,
          %add3A_1220 = arith.addf %add3A_1208, %get3A_1219 : vector<16xf32>
          %add3A_1221 = arith.constant 4 : i32
          %add3A_1222 = arith.addi %mul3A_1178, %add3A_1221 : i32
          %get3A_1223 = arith.index_cast %add3A_1222 : i32 to index
          %get3A_1224 = arith.constant 0 : index
          %get3A_1225 = tpu.vector_load %arg42[%get3A_1223, %get3A_1224] {strides = array<i32>} : memref<320x32xf32, #tpu.memory_space<vmem>>, vector<16xf32>,
          %add3A_1226 = arith.addf %add3A_1214, %get3A_1225 : vector<16xf32>
          %add3A_1227 = arith.constant 4 : i32
          %add3A_1228 = arith.addi %mul3A_1178, %add3A_1227 : i32
          %get3A_1229 = arith.index_cast %add3A_1228 : i32 to index
          %get3A_1230 = arith.constant 16 : index
          %get3A_1231 = tpu.vector_load %arg42[%get3A_1229, %get3A_1230] {strides = array<i32>} : memref<320x32xf32, #tpu.memory_space<vmem>>, vector<16xf32>,
          %add3A_1232 = arith.addf %add3A_1220, %get3A_1231 : vector<16xf32>
          %mul3A_1233 = arith.mulf %get3A_847, %add3A_1226 : vector<16xf32>
          %add3A_1234 = arith.addf %add3A_1115, %mul3A_1233 : vector<16xf32>
          %mul3A_1235 = arith.mulf %get3A_852, %add3A_1232 : vector<16xf32>
          %add3A_1236 = arith.addf %add3A_1176, %mul3A_1235 : vector<16xf32>
          %mul3A_1237 = arith.constant 5 : i32
          %mul3A_1238 = arith.muli %while3A_823, %mul3A_1237 : i32
          %get3A_1239 = arith.index_cast %mul3A_1238 : i32 to index
          %get3A_1240 = arith.constant 0 : index
          %get3A_1241 = tpu.vector_load %arg43[%get3A_1239, %get3A_1240] {strides = array<i32>} : memref<320x32xf32, #tpu.memory_space<vmem>>, vector<16xf32>,
          %get3A_1242 = arith.index_cast %mul3A_1238 : i32 to index
          %get3A_1243 = arith.constant 16 : index
          %get3A_1244 = tpu.vector_load %arg43[%get3A_1242, %get3A_1243] {strides = array<i32>} : memref<320x32xf32, #tpu.memory_space<vmem>>, vector<16xf32>,
          %add3A_1245 = arith.constant 1 : i32
          %add3A_1246 = arith.addi %mul3A_1238, %add3A_1245 : i32
          %get3A_1247 = arith.index_cast %add3A_1246 : i32 to index
          %get3A_1248 = arith.constant 0 : index
          %get3A_1249 = tpu.vector_load %arg43[%get3A_1247, %get3A_1248] {strides = array<i32>} : memref<320x32xf32, #tpu.memory_space<vmem>>, vector<16xf32>,
          %add3A_1250 = arith.addf %get3A_1241, %get3A_1249 : vector<16xf32>
          %add3A_1251 = arith.constant 1 : i32
          %add3A_1252 = arith.addi %mul3A_1238, %add3A_1251 : i32
          %get3A_1253 = arith.index_cast %add3A_1252 : i32 to index
          %get3A_1254 = arith.constant 16 : index
          %get3A_1255 = tpu.vector_load %arg43[%get3A_1253, %get3A_1254] {strides = array<i32>} : memref<320x32xf32, #tpu.memory_space<vmem>>, vector<16xf32>,
          %add3A_1256 = arith.addf %get3A_1244, %get3A_1255 : vector<16xf32>
          %add3A_1257 = arith.constant 2 : i32
          %add3A_1258 = arith.addi %mul3A_1238, %add3A_1257 : i32
          %get3A_1259 = arith.index_cast %add3A_1258 : i32 to index
          %get3A_1260 = arith.constant 0 : index
          %get3A_1261 = tpu.vector_load %arg43[%get3A_1259, %get3A_1260] {strides = array<i32>} : memref<320x32xf32, #tpu.memory_space<vmem>>, vector<16xf32>,
          %add3A_1262 = arith.addf %add3A_1250, %get3A_1261 : vector<16xf32>
          %add3A_1263 = arith.constant 2 : i32
          %add3A_1264 = arith.addi %mul3A_1238, %add3A_1263 : i32
          %get3A_1265 = arith.index_cast %add3A_1264 : i32 to index
          %get3A_1266 = arith.constant 16 : index
          %get3A_1267 = tpu.vector_load %arg43[%get3A_1265, %get3A_1266] {strides = array<i32>} : memref<320x32xf32, #tpu.memory_space<vmem>>, vector<16xf32>,
          %add3A_1268 = arith.addf %add3A_1256, %get3A_1267 : vector<16xf32>
          %add3A_1269 = arith.constant 3 : i32
          %add3A_1270 = arith.addi %mul3A_1238, %add3A_1269 : i32
          %get3A_1271 = arith.index_cast %add3A_1270 : i32 to index
          %get3A_1272 = arith.constant 0 : index
          %get3A_1273 = tpu.vector_load %arg43[%get3A_1271, %get3A_1272] {strides = array<i32>} : memref<320x32xf32, #tpu.memory_space<vmem>>, vector<16xf32>,
          %add3A_1274 = arith.addf %add3A_1262, %get3A_1273 : vector<16xf32>
          %add3A_1275 = arith.constant 3 : i32
          %add3A_1276 = arith.addi %mul3A_1238, %add3A_1275 : i32
          %get3A_1277 = arith.index_cast %add3A_1276 : i32 to index
          %get3A_1278 = arith.constant 16 : index
          %get3A_1279 = tpu.vector_load %arg43[%get3A_1277, %get3A_1278] {strides = array<i32>} : memref<320x32xf32, #tpu.memory_space<vmem>>, vector<16xf32>,
          %add3A_1280 = arith.addf %add3A_1268, %get3A_1279 : vector<16xf32>
          %add3A_1281 = arith.constant 4 : i32
          %add3A_1282 = arith.addi %mul3A_1238, %add3A_1281 : i32
          %get3A_1283 = arith.index_cast %add3A_1282 : i32 to index
          %get3A_1284 = arith.constant 0 : index
          %get3A_1285 = tpu.vector_load %arg43[%get3A_1283, %get3A_1284] {strides = array<i32>} : memref<320x32xf32, #tpu.memory_space<vmem>>, vector<16xf32>,
          %add3A_1286 = arith.addf %add3A_1274, %get3A_1285 : vector<16xf32>
          %add3A_1287 = arith.constant 4 : i32
          %add3A_1288 = arith.addi %mul3A_1238, %add3A_1287 : i32
          %get3A_1289 = arith.index_cast %add3A_1288 : i32 to index
          %get3A_1290 = arith.constant 16 : index
          %get3A_1291 = tpu.vector_load %arg43[%get3A_1289, %get3A_1290] {strides = array<i32>} : memref<320x32xf32, #tpu.memory_space<vmem>>, vector<16xf32>,
          %add3A_1292 = arith.addf %add3A_1280, %get3A_1291 : vector<16xf32>
          %mul3A_1293 = arith.mulf %get3A_852, %add3A_1286 : vector<16xf32>
          %add3A_1294 = arith.addf %add3A_1234, %mul3A_1293 : vector<16xf32>
          %mul3A_1295 = arith.mulf %get3A_857, %add3A_1292 : vector<16xf32>
          %add3A_1296 = arith.addf %add3A_1236, %mul3A_1295 : vector<16xf32>
          %mul3A_1297 = arith.constant 3 : i32
          %mul3A_1298 = arith.muli %while3A_823, %mul3A_1297 : i32
          %get3A_1299 = arith.index_cast %mul3A_1298 : i32 to index
          %get3A_1300 = arith.constant 0 : index
          %get3A_1301 = tpu.vector_load %arg44[%get3A_1299, %get3A_1300] {strides = array<i32>} : memref<192x16xf32, #tpu.memory_space<vmem>>, vector<16xf32>,
          %add3A_1302 = arith.constant 1 : i32
          %add3A_1303 = arith.addi %mul3A_1298, %add3A_1302 : i32
          %get3A_1304 = arith.index_cast %add3A_1303 : i32 to index
          %get3A_1305 = arith.constant 0 : index
          %get3A_1306 = tpu.vector_load %arg44[%get3A_1304, %get3A_1305] {strides = array<i32>} : memref<192x16xf32, #tpu.memory_space<vmem>>, vector<16xf32>,
          %add3A_1307 = arith.addf %get3A_1301, %get3A_1306 : vector<16xf32>
          %add3A_1308 = arith.constant 2 : i32
          %add3A_1309 = arith.addi %mul3A_1298, %add3A_1308 : i32
          %get3A_1310 = arith.index_cast %add3A_1309 : i32 to index
          %get3A_1311 = arith.constant 0 : index
          %get3A_1312 = tpu.vector_load %arg44[%get3A_1310, %get3A_1311] {strides = array<i32>} : memref<192x16xf32, #tpu.memory_space<vmem>>, vector<16xf32>,
          %add3A_1313 = arith.addf %add3A_1307, %get3A_1312 : vector<16xf32>
          %mul3A_1314 = arith.mulf %get3A_857, %add3A_1313 : vector<16xf32>
          %add3A_1315 = arith.addf %add3A_1294, %mul3A_1314 : vector<16xf32>
          %get3A_1316 = arith.index_cast %while3A_823 : i32 to index
          %get3A_1317 = arith.constant 0 : index
          %get3A_1318 = tpu.vector_load %arg45[%get3A_1316, %get3A_1317] {strides = array<i32>} : memref<64x16xf32, #tpu.memory_space<vmem>>, vector<16xf32>,
          %mul3A_1319 = arith.mulf %get3A_862, %get3A_1318 : vector<16xf32>
          %add3A_1320 = arith.addf %add3A_1296, %mul3A_1319 : vector<16xf32>
          %add3A_1321 = arith.addf %add3A_1315, %add3A_1320 : vector<16xf32>
          %reduce_sum3A = arith.constant true
          %reduce_sum3A_1322 = vector.broadcast %reduce_sum3A : i1 to vector<16xi1>
          %reduce_sum3A_1323 = tpu.scan <sum>, %add3A_1321 masked %reduce_sum3A_1322 : vector<16xf32>, vector<16xi1> -> vector<16xf32>
          %reduce_sum3A_1324 = vector.extract %reduce_sum3A_1323[15] : f32 from vector<16xf32>
          %jit3A = arith.constant 16 : i32
          %eq3A = arith.constant 0 : i32
          %eq3A_1325 = arith.cmpi eq, %jit3A, %eq3A : i32
          %jit3A_1326 = arith.constant 1 : i32
          %select_n3A = arith.select %eq3A_1325, %jit3A_1326, %jit3A : i32
          %rem3A = arith.remsi %while3A_823, %select_n3A : i32
          %ne3A = arith.constant 0 : i32
          %ne3A_1327 = arith.cmpi ne, %rem3A, %ne3A : i32
          %lt3A = arith.constant 0 : i32
          %lt3A_1328 = arith.cmpi slt, %rem3A, %lt3A : i32
          %lt3A_1329 = arith.constant 0 : i32
          %lt3A_1330 = arith.cmpi slt, %select_n3A, %lt3A_1329 : i32
          %ne3A_1331 = arith.xori %lt3A_1328, %lt3A_1330 : i1
          %and3A_1332 = arith.andi %ne3A_1331, %ne3A_1327 : i1
          %add3A_1333 = arith.addi %rem3A, %select_n3A : i32
          %select_n3A_1334 = arith.select %and3A_1332, %add3A_1333, %rem3A : i32
          %eq3A_1335 = vector.broadcast %select_n3A_1334 : i32 to vector<16xi32>
          %eq3A_1336 = arith.cmpi eq, %iota3A_791, %eq3A_1335 : vector<16xi32>
          %broadcast_in_dim3A_1337 = vector.broadcast %reduce_sum3A_1324 : f32 to vector<16xf32>
          %select_n3A_1338 = arith.select %eq3A_1336, %broadcast_in_dim3A_1337, %while3A_824 : vector<16xi1>, vector<16xf32>
          scf.yield %select_n3A_1338 : vector<16xf32>
        }
        %while3A_816 = arith.constant 1 : i32
        %while3A_817 = scf.for %while3A_823 = %while3A_813 to %while3A_809 step %while3A_816 iter_args(%while3A_824 = %while3A_815) -> (vector<16xf32>)  : i32 {
          %get3A_825 = arith.index_cast %while3A_823 : i32 to index
          %get3A_826 = tpu.vector_load %arg21[%get3A_825] {strides = array<i32>} : memref<80xi32, #tpu.memory_space<vmem>>, vector<16xi32>,
          %slice3A = vector.extract_strided_slice %get3A_826 {offsets = [0], sizes = [1], strides = [1]} : vector<16xi32> to vector<1xi32>
          %squeeze3A = vector.extract %slice3A[0] : i32 from vector<1xi32>
          %and3A = arith.constant 3 : i32
          %and3A_827 = arith.andi %squeeze3A, %and3A : i32
          %mul3A_828 = arith.constant 100 : i32
          %mul3A_829 = arith.muli %and3A_827, %mul3A_828 : i32
          %get3A_830 = arith.index_cast %while3A_823 : i32 to index
          %get3A_831 = arith.index_cast %mul3A_829 : i32 to index
          %get3A_832 = tpu.vector_load %arg37[%get3A_830, %get3A_831] {strides = array<i32>} : memref<64x400xf32, #tpu.memory_space<vmem>>, vector<16xf32>,
          %add3A_833 = arith.constant 16 : i32
          %add3A_834 = arith.addi %mul3A_829, %add3A_833 : i32
          %get3A_835 = arith.index_cast %while3A_823 : i32 to index
          %get3A_836 = arith.index_cast %add3A_834 : i32 to index
          %get3A_837 = tpu.vector_load %arg37[%get3A_835, %get3A_836] {strides = array<i32>} : memref<64x400xf32, #tpu.memory_space<vmem>>, vector<16xf32>,
          %add3A_838 = arith.constant 32 : i32
          %add3A_839 = arith.addi %mul3A_829, %add3A_838 : i32
          %get3A_840 = arith.index_cast %while3A_823 : i32 to index
          %get3A_841 = arith.index_cast %add3A_839 : i32 to index
          %get3A_842 = tpu.vector_load %arg37[%get3A_840, %get3A_841] {strides = array<i32>} : memref<64x400xf32, #tpu.memory_space<vmem>>, vector<16xf32>,
          %add3A_843 = arith.constant 48 : i32
          %add3A_844 = arith.addi %mul3A_829, %add3A_843 : i32
          %get3A_845 = arith.index_cast %while3A_823 : i32 to index
          %get3A_846 = arith.index_cast %add3A_844 : i32 to index
          %get3A_847 = tpu.vector_load %arg37[%get3A_845, %get3A_846] {strides = array<i32>} : memref<64x400xf32, #tpu.memory_space<vmem>>, vector<16xf32>,
          %add3A_848 = arith.constant 64 : i32
          %add3A_849 = arith.addi %mul3A_829, %add3A_848 : i32
          %get3A_850 = arith.index_cast %while3A_823 : i32 to index
          %get3A_851 = arith.index_cast %add3A_849 : i32 to index
          %get3A_852 = tpu.vector_load %arg37[%get3A_850, %get3A_851] {strides = array<i32>} : memref<64x400xf32, #tpu.memory_space<vmem>>, vector<16xf32>,
          %add3A_853 = arith.constant 80 : i32
          %add3A_854 = arith.addi %mul3A_829, %add3A_853 : i32
          %get3A_855 = arith.index_cast %while3A_823 : i32 to index
          %get3A_856 = arith.index_cast %add3A_854 : i32 to index
          %get3A_857 = tpu.vector_load %arg37[%get3A_855, %get3A_856] {strides = array<i32>} : memref<64x400xf32, #tpu.memory_space<vmem>>, vector<16xf32>,
          %add3A_858 = arith.constant 84 : i32
          %add3A_859 = arith.addi %mul3A_829, %add3A_858 : i32
          %get3A_860 = arith.index_cast %while3A_823 : i32 to index
          %get3A_861 = arith.index_cast %add3A_859 : i32 to index
          %get3A_862 = tpu.vector_load %arg37[%get3A_860, %get3A_861] {strides = array<i32>} : memref<64x400xf32, #tpu.memory_space<vmem>>, vector<16xf32>,
          %get3A_863 = arith.index_cast %while3A_823 : i32 to index
          %get3A_864 = arith.constant 0 : index
          %get3A_865 = tpu.vector_load %arg38[%get3A_863, %get3A_864] {strides = array<i32>} : memref<64x32xf32, #tpu.memory_space<vmem>>, vector<16xf32>,
          %mul3A_866 = arith.mulf %get3A_832, %get3A_865 : vector<16xf32>
          %get3A_867 = arith.index_cast %while3A_823 : i32 to index
          %get3A_868 = arith.constant 16 : index
          %get3A_869 = tpu.vector_load %arg38[%get3A_867, %get3A_868] {strides = array<i32>} : memref<64x32xf32, #tpu.memory_space<vmem>>, vector<16xf32>,
          %mul3A_870 = arith.mulf %get3A_837, %get3A_869 : vector<16xf32>
          %mul3A_871 = arith.constant 20 : i32
          %mul3A_872 = arith.muli %while3A_823, %mul3A_871 : i32
          %get3A_873 = arith.index_cast %mul3A_872 : i32 to index
          %get3A_874 = arith.constant 0 : index
          %get3A_875 = tpu.vector_load %arg39[%get3A_873, %get3A_874] {strides = array<i32>} : memref<1280x32xf32, #tpu.memory_space<vmem>>, vector<16xf32>,
          %get3A_876 = arith.index_cast %mul3A_872 : i32 to index
          %get3A_877 = arith.constant 16 : index
          %get3A_878 = tpu.vector_load %arg39[%get3A_876, %get3A_877] {strides = array<i32>} : memref<1280x32xf32, #tpu.memory_space<vmem>>, vector<16xf32>,
          %add3A_879 = arith.constant 1 : i32
          %add3A_880 = arith.addi %mul3A_872, %add3A_879 : i32
          %get3A_881 = arith.index_cast %add3A_880 : i32 to index
          %get3A_882 = arith.constant 0 : index
          %get3A_883 = tpu.vector_load %arg39[%get3A_881, %get3A_882] {strides = array<i32>} : memref<1280x32xf32, #tpu.memory_space<vmem>>, vector<16xf32>,
          %add3A_884 = arith.addf %get3A_875, %get3A_883 : vector<16xf32>
          %add3A_885 = arith.constant 1 : i32
          %add3A_886 = arith.addi %mul3A_872, %add3A_885 : i32
          %get3A_887 = arith.index_cast %add3A_886 : i32 to index
          %get3A_888 = arith.constant 16 : index
          %get3A_889 = tpu.vector_load %arg39[%get3A_887, %get3A_888] {strides = array<i32>} : memref<1280x32xf32, #tpu.memory_space<vmem>>, vector<16xf32>,
          %add3A_890 = arith.addf %get3A_878, %get3A_889 : vector<16xf32>
          %add3A_891 = arith.constant 2 : i32
          %add3A_892 = arith.addi %mul3A_872, %add3A_891 : i32
          %get3A_893 = arith.index_cast %add3A_892 : i32 to index
          %get3A_894 = arith.constant 0 : index
          %get3A_895 = tpu.vector_load %arg39[%get3A_893, %get3A_894] {strides = array<i32>} : memref<1280x32xf32, #tpu.memory_space<vmem>>, vector<16xf32>,
          %add3A_896 = arith.addf %add3A_884, %get3A_895 : vector<16xf32>
          %add3A_897 = arith.constant 2 : i32
          %add3A_898 = arith.addi %mul3A_872, %add3A_897 : i32
          %get3A_899 = arith.index_cast %add3A_898 : i32 to index
          %get3A_900 = arith.constant 16 : index
          %get3A_901 = tpu.vector_load %arg39[%get3A_899, %get3A_900] {strides = array<i32>} : memref<1280x32xf32, #tpu.memory_space<vmem>>, vector<16xf32>,
          %add3A_902 = arith.addf %add3A_890, %get3A_901 : vector<16xf32>
          %add3A_903 = arith.constant 3 : i32
          %add3A_904 = arith.addi %mul3A_872, %add3A_903 : i32
          %get3A_905 = arith.index_cast %add3A_904 : i32 to index
          %get3A_906 = arith.constant 0 : index
          %get3A_907 = tpu.vector_load %arg39[%get3A_905, %get3A_906] {strides = array<i32>} : memref<1280x32xf32, #tpu.memory_space<vmem>>, vector<16xf32>,
          %add3A_908 = arith.addf %add3A_896, %get3A_907 : vector<16xf32>
          %add3A_909 = arith.constant 3 : i32
          %add3A_910 = arith.addi %mul3A_872, %add3A_909 : i32
          %get3A_911 = arith.index_cast %add3A_910 : i32 to index
          %get3A_912 = arith.constant 16 : index
          %get3A_913 = tpu.vector_load %arg39[%get3A_911, %get3A_912] {strides = array<i32>} : memref<1280x32xf32, #tpu.memory_space<vmem>>, vector<16xf32>,
          %add3A_914 = arith.addf %add3A_902, %get3A_913 : vector<16xf32>
          %add3A_915 = arith.constant 4 : i32
          %add3A_916 = arith.addi %mul3A_872, %add3A_915 : i32
          %get3A_917 = arith.index_cast %add3A_916 : i32 to index
          %get3A_918 = arith.constant 0 : index
          %get3A_919 = tpu.vector_load %arg39[%get3A_917, %get3A_918] {strides = array<i32>} : memref<1280x32xf32, #tpu.memory_space<vmem>>, vector<16xf32>,
          %add3A_920 = arith.addf %add3A_908, %get3A_919 : vector<16xf32>
          %add3A_921 = arith.constant 4 : i32
          %add3A_922 = arith.addi %mul3A_872, %add3A_921 : i32
          %get3A_923 = arith.index_cast %add3A_922 : i32 to index
          %get3A_924 = arith.constant 16 : index
          %get3A_925 = tpu.vector_load %arg39[%get3A_923, %get3A_924] {strides = array<i32>} : memref<1280x32xf32, #tpu.memory_space<vmem>>, vector<16xf32>,
          %add3A_926 = arith.addf %add3A_914, %get3A_925 : vector<16xf32>
          %add3A_927 = arith.constant 5 : i32
          %add3A_928 = arith.addi %mul3A_872, %add3A_927 : i32
          %get3A_929 = arith.index_cast %add3A_928 : i32 to index
          %get3A_930 = arith.constant 0 : index
          %get3A_931 = tpu.vector_load %arg39[%get3A_929, %get3A_930] {strides = array<i32>} : memref<1280x32xf32, #tpu.memory_space<vmem>>, vector<16xf32>,
          %add3A_932 = arith.addf %add3A_920, %get3A_931 : vector<16xf32>
          %add3A_933 = arith.constant 5 : i32
          %add3A_934 = arith.addi %mul3A_872, %add3A_933 : i32
          %get3A_935 = arith.index_cast %add3A_934 : i32 to index
          %get3A_936 = arith.constant 16 : index
          %get3A_937 = tpu.vector_load %arg39[%get3A_935, %get3A_936] {strides = array<i32>} : memref<1280x32xf32, #tpu.memory_space<vmem>>, vector<16xf32>,
          %add3A_938 = arith.addf %add3A_926, %get3A_937 : vector<16xf32>
          %add3A_939 = arith.constant 6 : i32
          %add3A_940 = arith.addi %mul3A_872, %add3A_939 : i32
          %get3A_941 = arith.index_cast %add3A_940 : i32 to index
          %get3A_942 = arith.constant 0 : index
          %get3A_943 = tpu.vector_load %arg39[%get3A_941, %get3A_942] {strides = array<i32>} : memref<1280x32xf32, #tpu.memory_space<vmem>>, vector<16xf32>,
          %add3A_944 = arith.addf %add3A_932, %get3A_943 : vector<16xf32>
          %add3A_945 = arith.constant 6 : i32
          %add3A_946 = arith.addi %mul3A_872, %add3A_945 : i32
          %get3A_947 = arith.index_cast %add3A_946 : i32 to index
          %get3A_948 = arith.constant 16 : index
          %get3A_949 = tpu.vector_load %arg39[%get3A_947, %get3A_948] {strides = array<i32>} : memref<1280x32xf32, #tpu.memory_space<vmem>>, vector<16xf32>,
          %add3A_950 = arith.addf %add3A_938, %get3A_949 : vector<16xf32>
          %add3A_951 = arith.constant 7 : i32
          %add3A_952 = arith.addi %mul3A_872, %add3A_951 : i32
          %get3A_953 = arith.index_cast %add3A_952 : i32 to index
          %get3A_954 = arith.constant 0 : index
          %get3A_955 = tpu.vector_load %arg39[%get3A_953, %get3A_954] {strides = array<i32>} : memref<1280x32xf32, #tpu.memory_space<vmem>>, vector<16xf32>,
          %add3A_956 = arith.addf %add3A_944, %get3A_955 : vector<16xf32>
          %add3A_957 = arith.constant 7 : i32
          %add3A_958 = arith.addi %mul3A_872, %add3A_957 : i32
          %get3A_959 = arith.index_cast %add3A_958 : i32 to index
          %get3A_960 = arith.constant 16 : index
          %get3A_961 = tpu.vector_load %arg39[%get3A_959, %get3A_960] {strides = array<i32>} : memref<1280x32xf32, #tpu.memory_space<vmem>>, vector<16xf32>,
          %add3A_962 = arith.addf %add3A_950, %get3A_961 : vector<16xf32>
          %add3A_963 = arith.constant 8 : i32
          %add3A_964 = arith.addi %mul3A_872, %add3A_963 : i32
          %get3A_965 = arith.index_cast %add3A_964 : i32 to index
          %get3A_966 = arith.constant 0 : index
          %get3A_967 = tpu.vector_load %arg39[%get3A_965, %get3A_966] {strides = array<i32>} : memref<1280x32xf32, #tpu.memory_space<vmem>>, vector<16xf32>,
          %add3A_968 = arith.addf %add3A_956, %get3A_967 : vector<16xf32>
          %add3A_969 = arith.constant 8 : i32
          %add3A_970 = arith.addi %mul3A_872, %add3A_969 : i32
          %get3A_971 = arith.index_cast %add3A_970 : i32 to index
          %get3A_972 = arith.constant 16 : index
          %get3A_973 = tpu.vector_load %arg39[%get3A_971, %get3A_972] {strides = array<i32>} : memref<1280x32xf32, #tpu.memory_space<vmem>>, vector<16xf32>,
          %add3A_974 = arith.addf %add3A_962, %get3A_973 : vector<16xf32>
          %add3A_975 = arith.constant 9 : i32
          %add3A_976 = arith.addi %mul3A_872, %add3A_975 : i32
          %get3A_977 = arith.index_cast %add3A_976 : i32 to index
          %get3A_978 = arith.constant 0 : index
          %get3A_979 = tpu.vector_load %arg39[%get3A_977, %get3A_978] {strides = array<i32>} : memref<1280x32xf32, #tpu.memory_space<vmem>>, vector<16xf32>,
          %add3A_980 = arith.addf %add3A_968, %get3A_979 : vector<16xf32>
          %add3A_981 = arith.constant 9 : i32
          %add3A_982 = arith.addi %mul3A_872, %add3A_981 : i32
          %get3A_983 = arith.index_cast %add3A_982 : i32 to index
          %get3A_984 = arith.constant 16 : index
          %get3A_985 = tpu.vector_load %arg39[%get3A_983, %get3A_984] {strides = array<i32>} : memref<1280x32xf32, #tpu.memory_space<vmem>>, vector<16xf32>,
          %add3A_986 = arith.addf %add3A_974, %get3A_985 : vector<16xf32>
          %add3A_987 = arith.constant 10 : i32
          %add3A_988 = arith.addi %mul3A_872, %add3A_987 : i32
          %get3A_989 = arith.index_cast %add3A_988 : i32 to index
          %get3A_990 = arith.constant 0 : index
          %get3A_991 = tpu.vector_load %arg39[%get3A_989, %get3A_990] {strides = array<i32>} : memref<1280x32xf32, #tpu.memory_space<vmem>>, vector<16xf32>,
          %add3A_992 = arith.addf %add3A_980, %get3A_991 : vector<16xf32>
          %add3A_993 = arith.constant 10 : i32
          %add3A_994 = arith.addi %mul3A_872, %add3A_993 : i32
          %get3A_995 = arith.index_cast %add3A_994 : i32 to index
          %get3A_996 = arith.constant 16 : index
          %get3A_997 = tpu.vector_load %arg39[%get3A_995, %get3A_996] {strides = array<i32>} : memref<1280x32xf32, #tpu.memory_space<vmem>>, vector<16xf32>,
          %add3A_998 = arith.addf %add3A_986, %get3A_997 : vector<16xf32>
          %add3A_999 = arith.constant 11 : i32
          %add3A_1000 = arith.addi %mul3A_872, %add3A_999 : i32
          %get3A_1001 = arith.index_cast %add3A_1000 : i32 to index
          %get3A_1002 = arith.constant 0 : index
          %get3A_1003 = tpu.vector_load %arg39[%get3A_1001, %get3A_1002] {strides = array<i32>} : memref<1280x32xf32, #tpu.memory_space<vmem>>, vector<16xf32>,
          %add3A_1004 = arith.addf %add3A_992, %get3A_1003 : vector<16xf32>
          %add3A_1005 = arith.constant 11 : i32
          %add3A_1006 = arith.addi %mul3A_872, %add3A_1005 : i32
          %get3A_1007 = arith.index_cast %add3A_1006 : i32 to index
          %get3A_1008 = arith.constant 16 : index
          %get3A_1009 = tpu.vector_load %arg39[%get3A_1007, %get3A_1008] {strides = array<i32>} : memref<1280x32xf32, #tpu.memory_space<vmem>>, vector<16xf32>,
          %add3A_1010 = arith.addf %add3A_998, %get3A_1009 : vector<16xf32>
          %add3A_1011 = arith.constant 12 : i32
          %add3A_1012 = arith.addi %mul3A_872, %add3A_1011 : i32
          %get3A_1013 = arith.index_cast %add3A_1012 : i32 to index
          %get3A_1014 = arith.constant 0 : index
          %get3A_1015 = tpu.vector_load %arg39[%get3A_1013, %get3A_1014] {strides = array<i32>} : memref<1280x32xf32, #tpu.memory_space<vmem>>, vector<16xf32>,
          %add3A_1016 = arith.addf %add3A_1004, %get3A_1015 : vector<16xf32>
          %add3A_1017 = arith.constant 12 : i32
          %add3A_1018 = arith.addi %mul3A_872, %add3A_1017 : i32
          %get3A_1019 = arith.index_cast %add3A_1018 : i32 to index
          %get3A_1020 = arith.constant 16 : index
          %get3A_1021 = tpu.vector_load %arg39[%get3A_1019, %get3A_1020] {strides = array<i32>} : memref<1280x32xf32, #tpu.memory_space<vmem>>, vector<16xf32>,
          %add3A_1022 = arith.addf %add3A_1010, %get3A_1021 : vector<16xf32>
          %add3A_1023 = arith.constant 13 : i32
          %add3A_1024 = arith.addi %mul3A_872, %add3A_1023 : i32
          %get3A_1025 = arith.index_cast %add3A_1024 : i32 to index
          %get3A_1026 = arith.constant 0 : index
          %get3A_1027 = tpu.vector_load %arg39[%get3A_1025, %get3A_1026] {strides = array<i32>} : memref<1280x32xf32, #tpu.memory_space<vmem>>, vector<16xf32>,
          %add3A_1028 = arith.addf %add3A_1016, %get3A_1027 : vector<16xf32>
          %add3A_1029 = arith.constant 13 : i32
          %add3A_1030 = arith.addi %mul3A_872, %add3A_1029 : i32
          %get3A_1031 = arith.index_cast %add3A_1030 : i32 to index
          %get3A_1032 = arith.constant 16 : index
          %get3A_1033 = tpu.vector_load %arg39[%get3A_1031, %get3A_1032] {strides = array<i32>} : memref<1280x32xf32, #tpu.memory_space<vmem>>, vector<16xf32>,
          %add3A_1034 = arith.addf %add3A_1022, %get3A_1033 : vector<16xf32>
          %add3A_1035 = arith.constant 14 : i32
          %add3A_1036 = arith.addi %mul3A_872, %add3A_1035 : i32
          %get3A_1037 = arith.index_cast %add3A_1036 : i32 to index
          %get3A_1038 = arith.constant 0 : index
          %get3A_1039 = tpu.vector_load %arg39[%get3A_1037, %get3A_1038] {strides = array<i32>} : memref<1280x32xf32, #tpu.memory_space<vmem>>, vector<16xf32>,
          %add3A_1040 = arith.addf %add3A_1028, %get3A_1039 : vector<16xf32>
          %add3A_1041 = arith.constant 14 : i32
          %add3A_1042 = arith.addi %mul3A_872, %add3A_1041 : i32
          %get3A_1043 = arith.index_cast %add3A_1042 : i32 to index
          %get3A_1044 = arith.constant 16 : index
          %get3A_1045 = tpu.vector_load %arg39[%get3A_1043, %get3A_1044] {strides = array<i32>} : memref<1280x32xf32, #tpu.memory_space<vmem>>, vector<16xf32>,
          %add3A_1046 = arith.addf %add3A_1034, %get3A_1045 : vector<16xf32>
          %add3A_1047 = arith.constant 15 : i32
          %add3A_1048 = arith.addi %mul3A_872, %add3A_1047 : i32
          %get3A_1049 = arith.index_cast %add3A_1048 : i32 to index
          %get3A_1050 = arith.constant 0 : index
          %get3A_1051 = tpu.vector_load %arg39[%get3A_1049, %get3A_1050] {strides = array<i32>} : memref<1280x32xf32, #tpu.memory_space<vmem>>, vector<16xf32>,
          %add3A_1052 = arith.addf %add3A_1040, %get3A_1051 : vector<16xf32>
          %add3A_1053 = arith.constant 15 : i32
          %add3A_1054 = arith.addi %mul3A_872, %add3A_1053 : i32
          %get3A_1055 = arith.index_cast %add3A_1054 : i32 to index
          %get3A_1056 = arith.constant 16 : index
          %get3A_1057 = tpu.vector_load %arg39[%get3A_1055, %get3A_1056] {strides = array<i32>} : memref<1280x32xf32, #tpu.memory_space<vmem>>, vector<16xf32>,
          %add3A_1058 = arith.addf %add3A_1046, %get3A_1057 : vector<16xf32>
          %add3A_1059 = arith.constant 16 : i32
          %add3A_1060 = arith.addi %mul3A_872, %add3A_1059 : i32
          %get3A_1061 = arith.index_cast %add3A_1060 : i32 to index
          %get3A_1062 = arith.constant 0 : index
          %get3A_1063 = tpu.vector_load %arg39[%get3A_1061, %get3A_1062] {strides = array<i32>} : memref<1280x32xf32, #tpu.memory_space<vmem>>, vector<16xf32>,
          %add3A_1064 = arith.addf %add3A_1052, %get3A_1063 : vector<16xf32>
          %add3A_1065 = arith.constant 16 : i32
          %add3A_1066 = arith.addi %mul3A_872, %add3A_1065 : i32
          %get3A_1067 = arith.index_cast %add3A_1066 : i32 to index
          %get3A_1068 = arith.constant 16 : index
          %get3A_1069 = tpu.vector_load %arg39[%get3A_1067, %get3A_1068] {strides = array<i32>} : memref<1280x32xf32, #tpu.memory_space<vmem>>, vector<16xf32>,
          %add3A_1070 = arith.addf %add3A_1058, %get3A_1069 : vector<16xf32>
          %add3A_1071 = arith.constant 17 : i32
          %add3A_1072 = arith.addi %mul3A_872, %add3A_1071 : i32
          %get3A_1073 = arith.index_cast %add3A_1072 : i32 to index
          %get3A_1074 = arith.constant 0 : index
          %get3A_1075 = tpu.vector_load %arg39[%get3A_1073, %get3A_1074] {strides = array<i32>} : memref<1280x32xf32, #tpu.memory_space<vmem>>, vector<16xf32>,
          %add3A_1076 = arith.addf %add3A_1064, %get3A_1075 : vector<16xf32>
          %add3A_1077 = arith.constant 17 : i32
          %add3A_1078 = arith.addi %mul3A_872, %add3A_1077 : i32
          %get3A_1079 = arith.index_cast %add3A_1078 : i32 to index
          %get3A_1080 = arith.constant 16 : index
          %get3A_1081 = tpu.vector_load %arg39[%get3A_1079, %get3A_1080] {strides = array<i32>} : memref<1280x32xf32, #tpu.memory_space<vmem>>, vector<16xf32>,
          %add3A_1082 = arith.addf %add3A_1070, %get3A_1081 : vector<16xf32>
          %add3A_1083 = arith.constant 18 : i32
          %add3A_1084 = arith.addi %mul3A_872, %add3A_1083 : i32
          %get3A_1085 = arith.index_cast %add3A_1084 : i32 to index
          %get3A_1086 = arith.constant 0 : index
          %get3A_1087 = tpu.vector_load %arg39[%get3A_1085, %get3A_1086] {strides = array<i32>} : memref<1280x32xf32, #tpu.memory_space<vmem>>, vector<16xf32>,
          %add3A_1088 = arith.addf %add3A_1076, %get3A_1087 : vector<16xf32>
          %add3A_1089 = arith.constant 18 : i32
          %add3A_1090 = arith.addi %mul3A_872, %add3A_1089 : i32
          %get3A_1091 = arith.index_cast %add3A_1090 : i32 to index
          %get3A_1092 = arith.constant 16 : index
          %get3A_1093 = tpu.vector_load %arg39[%get3A_1091, %get3A_1092] {strides = array<i32>} : memref<1280x32xf32, #tpu.memory_space<vmem>>, vector<16xf32>,
          %add3A_1094 = arith.addf %add3A_1082, %get3A_1093 : vector<16xf32>
          %add3A_1095 = arith.constant 19 : i32
          %add3A_1096 = arith.addi %mul3A_872, %add3A_1095 : i32
          %get3A_1097 = arith.index_cast %add3A_1096 : i32 to index
          %get3A_1098 = arith.constant 0 : index
          %get3A_1099 = tpu.vector_load %arg39[%get3A_1097, %get3A_1098] {strides = array<i32>} : memref<1280x32xf32, #tpu.memory_space<vmem>>, vector<16xf32>,
          %add3A_1100 = arith.addf %add3A_1088, %get3A_1099 : vector<16xf32>
          %add3A_1101 = arith.constant 19 : i32
          %add3A_1102 = arith.addi %mul3A_872, %add3A_1101 : i32
          %get3A_1103 = arith.index_cast %add3A_1102 : i32 to index
          %get3A_1104 = arith.constant 16 : index
          %get3A_1105 = tpu.vector_load %arg39[%get3A_1103, %get3A_1104] {strides = array<i32>} : memref<1280x32xf32, #tpu.memory_space<vmem>>, vector<16xf32>,
          %add3A_1106 = arith.addf %add3A_1094, %get3A_1105 : vector<16xf32>
          %mul3A_1107 = arith.mulf %get3A_837, %add3A_1100 : vector<16xf32>
          %add3A_1108 = arith.addf %mul3A_866, %mul3A_1107 : vector<16xf32>
          %mul3A_1109 = arith.mulf %get3A_842, %add3A_1106 : vector<16xf32>
          %add3A_1110 = arith.addf %mul3A_870, %mul3A_1109 : vector<16xf32>
          %get3A_1111 = arith.index_cast %while3A_823 : i32 to index
          %get3A_1112 = arith.constant 0 : index
          %get3A_1113 = tpu.vector_load %arg40[%get3A_1111, %get3A_1112] {strides = array<i32>} : memref<64x16xf32, #tpu.memory_space<vmem>>, vector<16xf32>,
          %mul3A_1114 = arith.mulf %get3A_842, %get3A_1113 : vector<16xf32>
          %add3A_1115 = arith.addf %add3A_1108, %mul3A_1114 : vector<16xf32>
          %mul3A_1116 = arith.constant 10 : i32
          %mul3A_1117 = arith.muli %while3A_823, %mul3A_1116 : i32
          %get3A_1118 = arith.index_cast %mul3A_1117 : i32 to index
          %get3A_1119 = arith.constant 0 : index
          %get3A_1120 = tpu.vector_load %arg41[%get3A_1118, %get3A_1119] {strides = array<i32>} : memref<640x16xf32, #tpu.memory_space<vmem>>, vector<16xf32>,
          %add3A_1121 = arith.constant 1 : i32
          %add3A_1122 = arith.addi %mul3A_1117, %add3A_1121 : i32
          %get3A_1123 = arith.index_cast %add3A_1122 : i32 to index
          %get3A_1124 = arith.constant 0 : index
          %get3A_1125 = tpu.vector_load %arg41[%get3A_1123, %get3A_1124] {strides = array<i32>} : memref<640x16xf32, #tpu.memory_space<vmem>>, vector<16xf32>,
          %add3A_1126 = arith.addf %get3A_1120, %get3A_1125 : vector<16xf32>
          %add3A_1127 = arith.constant 2 : i32
          %add3A_1128 = arith.addi %mul3A_1117, %add3A_1127 : i32
          %get3A_1129 = arith.index_cast %add3A_1128 : i32 to index
          %get3A_1130 = arith.constant 0 : index
          %get3A_1131 = tpu.vector_load %arg41[%get3A_1129, %get3A_1130] {strides = array<i32>} : memref<640x16xf32, #tpu.memory_space<vmem>>, vector<16xf32>,
          %add3A_1132 = arith.addf %add3A_1126, %get3A_1131 : vector<16xf32>
          %add3A_1133 = arith.constant 3 : i32
          %add3A_1134 = arith.addi %mul3A_1117, %add3A_1133 : i32
          %get3A_1135 = arith.index_cast %add3A_1134 : i32 to index
          %get3A_1136 = arith.constant 0 : index
          %get3A_1137 = tpu.vector_load %arg41[%get3A_1135, %get3A_1136] {strides = array<i32>} : memref<640x16xf32, #tpu.memory_space<vmem>>, vector<16xf32>,
          %add3A_1138 = arith.addf %add3A_1132, %get3A_1137 : vector<16xf32>
          %add3A_1139 = arith.constant 4 : i32
          %add3A_1140 = arith.addi %mul3A_1117, %add3A_1139 : i32
          %get3A_1141 = arith.index_cast %add3A_1140 : i32 to index
          %get3A_1142 = arith.constant 0 : index
          %get3A_1143 = tpu.vector_load %arg41[%get3A_1141, %get3A_1142] {strides = array<i32>} : memref<640x16xf32, #tpu.memory_space<vmem>>, vector<16xf32>,
          %add3A_1144 = arith.addf %add3A_1138, %get3A_1143 : vector<16xf32>
          %add3A_1145 = arith.constant 5 : i32
          %add3A_1146 = arith.addi %mul3A_1117, %add3A_1145 : i32
          %get3A_1147 = arith.index_cast %add3A_1146 : i32 to index
          %get3A_1148 = arith.constant 0 : index
          %get3A_1149 = tpu.vector_load %arg41[%get3A_1147, %get3A_1148] {strides = array<i32>} : memref<640x16xf32, #tpu.memory_space<vmem>>, vector<16xf32>,
          %add3A_1150 = arith.addf %add3A_1144, %get3A_1149 : vector<16xf32>
          %add3A_1151 = arith.constant 6 : i32
          %add3A_1152 = arith.addi %mul3A_1117, %add3A_1151 : i32
          %get3A_1153 = arith.index_cast %add3A_1152 : i32 to index
          %get3A_1154 = arith.constant 0 : index
          %get3A_1155 = tpu.vector_load %arg41[%get3A_1153, %get3A_1154] {strides = array<i32>} : memref<640x16xf32, #tpu.memory_space<vmem>>, vector<16xf32>,
          %add3A_1156 = arith.addf %add3A_1150, %get3A_1155 : vector<16xf32>
          %add3A_1157 = arith.constant 7 : i32
          %add3A_1158 = arith.addi %mul3A_1117, %add3A_1157 : i32
          %get3A_1159 = arith.index_cast %add3A_1158 : i32 to index
          %get3A_1160 = arith.constant 0 : index
          %get3A_1161 = tpu.vector_load %arg41[%get3A_1159, %get3A_1160] {strides = array<i32>} : memref<640x16xf32, #tpu.memory_space<vmem>>, vector<16xf32>,
          %add3A_1162 = arith.addf %add3A_1156, %get3A_1161 : vector<16xf32>
          %add3A_1163 = arith.constant 8 : i32
          %add3A_1164 = arith.addi %mul3A_1117, %add3A_1163 : i32
          %get3A_1165 = arith.index_cast %add3A_1164 : i32 to index
          %get3A_1166 = arith.constant 0 : index
          %get3A_1167 = tpu.vector_load %arg41[%get3A_1165, %get3A_1166] {strides = array<i32>} : memref<640x16xf32, #tpu.memory_space<vmem>>, vector<16xf32>,
          %add3A_1168 = arith.addf %add3A_1162, %get3A_1167 : vector<16xf32>
          %add3A_1169 = arith.constant 9 : i32
          %add3A_1170 = arith.addi %mul3A_1117, %add3A_1169 : i32
          %get3A_1171 = arith.index_cast %add3A_1170 : i32 to index
          %get3A_1172 = arith.constant 0 : index
          %get3A_1173 = tpu.vector_load %arg41[%get3A_1171, %get3A_1172] {strides = array<i32>} : memref<640x16xf32, #tpu.memory_space<vmem>>, vector<16xf32>,
          %add3A_1174 = arith.addf %add3A_1168, %get3A_1173 : vector<16xf32>
          %mul3A_1175 = arith.mulf %get3A_847, %add3A_1174 : vector<16xf32>
          %add3A_1176 = arith.addf %add3A_1110, %mul3A_1175 : vector<16xf32>
          %mul3A_1177 = arith.constant 5 : i32
          %mul3A_1178 = arith.muli %while3A_823, %mul3A_1177 : i32
          %get3A_1179 = arith.index_cast %mul3A_1178 : i32 to index
          %get3A_1180 = arith.constant 0 : index
          %get3A_1181 = tpu.vector_load %arg42[%get3A_1179, %get3A_1180] {strides = array<i32>} : memref<320x32xf32, #tpu.memory_space<vmem>>, vector<16xf32>,
          %get3A_1182 = arith.index_cast %mul3A_1178 : i32 to index
          %get3A_1183 = arith.constant 16 : index
          %get3A_1184 = tpu.vector_load %arg42[%get3A_1182, %get3A_1183] {strides = array<i32>} : memref<320x32xf32, #tpu.memory_space<vmem>>, vector<16xf32>,
          %add3A_1185 = arith.constant 1 : i32
          %add3A_1186 = arith.addi %mul3A_1178, %add3A_1185 : i32
          %get3A_1187 = arith.index_cast %add3A_1186 : i32 to index
          %get3A_1188 = arith.constant 0 : index
          %get3A_1189 = tpu.vector_load %arg42[%get3A_1187, %get3A_1188] {strides = array<i32>} : memref<320x32xf32, #tpu.memory_space<vmem>>, vector<16xf32>,
          %add3A_1190 = arith.addf %get3A_1181, %get3A_1189 : vector<16xf32>
          %add3A_1191 = arith.constant 1 : i32
          %add3A_1192 = arith.addi %mul3A_1178, %add3A_1191 : i32
          %get3A_1193 = arith.index_cast %add3A_1192 : i32 to index
          %get3A_1194 = arith.constant 16 : index
          %get3A_1195 = tpu.vector_load %arg42[%get3A_1193, %get3A_1194] {strides = array<i32>} : memref<320x32xf32, #tpu.memory_space<vmem>>, vector<16xf32>,
          %add3A_1196 = arith.addf %get3A_1184, %get3A_1195 : vector<16xf32>
          %add3A_1197 = arith.constant 2 : i32
          %add3A_1198 = arith.addi %mul3A_1178, %add3A_1197 : i32
          %get3A_1199 = arith.index_cast %add3A_1198 : i32 to index
          %get3A_1200 = arith.constant 0 : index
          %get3A_1201 = tpu.vector_load %arg42[%get3A_1199, %get3A_1200] {strides = array<i32>} : memref<320x32xf32, #tpu.memory_space<vmem>>, vector<16xf32>,
          %add3A_1202 = arith.addf %add3A_1190, %get3A_1201 : vector<16xf32>
          %add3A_1203 = arith.constant 2 : i32
          %add3A_1204 = arith.addi %mul3A_1178, %add3A_1203 : i32
          %get3A_1205 = arith.index_cast %add3A_1204 : i32 to index
          %get3A_1206 = arith.constant 16 : index
          %get3A_1207 = tpu.vector_load %arg42[%get3A_1205, %get3A_1206] {strides = array<i32>} : memref<320x32xf32, #tpu.memory_space<vmem>>, vector<16xf32>,
          %add3A_1208 = arith.addf %add3A_1196, %get3A_1207 : vector<16xf32>
          %add3A_1209 = arith.constant 3 : i32
          %add3A_1210 = arith.addi %mul3A_1178, %add3A_1209 : i32
          %get3A_1211 = arith.index_cast %add3A_1210 : i32 to index
          %get3A_1212 = arith.constant 0 : index
          %get3A_1213 = tpu.vector_load %arg42[%get3A_1211, %get3A_1212] {strides = array<i32>} : memref<320x32xf32, #tpu.memory_space<vmem>>, vector<16xf32>,
          %add3A_1214 = arith.addf %add3A_1202, %get3A_1213 : vector<16xf32>
          %add3A_1215 = arith.constant 3 : i32
          %add3A_1216 = arith.addi %mul3A_1178, %add3A_1215 : i32
          %get3A_1217 = arith.index_cast %add3A_1216 : i32 to index
          %get3A_1218 = arith.constant 16 : index
          %get3A_1219 = tpu.vector_load %arg42[%get3A_1217, %get3A_1218] {strides = array<i32>} : memref<320x32xf32, #tpu.memory_space<vmem>>, vector<16xf32>,
          %add3A_1220 = arith.addf %add3A_1208, %get3A_1219 : vector<16xf32>
          %add3A_1221 = arith.constant 4 : i32
          %add3A_1222 = arith.addi %mul3A_1178, %add3A_1221 : i32
          %get3A_1223 = arith.index_cast %add3A_1222 : i32 to index
          %get3A_1224 = arith.constant 0 : index
          %get3A_1225 = tpu.vector_load %arg42[%get3A_1223, %get3A_1224] {strides = array<i32>} : memref<320x32xf32, #tpu.memory_space<vmem>>, vector<16xf32>,
          %add3A_1226 = arith.addf %add3A_1214, %get3A_1225 : vector<16xf32>
          %add3A_1227 = arith.constant 4 : i32
          %add3A_1228 = arith.addi %mul3A_1178, %add3A_1227 : i32
          %get3A_1229 = arith.index_cast %add3A_1228 : i32 to index
          %get3A_1230 = arith.constant 16 : index
          %get3A_1231 = tpu.vector_load %arg42[%get3A_1229, %get3A_1230] {strides = array<i32>} : memref<320x32xf32, #tpu.memory_space<vmem>>, vector<16xf32>,
          %add3A_1232 = arith.addf %add3A_1220, %get3A_1231 : vector<16xf32>
          %mul3A_1233 = arith.mulf %get3A_847, %add3A_1226 : vector<16xf32>
          %add3A_1234 = arith.addf %add3A_1115, %mul3A_1233 : vector<16xf32>
          %mul3A_1235 = arith.mulf %get3A_852, %add3A_1232 : vector<16xf32>
          %add3A_1236 = arith.addf %add3A_1176, %mul3A_1235 : vector<16xf32>
          %mul3A_1237 = arith.constant 5 : i32
          %mul3A_1238 = arith.muli %while3A_823, %mul3A_1237 : i32
          %get3A_1239 = arith.index_cast %mul3A_1238 : i32 to index
          %get3A_1240 = arith.constant 0 : index
          %get3A_1241 = tpu.vector_load %arg43[%get3A_1239, %get3A_1240] {strides = array<i32>} : memref<320x32xf32, #tpu.memory_space<vmem>>, vector<16xf32>,
          %get3A_1242 = arith.index_cast %mul3A_1238 : i32 to index
          %get3A_1243 = arith.constant 16 : index
          %get3A_1244 = tpu.vector_load %arg43[%get3A_1242, %get3A_1243] {strides = array<i32>} : memref<320x32xf32, #tpu.memory_space<vmem>>, vector<16xf32>,
          %add3A_1245 = arith.constant 1 : i32
          %add3A_1246 = arith.addi %mul3A_1238, %add3A_1245 : i32
          %get3A_1247 = arith.index_cast %add3A_1246 : i32 to index
          %get3A_1248 = arith.constant 0 : index
          %get3A_1249 = tpu.vector_load %arg43[%get3A_1247, %get3A_1248] {strides = array<i32>} : memref<320x32xf32, #tpu.memory_space<vmem>>, vector<16xf32>,
          %add3A_1250 = arith.addf %get3A_1241, %get3A_1249 : vector<16xf32>
          %add3A_1251 = arith.constant 1 : i32
          %add3A_1252 = arith.addi %mul3A_1238, %add3A_1251 : i32
          %get3A_1253 = arith.index_cast %add3A_1252 : i32 to index
          %get3A_1254 = arith.constant 16 : index
          %get3A_1255 = tpu.vector_load %arg43[%get3A_1253, %get3A_1254] {strides = array<i32>} : memref<320x32xf32, #tpu.memory_space<vmem>>, vector<16xf32>,
          %add3A_1256 = arith.addf %get3A_1244, %get3A_1255 : vector<16xf32>
          %add3A_1257 = arith.constant 2 : i32
          %add3A_1258 = arith.addi %mul3A_1238, %add3A_1257 : i32
          %get3A_1259 = arith.index_cast %add3A_1258 : i32 to index
          %get3A_1260 = arith.constant 0 : index
          %get3A_1261 = tpu.vector_load %arg43[%get3A_1259, %get3A_1260] {strides = array<i32>} : memref<320x32xf32, #tpu.memory_space<vmem>>, vector<16xf32>,
          %add3A_1262 = arith.addf %add3A_1250, %get3A_1261 : vector<16xf32>
          %add3A_1263 = arith.constant 2 : i32
          %add3A_1264 = arith.addi %mul3A_1238, %add3A_1263 : i32
          %get3A_1265 = arith.index_cast %add3A_1264 : i32 to index
          %get3A_1266 = arith.constant 16 : index
          %get3A_1267 = tpu.vector_load %arg43[%get3A_1265, %get3A_1266] {strides = array<i32>} : memref<320x32xf32, #tpu.memory_space<vmem>>, vector<16xf32>,
          %add3A_1268 = arith.addf %add3A_1256, %get3A_1267 : vector<16xf32>
          %add3A_1269 = arith.constant 3 : i32
          %add3A_1270 = arith.addi %mul3A_1238, %add3A_1269 : i32
          %get3A_1271 = arith.index_cast %add3A_1270 : i32 to index
          %get3A_1272 = arith.constant 0 : index
          %get3A_1273 = tpu.vector_load %arg43[%get3A_1271, %get3A_1272] {strides = array<i32>} : memref<320x32xf32, #tpu.memory_space<vmem>>, vector<16xf32>,
          %add3A_1274 = arith.addf %add3A_1262, %get3A_1273 : vector<16xf32>
          %add3A_1275 = arith.constant 3 : i32
          %add3A_1276 = arith.addi %mul3A_1238, %add3A_1275 : i32
          %get3A_1277 = arith.index_cast %add3A_1276 : i32 to index
          %get3A_1278 = arith.constant 16 : index
          %get3A_1279 = tpu.vector_load %arg43[%get3A_1277, %get3A_1278] {strides = array<i32>} : memref<320x32xf32, #tpu.memory_space<vmem>>, vector<16xf32>,
          %add3A_1280 = arith.addf %add3A_1268, %get3A_1279 : vector<16xf32>
          %add3A_1281 = arith.constant 4 : i32
          %add3A_1282 = arith.addi %mul3A_1238, %add3A_1281 : i32
          %get3A_1283 = arith.index_cast %add3A_1282 : i32 to index
          %get3A_1284 = arith.constant 0 : index
          %get3A_1285 = tpu.vector_load %arg43[%get3A_1283, %get3A_1284] {strides = array<i32>} : memref<320x32xf32, #tpu.memory_space<vmem>>, vector<16xf32>,
          %add3A_1286 = arith.addf %add3A_1274, %get3A_1285 : vector<16xf32>
          %add3A_1287 = arith.constant 4 : i32
          %add3A_1288 = arith.addi %mul3A_1238, %add3A_1287 : i32
          %get3A_1289 = arith.index_cast %add3A_1288 : i32 to index
          %get3A_1290 = arith.constant 16 : index
          %get3A_1291 = tpu.vector_load %arg43[%get3A_1289, %get3A_1290] {strides = array<i32>} : memref<320x32xf32, #tpu.memory_space<vmem>>, vector<16xf32>,
          %add3A_1292 = arith.addf %add3A_1280, %get3A_1291 : vector<16xf32>
          %mul3A_1293 = arith.mulf %get3A_852, %add3A_1286 : vector<16xf32>
          %add3A_1294 = arith.addf %add3A_1234, %mul3A_1293 : vector<16xf32>
          %mul3A_1295 = arith.mulf %get3A_857, %add3A_1292 : vector<16xf32>
          %add3A_1296 = arith.addf %add3A_1236, %mul3A_1295 : vector<16xf32>
          %mul3A_1297 = arith.constant 3 : i32
          %mul3A_1298 = arith.muli %while3A_823, %mul3A_1297 : i32
          %get3A_1299 = arith.index_cast %mul3A_1298 : i32 to index
          %get3A_1300 = arith.constant 0 : index
          %get3A_1301 = tpu.vector_load %arg44[%get3A_1299, %get3A_1300] {strides = array<i32>} : memref<192x16xf32, #tpu.memory_space<vmem>>, vector<16xf32>,
          %add3A_1302 = arith.constant 1 : i32
          %add3A_1303 = arith.addi %mul3A_1298, %add3A_1302 : i32
          %get3A_1304 = arith.index_cast %add3A_1303 : i32 to index
          %get3A_1305 = arith.constant 0 : index
          %get3A_1306 = tpu.vector_load %arg44[%get3A_1304, %get3A_1305] {strides = array<i32>} : memref<192x16xf32, #tpu.memory_space<vmem>>, vector<16xf32>,
          %add3A_1307 = arith.addf %get3A_1301, %get3A_1306 : vector<16xf32>
          %add3A_1308 = arith.constant 2 : i32
          %add3A_1309 = arith.addi %mul3A_1298, %add3A_1308 : i32
          %get3A_1310 = arith.index_cast %add3A_1309 : i32 to index
          %get3A_1311 = arith.constant 0 : index
          %get3A_1312 = tpu.vector_load %arg44[%get3A_1310, %get3A_1311] {strides = array<i32>} : memref<192x16xf32, #tpu.memory_space<vmem>>, vector<16xf32>,
          %add3A_1313 = arith.addf %add3A_1307, %get3A_1312 : vector<16xf32>
          %mul3A_1314 = arith.mulf %get3A_857, %add3A_1313 : vector<16xf32>
          %add3A_1315 = arith.addf %add3A_1294, %mul3A_1314 : vector<16xf32>
          %get3A_1316 = arith.index_cast %while3A_823 : i32 to index
          %get3A_1317 = arith.constant 0 : index
          %get3A_1318 = tpu.vector_load %arg45[%get3A_1316, %get3A_1317] {strides = array<i32>} : memref<64x16xf32, #tpu.memory_space<vmem>>, vector<16xf32>,
          %mul3A_1319 = arith.mulf %get3A_862, %get3A_1318 : vector<16xf32>
          %add3A_1320 = arith.addf %add3A_1296, %mul3A_1319 : vector<16xf32>
          %add3A_1321 = arith.addf %add3A_1315, %add3A_1320 : vector<16xf32>
          %reduce_sum3A = arith.constant true
          %reduce_sum3A_1322 = vector.broadcast %reduce_sum3A : i1 to vector<16xi1>
          %reduce_sum3A_1323 = tpu.scan <sum>, %add3A_1321 masked %reduce_sum3A_1322 : vector<16xf32>, vector<16xi1> -> vector<16xf32>
          %reduce_sum3A_1324 = vector.extract %reduce_sum3A_1323[15] : f32 from vector<16xf32>
          %jit3A = arith.constant 16 : i32
          %eq3A = arith.constant 0 : i32
          %eq3A_1325 = arith.cmpi eq, %jit3A, %eq3A : i32
          %jit3A_1326 = arith.constant 1 : i32
          %select_n3A = arith.select %eq3A_1325, %jit3A_1326, %jit3A : i32
          %rem3A = arith.remsi %while3A_823, %select_n3A : i32
          %ne3A = arith.constant 0 : i32
          %ne3A_1327 = arith.cmpi ne, %rem3A, %ne3A : i32
          %lt3A = arith.constant 0 : i32
          %lt3A_1328 = arith.cmpi slt, %rem3A, %lt3A : i32
          %lt3A_1329 = arith.constant 0 : i32
          %lt3A_1330 = arith.cmpi slt, %select_n3A, %lt3A_1329 : i32
          %ne3A_1331 = arith.xori %lt3A_1328, %lt3A_1330 : i1
          %and3A_1332 = arith.andi %ne3A_1331, %ne3A_1327 : i1
          %add3A_1333 = arith.addi %rem3A, %select_n3A : i32
          %select_n3A_1334 = arith.select %and3A_1332, %add3A_1333, %rem3A : i32
          %eq3A_1335 = vector.broadcast %select_n3A_1334 : i32 to vector<16xi32>
          %eq3A_1336 = arith.cmpi eq, %iota3A_791, %eq3A_1335 : vector<16xi32>
          %broadcast_in_dim3A_1337 = vector.broadcast %reduce_sum3A_1324 : f32 to vector<16xf32>
          %select_n3A_1338 = arith.select %eq3A_1336, %broadcast_in_dim3A_1337, %while3A_824 : vector<16xi1>, vector<16xf32>
          scf.yield %select_n3A_1338 : vector<16xf32>
        }
        %mul3A_818 = arith.constant 16 : i32
        %mul3A_819 = arith.muli %scan3A_800, %mul3A_818 : i32
        %swap3A_820 = arith.index_cast %mul3A_819 : i32 to index
        %swap3A_821 = tpu.vector_load %arg46[%swap3A_820] {strides = array<i32>} : memref<64xf32, #tpu.memory_space<vmem>>, vector<16xf32>,
        tpu.vector_store %arg46[%swap3A_820], %while3A_817 {strides = array<i32>} : memref<64xf32, #tpu.memory_space<vmem>>, vector<16xf32>,
        %scan3A_822 = arith.constant 0 : i32
        scf.yield %scan3A_822 : i32
      }
      %scan3A_798 = arith.constant 4 : i32
      "tpu.region"() ({
        %run_scoped3A = tpu.sem_alloc : memref<!tpu.dma_semaphore, #tpu.memory_space<semaphore_mem>>
        %dma_start3A_800 = tpu.memref_slice %arg20[%multiple_of3A] : memref<16384xf32, #tpu.memory_space<hbm>> -> memref<64xf32, #tpu.memory_space<hbm>>
        %dma_start3A_801 = tpu.memref_slice %arg20[%multiple_of3A] : memref<16384xf32, #tpu.memory_space<hbm>> -> memref<64xf32, #tpu.memory_space<hbm>>
        tpu.enqueue_dma source(%arg46 : memref<64xf32, #tpu.memory_space<vmem>>) target(%dma_start3A_801 : memref<64xf32, #tpu.memory_space<hbm>>) target_semaphore(%run_scoped3A : memref<!tpu.dma_semaphore, #tpu.memory_space<semaphore_mem>>)
        %dma_wait3A_802 = tpu.memref_slice %arg20[%multiple_of3A] : memref<16384xf32, #tpu.memory_space<hbm>> -> memref<64xf32, #tpu.memory_space<hbm>>
        %dma_wait3A_803 = tpu.memref_slice %arg20[%multiple_of3A] : memref<16384xf32, #tpu.memory_space<hbm>> -> memref<64xf32, #tpu.memory_space<hbm>>
        tpu.wait_dma2 semaphore(%run_scoped3A : memref<!tpu.dma_semaphore, #tpu.memory_space<semaphore_mem>>) src(%arg46 : memref<64xf32, #tpu.memory_space<vmem>>) dst(%dma_wait3A_803 : memref<64xf32, #tpu.memory_space<hbm>>)
        tpu.yield
      }) : () -> ()
      %scan3A_799 = arith.constant 0 : i32
      scf.yield %scan3A_799 : i32
    }
    %scan3A_6 = arith.constant 8 : i32
    return
  }
}

</mosaic_0001>

<sc_bundles>
// kernel: kernel.3.cloned.1.call-start
scs
__scs_entry_jumppad:
0x0: {  	(pc) =	sbr.rel $0x88, $3  }
0x1: {  	(tag) =	ssettag $0x0;
	lr =	simm.s32 $0x1  }
0x2: {  	[smem:$0x3F8F] =	sst lr;
	_ =	strace $0xD0000000  }
0x3: {  	_ = 	snop  }
0x4: {  	_ = 	snop  }
0x5: {  	_ = 	snop  }
0x6: {  	_ = 	snop  }
0x7: {  	_ = 	snop  }
__scs_overlays_trampoline_lowered:
0x8: {  	[smem:$0x3F9E] =	sst s0  }
0x9: {  	[smem:$0x3F9F] =	sst s1  }
0xa: {  	[smem:$0x3FA0] =	sst s2  }
0xb: {  	[smem:$0x3FA1] =	sst s3  }
0xc: {  	[smem:$0x3FA2] =	sst s4  }
0xd: {  	[smem:$0x3FA3] =	sst s5  }
0xe: {  	[smem:$0x3FA4] =	sst s6  }
0xf: {  	[smem:$0x3FA5] =	sst s7  }
0x10: {  	[smem:$0x3FA6] =	sst s8  }
0x11: {  	[smem:$0x3FA7] =	sst s9;
	s0 =	simm.s32 @!p0 $0x0  }
0x12: {  	s1 =	sld [smem:$0x3F8D];
	s0 =	simm.s32 @p0 $0x1  }
0x13: {  	[smem:$0x3FA8] =	sst s0;
	s0 =	simm.s32 @!p1 $0x0  }
0x14: {  	s2 =	sld [smem:$0x3F8C];
	s0 =	simm.s32 @p1 $0x1  }
0x15: {  	[smem:$0x3FA9] =	sst s0;
	s0 =	simm.s32 @!p2 $0x0  }
0x16: {  	s3 =	sld [smem:$0x3FDB];
	s0 =	simm.s32 @p2 $0x1  }
0x17: {  	s4 =	simm.s32 $0x1BF5;
	[smem:$0x3FAB] =	sst s0  }
0x18: {  	s0 =	sld [smem:$0x3F8E];
	_ =	swait.ge [sflag:s4], $0x0  }
0x19: {  	s7 =	sld [smem:$0x3F8F]  }
0x1a: {  	s8 =	sadd.s32 $0xFFFFE003, lr  }
0x1b: {  	s9 =	sadd.s32 $0xFFFFFEF7, lr;
	s5 =	simm.s32 $0xFFFFFFFF;
	p2 =	slt.u32 s8, $0xFFFFF086  }
0x1c: {  	p1 =	slt.u32 s9, $0xF7A;
	s5 =	simm.s32 @!p2 $0x0  }
0x1d: {  	s5 =	simm.s32 @p1 $0x1;
	p0 =	seq.s32 s7, s2  }
0x1e: {  	s7 =	smul.u32 @!p0 $0xF7A, s2;
	p2 =	seq.s32 @!p0 s5, $0x0  }
0x1f: {  	s9 =	smul.u32 $0xF7A, s1;
	s8 =	simm.s32 @!p0 $0x1BF5;
	p2 =	por !p2, p0  }
0x20: {  	[sflag:s8] =	ssyncset.s32 @!p0 $0xFFFFF086;
	s6 =	sadd.s32 @!p0 s3, s7;
	s7 =	simm.s32 @!p0 $0x108  }
0x21: {  	s3 =	sadd.s32 s3, s9;
	s6 =	sadd.s32 @!p0 $0x88, s6;
	s7 =	simm.s32 @p2 $0x1082  }
0x22: {  	[simem:s7], [sflag:s8] =	dma.local @!p0 [hbm:s6], $0xF7A  }
0x23: {  	s9 =	sor.u32 $0xD0000000, s2;
	s6 =	simm.s32 $0x108;
	_ =	swait.ge @!p0 [sflag:s8], $0x0  }
0x24: {  	s3 =	sadd.s32 $0x88, s3;
	s6 =	simm.s32 @!p1 $0x1082;
	[sflag:s4] =	ssyncset.s32 $0xFFFFF086  }
0x25: {  	[simem:s6], [sflag:s4] =	dma.local [hbm:s3], $0xF7A  }
0x26: {  	[smem:$0x3F8F] =	sst s1;
	(tag) =	ssettag s2;
	_ =	strace s9  }
0x27: {  	s1 =	sld [smem:$0x3F9F]  }
0x28: {  	s2 =	sld [smem:$0x3FA0]  }
0x29: {  	s4 =	sld [smem:$0x3FA2]  }
0x2a: {  	p0 =	seq.s32 s5, $0x0;
	s5 =	sld [smem:$0x3FA3]  }
0x2b: {  	s6 =	sld [smem:$0x3FA4]  }
0x2c: {  	s7 =	sld [smem:$0x3FA5]  }
0x2d: {  	s3 =	simm.s32 $0x108;
	s8 =	sld [smem:$0x3FA6]  }
0x2e: {  	s3 =	simm.s32 @!p0 $0x1082;
	s9 =	sld [smem:$0x3FA7]  }
0x2f: {  	lr =	sadd.s32 s0, s3;
	s0 =	sld [smem:$0x3F9E]  }
0x30: {  	s3 =	sld [smem:$0x3FA1]  }
0x31: {  	[smem:$0x3FAA] =	sst s10  }
0x32: {  	s10 =	sld [smem:$0x3FA8];
	_ =	sdelay $0x3  }
0x33: {  	p0 =	seq.s32 s10, $0x1;
	s10 =	sld [smem:$0x3FAA];
	_ =	sdelay $0x3  }
0x34: {  	[smem:$0x3FAA] =	sst s10  }
0x35: {  	s10 =	sld [smem:$0x3FA9];
	_ =	sdelay $0x3  }
0x36: {  	p1 =	seq.s32 s10, $0x1;
	s10 =	sld [smem:$0x3FAA];
	_ =	sdelay $0x3  }
0x37: {  	[smem:$0x3FAA] =	sst s10  }
0x38: {  	s10 =	sld [smem:$0x3FAB]  }
0x39: {  	_ = 	snop;
	(pc) =	sbr.ind lr, $3  }
0x3a: {  	_ = 	snop  }
0x3b: {  	_ = 	snop  }
0x3c: {  	p2 =	seq.s32 s10, $0x1;
	s10 =	sld [smem:$0x3FAA]  }
0x3d: {  	_ =	shalt  }
0x3e: {  	_ =	shalt  }
0x3f: {  	_ =	shalt  }
0x40: {  	_ =	shalt  }
0x41: {  	_ =	shalt  }
0x42: {  	_ =	shalt  }
0x43: {  	_ =	shalt  }
0x44: {  	_ =	shalt  }
0x45: {  	_ =	shalt  }
0x46: {  	_ =	shalt  }
0x47: {  	_ =	shalt  }
0x48: {  	_ =	shalt  }
0x49: {  	_ =	shalt  }
0x4a: {  	_ =	shalt  }
0x4b: {  	_ =	shalt  }
0x4c: {  	_ =	shalt  }
0x4d: {  	_ =	shalt  }
0x4e: {  	_ =	shalt  }
0x4f: {  	_ =	shalt  }
0x50: {  	_ =	shalt  }
0x51: {  	_ =	shalt  }
0x52: {  	_ =	shalt  }
0x53: {  	_ =	shalt  }
0x54: {  	_ =	shalt  }
0x55: {  	_ =	shalt  }
0x56: {  	_ =	shalt  }
0x57: {  	_ =	shalt  }
0x58: {  	_ =	shalt  }
0x59: {  	_ =	shalt  }
0x5a: {  	_ =	shalt  }
0x5b: {  	_ =	shalt  }
0x5c: {  	_ =	shalt  }
0x5d: {  	_ =	shalt  }
0x5e: {  	_ =	shalt  }
0x5f: {  	_ =	shalt  }
0x60: {  	_ =	shalt  }
0x61: {  	_ =	shalt  }
0x62: {  	_ =	shalt  }
0x63: {  	_ =	shalt  }
0x64: {  	_ =	shalt  }
0x65: {  	_ =	shalt  }
0x66: {  	_ =	shalt  }
0x67: {  	_ =	shalt  }
0x68: {  	_ =	shalt  }
0x69: {  	_ =	shalt  }
0x6a: {  	_ =	shalt  }
0x6b: {  	_ =	shalt  }
0x6c: {  	_ =	shalt  }
0x6d: {  	_ =	shalt  }
0x6e: {  	_ =	shalt  }
0x6f: {  	_ =	shalt  }
0x70: {  	_ =	shalt  }
0x71: {  	_ =	shalt  }
0x72: {  	_ =	shalt  }
0x73: {  	_ =	shalt  }
0x74: {  	_ =	shalt  }
0x75: {  	_ =	shalt  }
0x76: {  	_ =	shalt  }
0x77: {  	_ =	shalt  }
0x78: {  	_ =	shalt  }
0x79: {  	_ =	shalt  }
0x7a: {  	_ =	shalt  }
0x7b: {  	_ =	shalt  }
0x7c: {  	_ =	shalt  }
0x7d: {  	_ =	shalt  }
0x7e: {  	_ =	shalt  }
0x7f: {  	_ =	shalt  }
0x80: {  	_ =	shalt  }
0x81: {  	_ =	shalt  }
0x82: {  	_ =	shalt  }
0x83: {  	_ =	shalt  }
0x84: {  	_ =	shalt  }
0x85: {  	_ =	shalt  }
0x86: {  	_ =	shalt  }
0x87: {  	_ =	shalt  }
.Lfunc_end0:
.L_simem_size_0:
called_computation_lowered:
.L_overlay_start_0:
0x88: {  	s2 =	sld [smem:$0x3FD9]  }
0x89: {  	s3 =	sld [smem:$0x3FFE];
	_ =	sdelay $0x1  }
0x8a: {  	s1 =	srdreg.scid  }
0x8b: {  	s0 =	sand.u32 $0x1, s1  }
0x8c: {  	s17 =	sshll.u32 s0, $0xA;
	s2 =	sadd.s32 s3, s2  }
0x8d: {  	s2 =	sadd.s32 s2, s17  }
0x8e: {  	[smem:$0x3FB6] =	sst s2  }
0x8f: {  	_ = 	snop  }
0x90: {  	s2 =	sld [smem:$0x3FC9]  }
0x91: {  	s18 =	sld [smem:$0x3FC8]  }
0x92: {  	s4 =	sld [smem:$0x3FC7]  }
0x93: {  	s5 =	sld [smem:$0x3FC5]  }
0x94: {  	s6 =	sld [smem:$0x3FD0];
	(tm) =	ssettm $0x1  }
0x95: {  	s7 =	sld [smem:$0x3FFB];
	_ =	sdelay $0x3  }
0x96: {  	_ =	strace s7  }
0x97: {  	s7 =	sld [smem:$0x3FFC];
	_ =	sdelay $0x3  }
0x98: {  	_ =	strace s7  }
0x99: {  	s7 =	sld [smem:$0x3FFD];
	_ =	sdelay $0x3  }
0x9a: {  	_ =	strace s7  }
0x9b: {  	_ =	strace $0x8FFFFFFF  }
0x9c: {  	s19 =	sld [smem:$0x3FDB];
	_ =	sdelay $0x1  }
0x9d: {  	s8 =	simm.s32 $_scs_section_size  }
0x9e: {  	s9 =	simm.s32 $_size__tile_overlayer_lowered;
	s10 =	simm.s32 $_tile_overlayer_lowered  }
0x9f: {  	s22 =	simm.s32 $0x1BFF;
	s21 =	sshll.u32 s10, $0x1;
	s7 =	sadd.s32 s8, s19  }
0xa0: {  	s11 =	simm.s32 $0x0;
	s20 =	sshll.u32 s9, $0x1;
	s9 =	sadd.s32 s21, s7  }
0xa1: {  	[timem:s11], [sflag:s22] =	dma.local [hbm:s9], s20  }
0xa2: {  	_ =	swait.ge [sflag:s22], s20  }
0xa3: {  	s8 =	ssub.s32 $0x0, s20;
	[sflag:s22] =	ssyncset.done $0x0  }
0xa4: {  	[sflag:s22] =	ssyncadd.s32 s8;
	_ =	sdelay $0x1  }
0xa5: {  	s23 =	simm.s32 $0x1B8B  }
0xa6: {  	_ =	swait.ge [sflag:s23], $0x1  }
0xa7: {  	[sflag:s23] =	ssyncset.done $0x0  }
0xa8: {  	s25 =	simm.s32 $0x1B8E;
	s24 =	sld [smem:$0x3FFE];
	[sflag:s23] =	ssyncadd.s32 $0xFFFFFFFF  }
0xa9: {  	s26 =	simm.s32 $execute0_lowered;
	[smem:$0x3FD2] =	sst s25  }
0xaa: {  	s9 =	sshll.u32 s26, $0x1;
	_ =	strace $0x80000046;
	[dreg:$0x1] =	wrdreg $0xFFFFFFFF  }
0xab: {  	s28 =	simm.s32 $_size_execute0_lowered;
	s7 =	sadd.s32 s7, s9;
	[dreg:$0x0] =	wrdreg $0x0  }
0xac: {  	s9 =	sshll.u32 s28, $0x1;
	[dreg:$0x2] =	wrdreg s7  }
0xad: {  	[dreg:$0x3] =	wrdreg s9  }
0xae: {  	[dreg:$0x4] =	wrdreg $0xC0  }
0xaf: {  	_ =	task [dreg:s11], $0x5FFFF  }
0xb0: {  	[dreg:$0x1] =	wrdreg $0xFFFFFFFF  }
0xb1: {  	[dreg:$0x0] =	wrdreg $0x60  }
0xb2: {  	[dreg:$0x2] =	wrdreg s2  }
0xb3: {  	[dreg:$0x3] =	wrdreg s18  }
0xb4: {  	[dreg:$0x4] =	wrdreg s4  }
0xb5: {  	[dreg:$0x5] =	wrdreg s24  }
0xb6: {  	[dreg:$0x6] =	wrdreg s5  }
0xb7: {  	[dreg:$0x7] =	wrdreg s6  }
0xb8: {  	[dreg:$0x8] =	wrdreg $0x9  }
0xb9: {  	_ =	task.clear_ibuf [dreg:s11], $0x9FFFF;
	_ =	strace $0x90000046  }
0xba: {  	s29 =	simm.s32 $0x9;
	_ =	strace $0x80000048  }
0xbb: {  	_ =	swait.ge [sflag:s29], $0x1  }
0xbc: {  	[sflag:s29] =	ssyncadd.s32 $0xFFFFFFFF  }
0xbd: {  	_ =	strace $0x90000048  }
0xbe: {  	_ =	sfence  }
0xbf: {  	s30 =	sld [smem:$0x0];
	_ =	sdelay $0x2  }
0xc0: {  	s31 =	sshll.u32 s1, $0xD;
	s1 =	sshrl.u32 s1, $0x2  }
0xc1: {  	s3 =	sand.u32 $0x4000, s31;
	s1 =	sadd.s32 s1, s30  }
0xc2: {  	s0 =	sor.u32 s3, s0;
	s1 =	sshll.u32 s1, $0x11  }
0xc3: {  	s0 =	sor.u32 s1, s0  }
0xc4: {  	s0 =	sadd.s32 $0x8F2B, s0  }
0xc5: {  	[sflag:s0] =	ssyncadd.remote.s32 $0x1  }
0xc6: {  	_ =	sfence.sel $0xFFFF  }
0xc7: {  	[dreg:$0x0] =	wrdreg $0xFFFFFFFF;
	(pc) =	sbr.abs _section_cstart, $3  }
0xc8: {  	[dreg:$0x1] =	wrdreg $0xFFFFFFFF  }
0xc9: {  	_ =	task.clear_ibuf [dreg:s11], $0x2FFFF;
	_ =	strace $0x9FFFFFFF  }
0xca: {  	(tm) =	ssettm $0x7FFFFFFF  }
0xcb: {  	_ =	shalt  }
tec
execute0_lowered:
.L_overlay_start_1:
0x0: {  	(tag) =	ssettag $0x1  }
0x1: {  	s0 =	rddreg [dreg:$0x3];
	s1 =	simm.s32 $0x0  }
0x2: {  	[smem:$0x7FF] =	sst s1;
	s15 =	sadd.s32 $0x34000, s0  }
0x3: {  	s16 =	sadd.s32 $0xA2000, s0;
	_ =	strace $0x80000047;
	[dreg:$0x7] =	wrdreg s15  }
0x4: {  	s17 =	sadd.s32 $0xD0000, s0;
	[dreg:$0x8] =	wrdreg s16  }
0x5: {  	s18 =	sadd.s32 $0xC0A00, s0;
	[dreg:$0x9] =	wrdreg s17  }
0x6: {  	s19 =	sadd.s32 $0xDF600, s0;
	[dreg:$0xa] =	wrdreg s18  }
0x7: {  	s24 =	srdreg.scid;
	s20 =	sadd.s32 $0x3200, s0;
	[dreg:$0xb] =	wrdreg s19  }
0x8: {  	s3 =	stileid.u32;
	s21 =	sadd.s32 $0xF45600, s0;
	[dreg:$0xc] =	wrdreg s20  }
0x9: {  	s5 =	simm.s32 $0x40;
	s22 =	sadd.s32 $0x71200, s0;
	[dreg:$0xd] =	wrdreg s21  }
0xa: {  	s6 =	simm.s32 $0x120;
	s23 =	sadd.s32 $0x10FE00, s0;
	[dreg:$0xe] =	wrdreg s22  }
0xb: {  	s2 =	sadd.s32 $0xE8A00, s0;
	s25 =	sadd.s32 $0xF7600, s0;
	[dreg:$0xf] =	wrdreg s23  }
0xc: {  	s1 =	sand.u32 $0x1, s24;
	s26 =	sadd.s32 $0xF2A00, s0;
	[dreg:$0x10] =	wrdreg s2  }
0xd: {  	s28 =	sadd.s32 $0x140C00, s0;
	s0 =	sadd.s32 $0xF2800, s0;
	[dreg:$0x11] =	wrdreg s25  }
0xe: {  	s31 =	sshll.u32 s3, $0x6;
	[dreg:$0x12] =	wrdreg s26;
	s29 =	ssub.s32 $0x2, s1  }
0xf: {  	[dreg:$0x13] =	wrdreg s28;
	s1 =	sshll.u32 s1, $0xA;
	s30 =	sshrl.u32 s29, $0x1  }
0x10: {  	[dreg:$0x14] =	wrdreg s0;
	s1 =	sor.u32 s31, s1;
	s0 =	ssub.s32 s29, s30  }
0x11: {  	s7 =	simm.s32 $0x160;
	[dreg:$0x15] =	wrdreg s1;
	s0 =	smax.u32 s0, $0x1  }
0x12: {  	v0 =	vlaneseq.u32;
	s2 =	simm.s32 $0x2;
	s1 =	simm.s32 $0x0;
	[dreg:$0x16] =	wrdreg s0  }
.LBB2_1:
0x13: {  	[dreg:$0x17] =	wrdreg s1;
	s0 =	simm.s32 $0x0  }
.LBB2_2:
0x14: {  	s18 =	sshll.u32 s0, $0x3;
	s1 =	rddreg [dreg:$0x15]  }
0x15: {  	s19 =	rddreg [dreg:$0x0];
	s1 =	sadd.s32 s1, s18  }
0x16: {  	[dreg:$0x18] =	wrdreg s0;
	s3 =	simm.s32 $0x0;
	s0 =	sadd.s32 s19, s1  }
0x17: {  	[tilespmem:s3], [sflag:$0x2] =	stream.linear.gather [hbm4b:s0+s3], $0x40, $0x38;
	[tilespmem:$0x1AFB0] =	vst v63  }
0x18: {  	_ =	swait.ge [sflag:s2], $0x40  }
0x19: {  	[sflag:s2] =	ssyncset.done $0x0  }
0x1a: {  	[sflag:s2] =	ssyncadd.s32 $0xFFFFFFC0  }
0x1b: {  	s20 =	rddreg [dreg:$0x1]  }
0x1c: {  	s21 =	simm.s32 $0x50;
	[dreg:$0x19] =	wrdreg s1;
	s0 =	sadd.s32 s20, s1  }
0x1d: {  	[tilespmem:s21], [sflag:$0x2] =	stream.linear.gather [hbm4b:s0+s3], $0x40, $0x38;
	[tilespmem:$0x1AFB0] =	vst v63  }
0x1e: {  	_ =	swait.ge [sflag:s2], $0x40  }
0x1f: {  	[sflag:s2] =	ssyncset.done $0x0  }
0x20: {  	[sflag:s2] =	ssyncadd.s32 $0xFFFFFFC0  }
0x21: {  	v1 =	vld [tilespmem:$0x50]  }
0x22: {  	v2 =	vld [tilespmem:$0x0]  }
0x23: {  	v3 =	vld [tilespmem:$0x60]  }
0x24: {  	v4 =	vld [tilespmem:$0x10]  }
0x25: {  	v5 =	vld [tilespmem:$0x70]  }
0x26: {  	v6 =	vld [tilespmem:$0x20];
	v1 =	vadd.s32 $0xFFFFFFFF, v1  }
0x27: {  	[tilespmem:$0xD0] =	vst v1;
	v1 =	vshrl.u32 v2, $0x2;
	v2 =	vld [tilespmem:$0x80]  }
0x28: {  	[tilespmem:$0x90] =	vst v1;
	v1 =	vadd.s32 $0xFFFFFFFF, v3;
	v3 =	vld [tilespmem:$0x30]  }
0x29: {  	[tilespmem:$0xE0] =	vst v1;
	v1 =	vshrl.u32 v4, $0x2  }
0x2a: {  	[tilespmem:$0xA0] =	vst v1;
	v1 =	vadd.s32 $0xFFFFFFFF, v5  }
0x2b: {  	[tilespmem:$0xF0] =	vst v1;
	v1 =	vshrl.u32 v6, $0x2  }
0x2c: {  	[tilespmem:$0xB0] =	vst v1;
	v1 =	vadd.s32 $0xFFFFFFFF, v2  }
0x2d: {  	[tilespmem:$0x100] =	vst v1;
	v1 =	vshrl.u32 v3, $0x2  }
0x2e: {  	s23 =	simm.s32 $0x90;
	s24 =	simm.s32 $0x1770;
	s22 =	rddreg [dreg:$0xd];
	[tilespmem:$0xC0] =	vst v1  }
0x2f: {  	[tilespmem:s24], [sflag:$0x1] =	stream.indirect.gather [hbm4b:s22+s5], $0x190, s23, s5, $0xb8;
	[tilespmem:$0x1AFB0] =	vst v63  }
0x30: {  	s0 =	simm.s32 $0xD0;
	s25 =	rddreg [dreg:$0x2]  }
0x31: {  	[tilespmem:s6], [sflag:$0x1] =	stream.indirect.gather [hbm4b:s25+s5], $0x1, s0, s5, $0xb8;
	[tilespmem:$0x1AFB0] =	vst v63  }
0x32: {  	s26 =	rddreg [dreg:$0x4]  }
0x33: {  	[tilespmem:s7], [sflag:$0x1] =	stream.indirect.gather [hbm4b:s26+s5], $0x1, s0, s5, $0xb8;
	[tilespmem:$0x1AFB0] =	vst v63  }
0x34: {  	s29 =	simm.s32 $0x1AB70;
	s28 =	rddreg [dreg:$0xc]  }
0x35: {  	[tilespmem:s29], [sflag:$0x1] =	stream.indirect.gather [hbm4b:s28+s5], $0x10, s0, s5, $0xb8;
	[tilespmem:$0x1AFB0] =	vst v63  }
0x36: {  	v1 =	vld [tilespmem:s0+$0x0];
	_ =	sdelay $0x4  }
0x37: {  	(v2sf) =	vpush v1, $0x0;
	_ =	sdelay $0xe  }
0x38: {  	s30 =	spop (v2sf)  }
0x39: {  	s31 =	smul.u32 $0x14, s30;
	_ =	sdelay $0x1  }
0x3a: {  	s1 =	simm.s32 $0x1A0;
	v1 =	vadd.s32 s31, v0;
	s4 =	sadd.s32 $0x10, s31  }
0x3b: {  	s3 =	sand.u32 $0x7FC, s3;
	s2 =	simm.s32 $0x14;
	[tilespmem:s1+$0x0] =	vst v1;
	v1 =	vadd.s32 s4, v0  }
.LBB2_3:
0x3c: {  	p0 =	sne.s32 s2, $0x4EC;
	[tilespmem:s3+$0x1B0] =	vst v1;
	s1 =	sadd.s32 $0x14, s1;
	s0 =	sadd.s32 $0x1, s0  }
0x3d: {  	s3 =	smov.u32 s2;
	s2 =	sadd.s32 $0x14, s2;
	v1 =	vld [tilespmem:s0+$0x0];
	_ =	sdelay $0x4  }
0x3e: {  	(v2sf) =	vpush v1, $0x0;
	_ =	sdelay $0xe  }
.Ltmp0:
0x3f: {  	s4 =	spop (v2sf);
	(pc) =	sbr.rel @p0 .LBB2_3-.Ltmp0, $3  }
0x40: {  	s4 =	smul.u32 $0x14, s4;
	_ =	sdelay $0x1  }
0x41: {  	v1 =	vadd.s32 s4, v0;
	s4 =	sadd.s32 $0x10, s4  }
0x42: {  	s3 =	sand.u32 $0x7FC, s3;
	[tilespmem:s1+$0x0] =	vst v1;
	v1 =	vadd.s32 s4, v0  }
0x43: {  	[tilespmem:s3+$0x1B0] =	vst v1;
	s0 =	simm.s32 $0x0  }
0x44: {  	v1 =	vld [tilespmem:s0+$0xD0];
	_ =	sdelay $0x4  }
0x45: {  	(v2sf) =	vpush v1, $0x0;
	_ =	sdelay $0xe  }
0x46: {  	s31 =	spop (v2sf)  }
0x47: {  	s1 =	smul.u32 $0xA, s31;
	_ =	sdelay $0x1  }
0x48: {  	s0 =	simm.s32 $0x6B0;
	v1 =	vadd.s32 s1, v0  }
0x49: {  	s2 =	simm.s32 $0x1;
	s1 =	simm.s32 $0x8;
	[tilespmem:s0+$0x0] =	vst v1  }
.LBB2_5:
0x4a: {  	p0 =	sne.s32 s1, $0xFC;
	v1 =	vld [tilespmem:s2+$0xD0];
	_ =	sdelay $0x4  }
0x4b: {  	(v2sf) =	vpush v1, $0x0;
	_ =	sdelay $0xe  }
.Ltmp1:
0x4c: {  	s2 =	spop (v2sf);
	(pc) =	sbr.rel @p0 .LBB2_5-.Ltmp1, $3  }
0x4d: {  	s2 =	smul.u32 $0xA, s2;
	_ =	sdelay $0x1  }
0x4e: {  	s0 =	sadd.s32 $0xA, s0;
	v1 =	vadd.s32 s2, v0  }
0x4f: {  	s2 =	sshra.s32 s1, $0x2;
	s1 =	sadd.s32 $0x4, s1;
	[tilespmem:s0+$0x0] =	vst v1  }
0x50: {  	v1 =	vld [tilespmem:s2+$0xD0];
	_ =	sdelay $0x4  }
0x51: {  	(v2sf) =	vpush v1, $0x0;
	_ =	sdelay $0xe  }
0x52: {  	s1 =	spop (v2sf)  }
0x53: {  	s1 =	smul.u32 $0xA, s1;
	_ =	sdelay $0x1  }
0x54: {  	s0 =	sadd.s32 $0xA, s0;
	v1 =	vadd.s32 s1, v0  }
0x55: {  	[tilespmem:s0+$0x0] =	vst v1;
	s0 =	simm.s32 $0x0  }
0x56: {  	v1 =	vld [tilespmem:s0+$0xD0];
	_ =	sdelay $0x4  }
0x57: {  	(v2sf) =	vpush v1, $0x0;
	_ =	sdelay $0xe  }
0x58: {  	s30 =	spop (v2sf)  }
0x59: {  	s31 =	smul.u32 $0x5, s30;
	_ =	sdelay $0x1  }
0x5a: {  	s1 =	simm.s32 $0x940;
	v1 =	vadd.s32 s31, v0  }
0x5b: {  	s3 =	simm.s32 $0x1;
	s2 =	simm.s32 $0x8;
	[tilespmem:s1+$0x0] =	vst v1  }
.LBB2_7:
0x5c: {  	p0 =	sne.s32 s2, $0xFC;
	v1 =	vld [tilespmem:s3+$0xD0];
	_ =	sdelay $0x4  }
0x5d: {  	(v2sf) =	vpush v1, $0x0;
	_ =	sdelay $0xe  }
.Ltmp2:
0x5e: {  	s3 =	spop (v2sf);
	(pc) =	sbr.rel @p0 .LBB2_7-.Ltmp2, $3  }
0x5f: {  	s3 =	smul.u32 $0x5, s3;
	_ =	sdelay $0x1  }
0x60: {  	s1 =	sadd.s32 $0x5, s1;
	v1 =	vadd.s32 s3, v0  }
0x61: {  	s3 =	sshra.s32 s2, $0x2;
	s2 =	sadd.s32 $0x4, s2;
	[tilespmem:s1+$0x0] =	vst v1  }
0x62: {  	v1 =	vld [tilespmem:s3+$0xD0];
	_ =	sdelay $0x4  }
0x63: {  	(v2sf) =	vpush v1, $0x0;
	_ =	sdelay $0xe  }
0x64: {  	s2 =	spop (v2sf)  }
0x65: {  	s2 =	smul.u32 $0x5, s2;
	_ =	sdelay $0x1  }
0x66: {  	s1 =	sadd.s32 $0x5, s1;
	v1 =	vadd.s32 s2, v0  }
0x67: {  	[tilespmem:s1+$0x0] =	vst v1  }
0x68: {  	v1 =	vld [tilespmem:s0+$0xD0];
	_ =	sdelay $0x4  }
0x69: {  	(v2sf) =	vpush v1, $0x0;
	_ =	sdelay $0xe  }
0x6a: {  	s30 =	spop (v2sf)  }
0x6b: {  	s31 =	smul.u32 $0x5, s30;
	_ =	sdelay $0x1  }
0x6c: {  	s0 =	simm.s32 $0xA90;
	v1 =	vadd.s32 s31, v0  }
0x6d: {  	s2 =	simm.s32 $0x1;
	s1 =	simm.s32 $0x8;
	[tilespmem:s0+$0x0] =	vst v1  }
.LBB2_9:
0x6e: {  	p0 =	sne.s32 s1, $0xFC;
	v1 =	vld [tilespmem:s2+$0xD0];
	_ =	sdelay $0x4  }
0x6f: {  	(v2sf) =	vpush v1, $0x0;
	_ =	sdelay $0xe  }
.Ltmp3:
0x70: {  	s2 =	spop (v2sf);
	(pc) =	sbr.rel @p0 .LBB2_9-.Ltmp3, $3  }
0x71: {  	s2 =	smul.u32 $0x5, s2;
	_ =	sdelay $0x1  }
0x72: {  	s0 =	sadd.s32 $0x5, s0;
	v1 =	vadd.s32 s2, v0  }
0x73: {  	s2 =	sshra.s32 s1, $0x2;
	s1 =	sadd.s32 $0x4, s1;
	[tilespmem:s0+$0x0] =	vst v1  }
0x74: {  	v1 =	vld [tilespmem:s2+$0xD0];
	_ =	sdelay $0x4  }
0x75: {  	(v2sf) =	vpush v1, $0x0;
	_ =	sdelay $0xe  }
0x76: {  	s1 =	spop (v2sf)  }
0x77: {  	s1 =	smul.u32 $0x5, s1;
	_ =	sdelay $0x1  }
0x78: {  	s0 =	sadd.s32 $0x5, s0;
	v1 =	vadd.s32 s1, v0  }
0x79: {  	s29 =	simm.s32 $0x0;
	[tilespmem:s0+$0x0] =	vst v1  }
0x7a: {  	v1 =	vld [tilespmem:s29+$0xD0];
	_ =	sdelay $0x4  }
0x7b: {  	(v2sf) =	vpush v1, $0x0;
	_ =	sdelay $0xe  }
0x7c: {  	s30 =	spop (v2sf)  }
0x7d: {  	s31 =	smul.u32 $0x3, s30;
	_ =	sdelay $0x1  }
0x7e: {  	s0 =	simm.s32 $0xBE0;
	v1 =	vadd.s32 s31, v0  }
0x7f: {  	s2 =	simm.s32 $0x1;
	s1 =	simm.s32 $0x8;
	[tilespmem:s0+$0x0] =	vst v1  }
.LBB2_11:
0x80: {  	p0 =	sne.s32 s1, $0xFC;
	v1 =	vld [tilespmem:s2+$0xD0];
	_ =	sdelay $0x4  }
0x81: {  	(v2sf) =	vpush v1, $0x0;
	_ =	sdelay $0xe  }
.Ltmp4:
0x82: {  	s2 =	spop (v2sf);
	(pc) =	sbr.rel @p0 .LBB2_11-.Ltmp4, $3  }
0x83: {  	s2 =	smul.u32 $0x3, s2;
	_ =	sdelay $0x1  }
0x84: {  	s0 =	sadd.s32 $0x3, s0;
	v1 =	vadd.s32 s2, v0  }
0x85: {  	s2 =	sshra.s32 s1, $0x2;
	s1 =	sadd.s32 $0x4, s1;
	[tilespmem:s0+$0x0] =	vst v1  }
0x86: {  	v1 =	vld [tilespmem:s2+$0xD0];
	_ =	sdelay $0x4  }
0x87: {  	(v2sf) =	vpush v1, $0x0;
	_ =	sdelay $0xe  }
0x88: {  	s1 =	spop (v2sf)  }
0x89: {  	s1 =	smul.u32 $0x3, s1;
	_ =	sdelay $0x1  }
0x8a: {  	s0 =	sadd.s32 $0x3, s0;
	s17 =	rddreg [dreg:$0x7];
	v1 =	vadd.s32 s1, v0  }
0x8b: {  	s18 =	simm.s32 $0x1A0;
	s3 =	simm.s32 $0xCB0;
	s1 =	simm.s32 $0x80;
	[tilespmem:s0+$0x0] =	vst v1  }
0x8c: {  	[tilespmem:s3], [sflag:$0x1] =	stream.indirect.gather [hbm4b:s17+s1], $0x1, s18, s1, $0xb8;
	[tilespmem:$0x1AFB0] =	vst v63  }
0x8d: {  	s19 =	simm.s32 $0x220;
	s4 =	simm.s32 $0xD30  }
0x8e: {  	[tilespmem:s4], [sflag:$0x1] =	stream.indirect.gather [hbm4b:s17+s1], $0x1, s19, s1, $0xb8;
	[tilespmem:$0x1AFB0] =	vst v63  }
0x8f: {  	s20 =	simm.s32 $0x2A0;
	s8 =	simm.s32 $0xDB0  }
0x90: {  	[tilespmem:s8], [sflag:$0x1] =	stream.indirect.gather [hbm4b:s17+s1], $0x1, s20, s1, $0xb8;
	[tilespmem:$0x1AFB0] =	vst v63  }
0x91: {  	s21 =	simm.s32 $0x320;
	s9 =	simm.s32 $0xE30  }
0x92: {  	[tilespmem:s9], [sflag:$0x1] =	stream.indirect.gather [hbm4b:s17+s1], $0x1, s21, s1, $0xb8;
	[tilespmem:$0x1AFB0] =	vst v63  }
0x93: {  	s22 =	simm.s32 $0x3A0;
	s10 =	simm.s32 $0xEB0  }
0x94: {  	[tilespmem:s10], [sflag:$0x1] =	stream.indirect.gather [hbm4b:s17+s1], $0x1, s22, s1, $0xb8;
	[tilespmem:$0x1AFB0] =	vst v63  }
0x95: {  	s23 =	simm.s32 $0x420;
	s11 =	simm.s32 $0xF30  }
0x96: {  	[tilespmem:s11], [sflag:$0x1] =	stream.indirect.gather [hbm4b:s17+s1], $0x1, s23, s1, $0xb8;
	[tilespmem:$0x1AFB0] =	vst v63  }
0x97: {  	s24 =	simm.s32 $0x4A0;
	s12 =	simm.s32 $0xFB0  }
0x98: {  	[tilespmem:s12], [sflag:$0x1] =	stream.indirect.gather [hbm4b:s17+s1], $0x1, s24, s1, $0xb8;
	[tilespmem:$0x1AFB0] =	vst v63  }
0x99: {  	s25 =	simm.s32 $0x520;
	s13 =	simm.s32 $0x1030  }
0x9a: {  	[tilespmem:s13], [sflag:$0x1] =	stream.indirect.gather [hbm4b:s17+s1], $0x1, s25, s1, $0xb8;
	[tilespmem:$0x1AFB0] =	vst v63  }
0x9b: {  	s26 =	simm.s32 $0x5A0;
	s14 =	simm.s32 $0x10B0  }
0x9c: {  	[tilespmem:s14], [sflag:$0x1] =	stream.indirect.gather [hbm4b:s17+s1], $0x1, s26, s1, $0xb8;
	[tilespmem:$0x1AFB0] =	vst v63  }
0x9d: {  	s28 =	simm.s32 $0x620;
	s15 =	simm.s32 $0x1130  }
0x9e: {  	[tilespmem:s15], [sflag:$0x1] =	stream.indirect.gather [hbm4b:s17+s1], $0x1, s28, s1, $0xb8;
	[tilespmem:$0x1AFB0] =	vst v63  }
0x9f: {  	s29 =	rddreg [dreg:$0x8];
	s16 =	simm.s32 $0x11B0;
	s19 =	simm.s32 $0x6B0  }
0xa0: {  	[tilespmem:s16], [sflag:$0x1] =	stream.indirect.gather [hbm4b:s29+s1], $0x1, s19, s1, $0xb8;
	[tilespmem:$0x1AFB0] =	vst v63  }
0xa1: {  	s20 =	simm.s32 $0x730;
	s17 =	simm.s32 $0x1230  }
0xa2: {  	[tilespmem:s17], [sflag:$0x1] =	stream.indirect.gather [hbm4b:s29+s1], $0x1, s20, s1, $0xb8;
	[tilespmem:$0x1AFB0] =	vst v63  }
0xa3: {  	s18 =	simm.s32 $0x12B0;
	s21 =	simm.s32 $0x7B0  }
0xa4: {  	[tilespmem:s18], [sflag:$0x1] =	stream.indirect.gather [hbm4b:s29+s1], $0x1, s21, s1, $0xb8;
	[tilespmem:$0x1AFB0] =	vst v63  }
0xa5: {  	s22 =	simm.s32 $0x830;
	s19 =	simm.s32 $0x1330  }
0xa6: {  	[tilespmem:s19], [sflag:$0x1] =	stream.indirect.gather [hbm4b:s29+s1], $0x1, s22, s1, $0xb8;
	[tilespmem:$0x1AFB0] =	vst v63  }
0xa7: {  	s23 =	simm.s32 $0x8B0;
	s20 =	simm.s32 $0x13B0  }
0xa8: {  	[tilespmem:s20], [sflag:$0x1] =	stream.indirect.gather [hbm4b:s29+s1], $0x1, s23, s1, $0xb8;
	[tilespmem:$0x1AFB0] =	vst v63  }
0xa9: {  	s24 =	rddreg [dreg:$0x9];
	s25 =	simm.s32 $0x940;
	s21 =	simm.s32 $0x1430  }
0xaa: {  	[tilespmem:s21], [sflag:$0x1] =	stream.indirect.gather [hbm4b:s24+s1], $0x1, s25, s1, $0xb8;
	[tilespmem:$0x1AFB0] =	vst v63  }
0xab: {  	s26 =	simm.s32 $0x9C0;
	s22 =	simm.s32 $0x14B0  }
0xac: {  	[tilespmem:s22], [sflag:$0x1] =	stream.indirect.gather [hbm4b:s24+s1], $0x1, s26, s1, $0xb8;
	[tilespmem:$0x1AFB0] =	vst v63  }
0xad: {  	s28 =	simm.s32 $0xA40;
	s23 =	simm.s32 $0x1530  }
0xae: {  	[tilespmem:s23], [sflag:$0x1] =	stream.indirect.gather [hbm4b:s24+s5], $0x1, s28, s5, $0xb8;
	[tilespmem:$0x1AFB0] =	vst v63  }
0xaf: {  	s29 =	rddreg [dreg:$0xa];
	s25 =	simm.s32 $0xA90;
	s24 =	simm.s32 $0x1570  }
0xb0: {  	[tilespmem:s24], [sflag:$0x1] =	stream.indirect.gather [hbm4b:s29+s1], $0x1, s25, s1, $0xb8;
	[tilespmem:$0x1AFB0] =	vst v63  }
0xb1: {  	s26 =	simm.s32 $0xB10;
	s25 =	simm.s32 $0x15F0  }
0xb2: {  	[tilespmem:s25], [sflag:$0x1] =	stream.indirect.gather [hbm4b:s29+s1], $0x1, s26, s1, $0xb8;
	[tilespmem:$0x1AFB0] =	vst v63  }
0xb3: {  	s28 =	simm.s32 $0xB90;
	s26 =	simm.s32 $0x1670  }
0xb4: {  	[tilespmem:s26], [sflag:$0x1] =	stream.indirect.gather [hbm4b:s29+s5], $0x1, s28, s5, $0xb8;
	[tilespmem:$0x1AFB0] =	vst v63  }
0xb5: {  	s0 =	rddreg [dreg:$0xb];
	s29 =	simm.s32 $0xBE0;
	s28 =	simm.s32 $0x16B0  }
0xb6: {  	[tilespmem:s28], [sflag:$0x1] =	stream.indirect.gather [hbm4b:s0+s1], $0x1, s29, s1, $0xb8;
	[tilespmem:$0x1AFB0] =	vst v63  }
0xb7: {  	s2 =	simm.s32 $0xC60;
	s30 =	simm.s32 $0x1;
	s29 =	simm.s32 $0x1730  }
0xb8: {  	[tilespmem:s29], [sflag:$0x1] =	stream.indirect.gather [hbm4b:s0+s5], $0x1, s2, s5, $0xb8;
	[tilespmem:$0x1AFB0] =	vst v63  }
0xb9: {  	_ =	swait.ge [sflag:s30], $0x6400  }
0xba: {  	[sflag:s30] =	ssyncset.done $0x0  }
0xbb: {  	[sflag:s30] =	ssyncadd.s32 $0xFFFF9C00  }
0xbc: {  	_ =	swait.ge [sflag:s30], $0x40  }
0xbd: {  	[sflag:s30] =	ssyncset.done $0x0  }
0xbe: {  	[sflag:s30] =	ssyncadd.s32 $0xFFFFFFC0  }
0xbf: {  	_ =	swait.ge [sflag:s30], $0x40  }
0xc0: {  	[sflag:s30] =	ssyncset.done $0x0  }
0xc1: {  	[sflag:s30] =	ssyncadd.s32 $0xFFFFFFC0  }
0xc2: {  	_ =	swait.ge [sflag:s30], $0x400  }
0xc3: {  	[sflag:s30] =	ssyncset.done $0x0  }
0xc4: {  	[sflag:s30] =	ssyncadd.s32 $0xFFFFFC00  }
0xc5: {  	_ =	swait.ge [sflag:s30], $0x80  }
0xc6: {  	[sflag:s30] =	ssyncset.done $0x0  }
0xc7: {  	[sflag:s30] =	ssyncadd.s32 $0xFFFFFF80  }
0xc8: {  	_ =	swait.ge [sflag:s30], $0x80  }
0xc9: {  	[sflag:s30] =	ssyncset.done $0x0  }
0xca: {  	[sflag:s30] =	ssyncadd.s32 $0xFFFFFF80  }
0xcb: {  	_ =	swait.ge [sflag:s30], $0x80  }
0xcc: {  	[sflag:s30] =	ssyncset.done $0x0  }
0xcd: {  	[sflag:s30] =	ssyncadd.s32 $0xFFFFFF80  }
0xce: {  	_ =	swait.ge [sflag:s30], $0x80  }
0xcf: {  	[sflag:s30] =	ssyncset.done $0x0  }
0xd0: {  	[sflag:s30] =	ssyncadd.s32 $0xFFFFFF80  }
0xd1: {  	_ =	swait.ge [sflag:s30], $0x80  }
0xd2: {  	[sflag:s30] =	ssyncset.done $0x0  }
0xd3: {  	[sflag:s30] =	ssyncadd.s32 $0xFFFFFF80  }
0xd4: {  	_ =	swait.ge [sflag:s30], $0x80  }
0xd5: {  	[sflag:s30] =	ssyncset.done $0x0  }
0xd6: {  	[sflag:s30] =	ssyncadd.s32 $0xFFFFFF80  }
0xd7: {  	_ =	swait.ge [sflag:s30], $0x80  }
0xd8: {  	[sflag:s30] =	ssyncset.done $0x0  }
0xd9: {  	[sflag:s30] =	ssyncadd.s32 $0xFFFFFF80  }
0xda: {  	_ =	swait.ge [sflag:s30], $0x80  }
0xdb: {  	[sflag:s30] =	ssyncset.done $0x0  }
0xdc: {  	[sflag:s30] =	ssyncadd.s32 $0xFFFFFF80  }
0xdd: {  	_ =	swait.ge [sflag:s30], $0x80  }
0xde: {  	[sflag:s30] =	ssyncset.done $0x0  }
0xdf: {  	[sflag:s30] =	ssyncadd.s32 $0xFFFFFF80  }
0xe0: {  	_ =	swait.ge [sflag:s30], $0x80  }
0xe1: {  	[sflag:s30] =	ssyncset.done $0x0  }
0xe2: {  	[sflag:s30] =	ssyncadd.s32 $0xFFFFFF80  }
0xe3: {  	_ =	swait.ge [sflag:s30], $0x80  }
0xe4: {  	[sflag:s30] =	ssyncset.done $0x0  }
0xe5: {  	[sflag:s30] =	ssyncadd.s32 $0xFFFFFF80  }
0xe6: {  	_ =	swait.ge [sflag:s30], $0x80  }
0xe7: {  	[sflag:s30] =	ssyncset.done $0x0  }
0xe8: {  	[sflag:s30] =	ssyncadd.s32 $0xFFFFFF80  }
0xe9: {  	_ =	swait.ge [sflag:s30], $0x80  }
0xea: {  	[sflag:s30] =	ssyncset.done $0x0  }
0xeb: {  	[sflag:s30] =	ssyncadd.s32 $0xFFFFFF80  }
0xec: {  	_ =	swait.ge [sflag:s30], $0x80  }
0xed: {  	[sflag:s30] =	ssyncset.done $0x0  }
0xee: {  	[sflag:s30] =	ssyncadd.s32 $0xFFFFFF80  }
0xef: {  	_ =	swait.ge [sflag:s30], $0x80  }
0xf0: {  	[sflag:s30] =	ssyncset.done $0x0  }
0xf1: {  	[sflag:s30] =	ssyncadd.s32 $0xFFFFFF80  }
0xf2: {  	_ =	swait.ge [sflag:s30], $0x80  }
0xf3: {  	[sflag:s30] =	ssyncset.done $0x0  }
0xf4: {  	[sflag:s30] =	ssyncadd.s32 $0xFFFFFF80  }
0xf5: {  	_ =	swait.ge [sflag:s30], $0x80  }
0xf6: {  	[sflag:s30] =	ssyncset.done $0x0  }
0xf7: {  	[sflag:s30] =	ssyncadd.s32 $0xFFFFFF80  }
0xf8: {  	_ =	swait.ge [sflag:s30], $0x40  }
0xf9: {  	[sflag:s30] =	ssyncset.done $0x0  }
0xfa: {  	[sflag:s30] =	ssyncadd.s32 $0xFFFFFFC0  }
0xfb: {  	_ =	swait.ge [sflag:s30], $0x80  }
0xfc: {  	[sflag:s30] =	ssyncset.done $0x0  }
0xfd: {  	[sflag:s30] =	ssyncadd.s32 $0xFFFFFF80  }
0xfe: {  	_ =	swait.ge [sflag:s30], $0x80  }
0xff: {  	[sflag:s30] =	ssyncset.done $0x0  }
0x100: {  	[sflag:s30] =	ssyncadd.s32 $0xFFFFFF80  }
0x101: {  	_ =	swait.ge [sflag:s30], $0x40  }
0x102: {  	[sflag:s30] =	ssyncset.done $0x0  }
0x103: {  	[sflag:s30] =	ssyncadd.s32 $0xFFFFFFC0  }
0x104: {  	_ =	swait.ge [sflag:s30], $0x80  }
0x105: {  	[sflag:s30] =	ssyncset.done $0x0  }
0x106: {  	[sflag:s30] =	ssyncadd.s32 $0xFFFFFF80  }
0x107: {  	_ =	swait.ge [sflag:s30], $0x40  }
0x108: {  	[sflag:s30] =	ssyncset.done $0x0  }
0x109: {  	s2 =	simm.s32 $0x7B70;
	s0 =	rddreg [dreg:$0xe];
	[sflag:s30] =	ssyncadd.s32 $0xFFFFFFC0  }
0x10a: {  	[tilespmem:s2], [sflag:$0x1] =	stream.indirect.gather [hbm4b:s0+s5], $0x20, s6, s5, $0xb8;
	[tilespmem:$0x1AFB0] =	vst v63  }
0x10b: {  	s2 =	simm.s32 $0x12370;
	s6 =	rddreg [dreg:$0x10]  }
0x10c: {  	[tilespmem:s2], [sflag:$0x1] =	stream.indirect.gather [hbm4b:s6+s5], $0x10, s7, s5, $0xb8;
	[tilespmem:$0x1AFB0] =	vst v63  }
0x10d: {  	s0 =	rddreg [dreg:$0xf];
	s7 =	simm.s32 $0x8370  }
0x10e: {  	[tilespmem:s7], [sflag:$0x1] =	stream.indirect.gather [hbm4b:s0+s1], $0x20, s3, s1, $0xb8;
	[tilespmem:$0x1AFB0] =	vst v63  }
0x10f: {  	s6 =	simm.s32 $0x9370  }
0x110: {  	[tilespmem:s6], [sflag:$0x1] =	stream.indirect.gather [hbm4b:s0+s1], $0x20, s4, s1, $0xb8;
	[tilespmem:$0x1AFB0] =	vst v63  }
0x111: {  	s7 =	simm.s32 $0xA370  }
0x112: {  	[tilespmem:s7], [sflag:$0x1] =	stream.indirect.gather [hbm4b:s0+s1], $0x20, s8, s1, $0xb8;
	[tilespmem:$0x1AFB0] =	vst v63  }
0x113: {  	s8 =	simm.s32 $0xB370  }
0x114: {  	[tilespmem:s8], [sflag:$0x1] =	stream.indirect.gather [hbm4b:s0+s1], $0x20, s9, s1, $0xb8;
	[tilespmem:$0x1AFB0] =	vst v63  }
0x115: {  	s4 =	simm.s32 $0xC370  }
0x116: {  	[tilespmem:s4], [sflag:$0x1] =	stream.indirect.gather [hbm4b:s0+s1], $0x20, s10, s1, $0xb8;
	[tilespmem:$0x1AFB0] =	vst v63  }
0x117: {  	s6 =	simm.s32 $0xD370  }
0x118: {  	[tilespmem:s6], [sflag:$0x1] =	stream.indirect.gather [hbm4b:s0+s1], $0x20, s11, s1, $0xb8;
	[tilespmem:$0x1AFB0] =	vst v63  }
0x119: {  	s7 =	simm.s32 $0xE370  }
0x11a: {  	[tilespmem:s7], [sflag:$0x1] =	stream.indirect.gather [hbm4b:s0+s1], $0x20, s12, s1, $0xb8;
	[tilespmem:$0x1AFB0] =	vst v63  }
0x11b: {  	s8 =	simm.s32 $0xF370  }
0x11c: {  	[tilespmem:s8], [sflag:$0x1] =	stream.indirect.gather [hbm4b:s0+s1], $0x20, s13, s1, $0xb8;
	[tilespmem:$0x1AFB0] =	vst v63  }
0x11d: {  	s9 =	simm.s32 $0x10370  }
0x11e: {  	[tilespmem:s9], [sflag:$0x1] =	stream.indirect.gather [hbm4b:s0+s1], $0x20, s14, s1, $0xb8;
	[tilespmem:$0x1AFB0] =	vst v63  }
0x11f: {  	s10 =	simm.s32 $0x11370  }
0x120: {  	[tilespmem:s10], [sflag:$0x1] =	stream.indirect.gather [hbm4b:s0+s1], $0x20, s15, s1, $0xb8;
	[tilespmem:$0x1AFB0] =	vst v63  }
0x121: {  	s11 =	rddreg [dreg:$0x11];
	s12 =	simm.s32 $0x12770  }
0x122: {  	[tilespmem:s12], [sflag:$0x1] =	stream.indirect.gather [hbm4b:s11+s1], $0x10, s16, s1, $0xb8;
	[tilespmem:$0x1AFB0] =	vst v63  }
0x123: {  	s13 =	simm.s32 $0x12F70  }
0x124: {  	[tilespmem:s13], [sflag:$0x1] =	stream.indirect.gather [hbm4b:s11+s1], $0x10, s17, s1, $0xb8;
	[tilespmem:$0x1AFB0] =	vst v63  }
0x125: {  	s14 =	simm.s32 $0x13770  }
0x126: {  	[tilespmem:s14], [sflag:$0x1] =	stream.indirect.gather [hbm4b:s11+s1], $0x10, s18, s1, $0xb8;
	[tilespmem:$0x1AFB0] =	vst v63  }
0x127: {  	s15 =	simm.s32 $0x13F70  }
0x128: {  	[tilespmem:s15], [sflag:$0x1] =	stream.indirect.gather [hbm4b:s11+s1], $0x10, s19, s1, $0xb8;
	[tilespmem:$0x1AFB0] =	vst v63  }
0x129: {  	s16 =	simm.s32 $0x14770  }
0x12a: {  	[tilespmem:s16], [sflag:$0x1] =	stream.indirect.gather [hbm4b:s11+s1], $0x10, s20, s1, $0xb8;
	[tilespmem:$0x1AFB0] =	vst v63  }
0x12b: {  	s17 =	rddreg [dreg:$0x12];
	s18 =	simm.s32 $0x14F70  }
0x12c: {  	[tilespmem:s18], [sflag:$0x1] =	stream.indirect.gather [hbm4b:s17+s1], $0x20, s21, s1, $0xb8;
	[tilespmem:$0x1AFB0] =	vst v63  }
0x12d: {  	s19 =	simm.s32 $0x15F70  }
0x12e: {  	[tilespmem:s19], [sflag:$0x1] =	stream.indirect.gather [hbm4b:s17+s1], $0x20, s22, s1, $0xb8;
	[tilespmem:$0x1AFB0] =	vst v63  }
0x12f: {  	s20 =	simm.s32 $0x16F70  }
0x130: {  	[tilespmem:s20], [sflag:$0x1] =	stream.indirect.gather [hbm4b:s17+s5], $0x20, s23, s5, $0xb8;
	[tilespmem:$0x1AFB0] =	vst v63  }
0x131: {  	s21 =	rddreg [dreg:$0x13];
	s22 =	simm.s32 $0x17770  }
0x132: {  	[tilespmem:s22], [sflag:$0x1] =	stream.indirect.gather [hbm4b:s21+s1], $0x20, s24, s1, $0xb8;
	[tilespmem:$0x1AFB0] =	vst v63  }
0x133: {  	s23 =	simm.s32 $0x18770  }
0x134: {  	[tilespmem:s23], [sflag:$0x1] =	stream.indirect.gather [hbm4b:s21+s1], $0x20, s25, s1, $0xb8;
	[tilespmem:$0x1AFB0] =	vst v63  }
0x135: {  	s24 =	simm.s32 $0x19770  }
0x136: {  	[tilespmem:s24], [sflag:$0x1] =	stream.indirect.gather [hbm4b:s21+s5], $0x20, s26, s5, $0xb8;
	[tilespmem:$0x1AFB0] =	vst v63  }
0x137: {  	s25 =	rddreg [dreg:$0x14];
	s26 =	simm.s32 $0x19F70  }
0x138: {  	[tilespmem:s26], [sflag:$0x1] =	stream.indirect.gather [hbm4b:s25+s1], $0x10, s28, s1, $0xb8;
	[tilespmem:$0x1AFB0] =	vst v63  }
0x139: {  	s28 =	simm.s32 $0x1A770  }
0x13a: {  	[tilespmem:s28], [sflag:$0x1] =	stream.indirect.gather [hbm4b:s25+s5], $0x10, s29, s5, $0xb8;
	[tilespmem:$0x1AFB0] =	vst v63  }
0x13b: {  	_ =	swait.ge [sflag:s30], $0x800  }
0x13c: {  	[sflag:s30] =	ssyncset.done $0x0  }
0x13d: {  	[sflag:s30] =	ssyncadd.s32 $0xFFFFF800  }
0x13e: {  	_ =	swait.ge [sflag:s30], $0x400  }
0x13f: {  	[sflag:s30] =	ssyncset.done $0x0  }
0x140: {  	[sflag:s30] =	ssyncadd.s32 $0xFFFFFC00  }
0x141: {  	_ =	swait.ge [sflag:s30], $0x1000  }
0x142: {  	[sflag:s30] =	ssyncset.done $0x0  }
0x143: {  	[sflag:s30] =	ssyncadd.s32 $0xFFFFF000  }
0x144: {  	_ =	swait.ge [sflag:s30], $0x1000  }
0x145: {  	[sflag:s30] =	ssyncset.done $0x0  }
0x146: {  	[sflag:s30] =	ssyncadd.s32 $0xFFFFF000  }
0x147: {  	_ =	swait.ge [sflag:s30], $0x1000  }
0x148: {  	[sflag:s30] =	ssyncset.done $0x0  }
0x149: {  	[sflag:s30] =	ssyncadd.s32 $0xFFFFF000  }
0x14a: {  	_ =	swait.ge [sflag:s30], $0x1000  }
0x14b: {  	[sflag:s30] =	ssyncset.done $0x0  }
0x14c: {  	[sflag:s30] =	ssyncadd.s32 $0xFFFFF000  }
0x14d: {  	_ =	swait.ge [sflag:s30], $0x1000  }
0x14e: {  	[sflag:s30] =	ssyncset.done $0x0  }
0x14f: {  	[sflag:s30] =	ssyncadd.s32 $0xFFFFF000  }
0x150: {  	_ =	swait.ge [sflag:s30], $0x1000  }
0x151: {  	[sflag:s30] =	ssyncset.done $0x0  }
0x152: {  	[sflag:s30] =	ssyncadd.s32 $0xFFFFF000  }
0x153: {  	_ =	swait.ge [sflag:s30], $0x1000  }
0x154: {  	[sflag:s30] =	ssyncset.done $0x0  }
0x155: {  	[sflag:s30] =	ssyncadd.s32 $0xFFFFF000  }
0x156: {  	_ =	swait.ge [sflag:s30], $0x1000  }
0x157: {  	[sflag:s30] =	ssyncset.done $0x0  }
0x158: {  	[sflag:s30] =	ssyncadd.s32 $0xFFFFF000  }
0x159: {  	_ =	swait.ge [sflag:s30], $0x1000  }
0x15a: {  	[sflag:s30] =	ssyncset.done $0x0  }
0x15b: {  	[sflag:s30] =	ssyncadd.s32 $0xFFFFF000  }
0x15c: {  	_ =	swait.ge [sflag:s30], $0x1000  }
0x15d: {  	[sflag:s30] =	ssyncset.done $0x0  }
0x15e: {  	[sflag:s30] =	ssyncadd.s32 $0xFFFFF000  }
0x15f: {  	_ =	swait.ge [sflag:s30], $0x800  }
0x160: {  	[sflag:s30] =	ssyncset.done $0x0  }
0x161: {  	[sflag:s30] =	ssyncadd.s32 $0xFFFFF800  }
0x162: {  	_ =	swait.ge [sflag:s30], $0x800  }
0x163: {  	[sflag:s30] =	ssyncset.done $0x0  }
0x164: {  	[sflag:s30] =	ssyncadd.s32 $0xFFFFF800  }
0x165: {  	_ =	swait.ge [sflag:s30], $0x800  }
0x166: {  	[sflag:s30] =	ssyncset.done $0x0  }
0x167: {  	[sflag:s30] =	ssyncadd.s32 $0xFFFFF800  }
0x168: {  	_ =	swait.ge [sflag:s30], $0x800  }
0x169: {  	[sflag:s30] =	ssyncset.done $0x0  }
0x16a: {  	[sflag:s30] =	ssyncadd.s32 $0xFFFFF800  }
0x16b: {  	_ =	swait.ge [sflag:s30], $0x800  }
0x16c: {  	[sflag:s30] =	ssyncset.done $0x0  }
0x16d: {  	[sflag:s30] =	ssyncadd.s32 $0xFFFFF800  }
0x16e: {  	_ =	swait.ge [sflag:s30], $0x1000  }
0x16f: {  	[sflag:s30] =	ssyncset.done $0x0  }
0x170: {  	[sflag:s30] =	ssyncadd.s32 $0xFFFFF000  }
0x171: {  	_ =	swait.ge [sflag:s30], $0x1000  }
0x172: {  	[sflag:s30] =	ssyncset.done $0x0  }
0x173: {  	[sflag:s30] =	ssyncadd.s32 $0xFFFFF000  }
0x174: {  	_ =	swait.ge [sflag:s30], $0x800  }
0x175: {  	[sflag:s30] =	ssyncset.done $0x0  }
0x176: {  	[sflag:s30] =	ssyncadd.s32 $0xFFFFF800  }
0x177: {  	_ =	swait.ge [sflag:s30], $0x1000  }
0x178: {  	[sflag:s30] =	ssyncset.done $0x0  }
0x179: {  	[sflag:s30] =	ssyncadd.s32 $0xFFFFF000  }
0x17a: {  	_ =	swait.ge [sflag:s30], $0x1000  }
0x17b: {  	[sflag:s30] =	ssyncset.done $0x0  }
0x17c: {  	[sflag:s30] =	ssyncadd.s32 $0xFFFFF000  }
0x17d: {  	_ =	swait.ge [sflag:s30], $0x800  }
0x17e: {  	[sflag:s30] =	ssyncset.done $0x0  }
0x17f: {  	[sflag:s30] =	ssyncadd.s32 $0xFFFFF800  }
0x180: {  	_ =	swait.ge [sflag:s30], $0x800  }
0x181: {  	[sflag:s30] =	ssyncset.done $0x0  }
0x182: {  	s31 =	simm.s32 $0x0;
	s6 =	simm.s32 $0x1770;
	[sflag:s30] =	ssyncadd.s32 $0xFFFFF800  }
0x183: {  	s0 =	simm.s32 $0x7B80;
	s12 =	simm.s32 $0x19F80;
	_ =	swait.ge [sflag:s30], $0x400  }
0x184: {  	s14 =	simm.s32 $0x84B0;
	s19 =	simm.s32 $0x0;
	[sflag:s30] =	ssyncset.done $0x0  }
0x185: {  	s25 =	simm.s32 $0x1AB70;
	[sflag:s30] =	ssyncadd.s32 $0xFFFFFC00;
	s30 =	simm.s32 $0x0  }
.LBB2_13:
0x186: {  	v24 =	vld [tilespmem:s12+$0xFFFFFFF0]  }
0x187: {  	v25 =	vld [tilespmem:s12+$0x0]  }
0x188: {  	v2 =	vld [tilespmem:s2+$0x0]  }
0x189: {  	v10 =	vld [tilespmem:s0+$0xFFFFFFF0]  }
0x18a: {  	v11 =	vld [tilespmem:s0+$0x0]  }
0x18b: {  	v9 =	vld [tilespmem:s14+$0x120]  }
0x18c: {  	v12 =	vld [tilespmem:s14+$0x130]  }
0x18d: {  	v7 =	vld [tilespmem:s14+$0x100]  }
0x18e: {  	v8 =	vld [tilespmem:s14+$0x110]  }
0x18f: {  	v5 =	vld [tilespmem:s14+$0xE0]  }
0x190: {  	v6 =	vld [tilespmem:s14+$0xF0]  }
0x191: {  	v3 =	vld [tilespmem:s14+$0xC0]  }
0x192: {  	v4 =	vld [tilespmem:s14+$0xD0]  }
0x193: {  	v1 =	vld [tilespmem:s14+$0xA0]  }
0x194: {  	v16 =	vld [tilespmem:s14+$0xB0]  }
0x195: {  	v15 =	vld [tilespmem:s14+$0x80]  }
0x196: {  	v17 =	vld [tilespmem:s14+$0x90]  }
0x197: {  	v18 =	vld [tilespmem:s14+$0x60]  }
0x198: {  	v19 =	vld [tilespmem:s14+$0x70]  }
0x199: {  	v22 =	vld [tilespmem:s14+$0x40]  }
0x19a: {  	v23 =	vld [tilespmem:s14+$0x50]  }
0x19b: {  	v26 =	vld [tilespmem:s14+$0x20]  }
0x19c: {  	v27 =	vld [tilespmem:s14+$0x30]  }
0x19d: {  	v28 =	vld [tilespmem:s14+$0x0]  }
0x19e: {  	v29 =	vld [tilespmem:s14+$0x10]  }
0x19f: {  	v30 =	vld [tilespmem:s14+$0xFFFFFFE0]  }
0x1a0: {  	v31 =	vld [tilespmem:s14+$0xFFFFFFF0]  }
0x1a1: {  	v32 =	vld [tilespmem:s14+$0xFFFFFFC0]  }
0x1a2: {  	v33 =	vld [tilespmem:s14+$0xFFFFFFD0]  }
0x1a3: {  	v34 =	vld [tilespmem:s14+$0xFFFFFFA0]  }
0x1a4: {  	v35 =	vld [tilespmem:s14+$0xFFFFFFB0]  }
0x1a5: {  	v36 =	vld [tilespmem:s14+$0xFFFFFF80]  }
0x1a6: {  	v37 =	vld [tilespmem:s14+$0xFFFFFF90]  }
0x1a7: {  	v20 =	vld [tilespmem:s30+$0x0]  }
0x1a8: {  	v38 =	vld [tilespmem:s14+$0xFFFFFF60]  }
0x1a9: {  	v39 =	vld [tilespmem:s14+$0xFFFFFEC0]  }
0x1aa: {  	v40 =	vld [tilespmem:s14+$0xFFFFFED0]  }
0x1ab: {  	v41 =	vld [tilespmem:s14+$0xFFFFFEE0]  }
0x1ac: {  	v42 =	vld [tilespmem:s14+$0xFFFFFEF0]  }
0x1ad: {  	v43 =	vld [tilespmem:s14+$0xFFFFFF00]  }
0x1ae: {  	v44 =	vld [tilespmem:s14+$0xFFFFFF10]  }
0x1af: {  	v45 =	vld [tilespmem:s14+$0xFFFFFF20]  }
0x1b0: {  	v46 =	vld [tilespmem:s14+$0xFFFFFF30]  }
0x1b1: {  	v47 =	vld [tilespmem:s14+$0xFFFFFF40]  }
0x1b2: {  	v48 =	vld [tilespmem:s14+$0xFFFFFF50]  }
0x1b3: {  	v49 =	vld [tilespmem:s14+$0xFFFFFF70];
	s1 =	sshra.s32 s19, $0x2  }
0x1b4: {  	v14 =	vld [tilespmem:s1+$0x177F0]  }
0x1b5: {  	v13 =	vld [tilespmem:s1+$0x14FF0]  }
0x1b6: {  	v21 =	vld [tilespmem:s1+$0x177D0]  }
0x1b7: {  	v50 =	vld [tilespmem:s1+$0x17770]  }
0x1b8: {  	v51 =	vld [tilespmem:s1+$0x17780]  }
0x1b9: {  	v52 =	vld [tilespmem:s1+$0x17790];
	(v2sf) =	vpush v20, $0x0  }
0x1ba: {  	v53 =	vld [tilespmem:s1+$0x177A0]  }
0x1bb: {  	v54 =	vld [tilespmem:s1+$0x14F70]  }
0x1bc: {  	v55 =	vld [tilespmem:s1+$0x14F80]  }
0x1bd: {  	v56 =	vld [tilespmem:s1+$0x14F90];
	v40 =	vadd.f32 v42, v40  }
0x1be: {  	v57 =	vld [tilespmem:s1+$0x14FA0];
	v39 =	vadd.f32 v41, v39  }
0x1bf: {  	v58 =	vld [tilespmem:s1+$0x12780];
	v40 =	vadd.f32 v44, v40  }
0x1c0: {  	v59 =	vld [tilespmem:s1+$0x12790];
	v39 =	vadd.f32 v43, v39  }
0x1c1: {  	v60 =	vld [tilespmem:s1+$0x127A0];
	v40 =	vadd.f32 v46, v40  }
0x1c2: {  	v20 =	vld [tilespmem:s1+$0x177E0];
	v39 =	vadd.f32 v45, v39  }
0x1c3: {  	v41 =	vld [tilespmem:s1+$0x12770];
	v40 =	vadd.f32 v48, v40  }
0x1c4: {  	v43 =	vld [tilespmem:s1+$0x177B0];
	v39 =	vadd.f32 v47, v39  }
0x1c5: {  	v45 =	vld [tilespmem:s1+$0x177C0];
	v61 =	vadd.f32 v49, v40  }
0x1c6: {  	v47 =	vld [tilespmem:s1+$0x14FB0];
	v38 =	vadd.f32 v38, v39  }
0x1c7: {  	v48 =	vld [tilespmem:s1+$0x127B0];
	v37 =	vadd.f32 v37, v61  }
0x1c8: {  	v40 =	vld [tilespmem:s1+$0x14FC0];
	v36 =	vadd.f32 v36, v38;
	s3 =	spop (v2sf)  }
0x1c9: {  	v49 =	vld [tilespmem:s1+$0x127C0];
	v35 =	vadd.f32 v35, v37;
	s4 =	sand.u32 $0x3, s3  }
0x1ca: {  	s29 =	sadd.s32 $0x280, s14;
	v39 =	vld [tilespmem:s1+$0x127D0];
	v34 =	vadd.f32 v34, v36;
	s3 =	sand.u32 $0x1, s3;
	s8 =	smul.u32 $0x190, s4  }
0x1cb: {  	v38 =	vld [tilespmem:s1+$0x12800];
	v33 =	vadd.f32 v33, v35;
	p0 =	seq.s32 s3, $0x1;
	s15 =	sshll.u32 s3, $0x4;
	s3 =	simm.s32 $0x1  }
0x1cc: {  	v36 =	vld [tilespmem:s1+$0x14FD0];
	v32 =	vadd.f32 v32, v34;
	p0 =	por !p0, !p0;
	s5 =	sadd.s32 $0x150, s8;
	s9 =	sadd.s32 $0xC0, s8  }
0x1cd: {  	v37 =	vld [tilespmem:s1+$0x127E0];
	v31 =	vadd.f32 v31, v33;
	s10 =	sadd.s32 $0x100, s8;
	s3 =	simm.s32 @!p0 $0x0;
	s11 =	sand.u32 $0x7E0, s8  }
0x1ce: {  	v34 =	vld [tilespmem:s1+$0x14FE0];
	v30 =	vadd.f32 v30, v32;
	s16 =	sadd.s32 $0x40, s8;
	s17 =	sadd.s32 $0x80, s8;
	s8 =	sadd.s32 $0x140, s8  }
0x1cf: {  	v35 =	vld [tilespmem:s1+$0x127F0];
	v29 =	vadd.f32 v29, v31;
	s11 =	sor.u32 s15, s11;
	s16 =	sand.u32 $0xFE0, s16;
	s9 =	sand.u32 $0xFE0, s9  }
0x1d0: {  	v32 =	vld [tilespmem:s29+$0xFFFFFFD0];
	v28 =	vadd.f32 v28, v30;
	v31 =	vadd.f32 v56, v54;
	s17 =	sand.u32 $0xFE0, s17;
	s10 =	sand.u32 $0xFE0, s10;
	s8 =	sand.u32 $0xFE0, s8  }
0x1d1: {  	v56 =	vld [tilespmem:s1+$0x15000];
	v27 =	vadd.f32 v27, v29;
	s5 =	sand.u32 $0xFE0, s5;
	v29 =	vadd.f32 v58, v41;
	s3 =	sshll.u32 s3, $0x4;
	s11 =	sshrl.u32 s11, $0x2  }
0x1d2: {  	v26 =	vadd.f32 v26, v28;
	v58 =	vld [tilespmem:s1+$0x17800];
	s16 =	sor.u32 s15, s16;
	s17 =	sor.u32 s15, s17;
	s11 =	sadd.s32 s11, s6  }
0x1d3: {  	s9 =	sor.u32 s15, s9;
	s10 =	sor.u32 s15, s10;
	v23 =	vadd.f32 v23, v27;
	v27 =	vadd.f32 v59, v29;
	v59 =	vld [tilespmem:s12+$0x10];
	s11 =	sadd.s32 $0x0, s11  }
0x1d4: {  	v63 =	vadd.f32 v52, v50;
	s16 =	sshrl.u32 s16, $0x2;
	s17 =	sshrl.u32 s17, $0x2;
	s10 =	sshrl.u32 s10, $0x2;
	v22 =	vadd.f32 v22, v26;
	v62 =	vld [tilespmem:s11+$0x0]  }
0x1d5: {  	s16 =	sadd.s32 s16, s6;
	s22 =	sadd.s32 s10, s6;
	s10 =	sadd.s32 $0x1, s30;
	v19 =	vadd.f32 v19, v23;
	v23 =	vadd.f32 v60, v27;
	v60 =	vld [tilespmem:s25+$0x0]  }
0x1d6: {  	v24 =	vadd.f32 v25, v24;
	s9 =	sshrl.u32 s9, $0x2;
	s20 =	sadd.s32 s17, s6;
	s18 =	sadd.s32 $0x0, s16;
	v33 =	vld [tilespmem:s10+$0x0]  }
0x1d7: {  	s4 =	sor.u32 s15, s8;
	v29 =	vadd.f32 v43, v63;
	s9 =	sadd.s32 s9, s6;
	s21 =	sadd.s32 $0x0, s20;
	v18 =	vadd.f32 v18, v22;
	v25 =	vld [tilespmem:s18+$0x0]  }
0x1d8: {  	v57 =	vadd.f32 v57, v55;
	v54 =	vadd.f32 v53, v51;
	s3 =	sor.u32 s3, s5;
	s4 =	sshrl.u32 s4, $0x2;
	s9 =	sadd.s32 $0x0, s9;
	v30 =	vld [tilespmem:s21+$0x0]  }
0x1d9: {  	s3 =	sshrl.u32 s3, $0x2;
	s24 =	sadd.s32 s4, s6;
	s23 =	sadd.s32 $0x0, s22;
	v21 =	vadd.f32 v21, v29;
	v28 =	vld [tilespmem:s9+$0x0];
	v18 =	vadd.f32 v15, v18  }
0x1da: {  	s26 =	sadd.s32 s3, s6;
	s1 =	sadd.s32 $0x0, s24;
	v26 =	vld [tilespmem:s23+$0x0];
	v17 =	vadd.f32 v17, v19;
	v19 =	vadd.f32 v48, v23  }
0x1db: {  	v22 =	vld [tilespmem:s1+$0x0];
	s1 =	sadd.s32 $0x0, s26;
	v23 =	vadd.f32 v47, v31;
	v31 =	vadd.f32 v40, v57  }
0x1dc: {  	v61 =	vld [tilespmem:s1+$0x0];
	v18 =	vadd.f32 v1, v18;
	v17 =	vadd.f32 v16, v17  }
0x1dd: {  	v21 =	vadd.f32 v14, v21;
	v14 =	vld [tilespmem:s29+$0xB0];
	v19 =	vadd.f32 v49, v19  }
0x1de: {  	s1 =	sadd.s32 $0x30, s12;
	v40 =	vld [tilespmem:s29+$0xFFFFFEF0];
	v18 =	vadd.f32 v3, v18;
	v17 =	vadd.f32 v4, v17  }
0x1df: {  	v27 =	vadd.f32 v45, v54;
	v15 =	vld [tilespmem:s1+$0xFFFFFFF0];
	v19 =	vadd.f32 v39, v19  }
0x1e0: {  	s11 =	sadd.s32 $0x10, s2;
	v16 =	vld [tilespmem:s1+$0x0];
	v18 =	vadd.f32 v5, v18;
	v17 =	vadd.f32 v6, v17  }
0x1e1: {  	v1 =	vld [tilespmem:s11+$0x0];
	v29 =	vadd.f32 v34, v31;
	v19 =	vadd.f32 v37, v19  }
0x1e2: {  	v31 =	vld [tilespmem:s29+$0xFFFFFFC0];
	v18 =	vadd.f32 v7, v18;
	v17 =	vadd.f32 v8, v17  }
0x1e3: {  	v23 =	vadd.f32 v36, v23;
	v34 =	vld [tilespmem:s29+$0xFFFFFFA0];
	v19 =	vadd.f32 v35, v19  }
0x1e4: {  	s21 =	sadd.s32 $0x20, s0;
	v36 =	vld [tilespmem:s29+$0xFFFFFF80];
	v18 =	vadd.f32 v9, v18;
	v12 =	vadd.f32 v12, v17  }
0x1e5: {  	v20 =	vadd.f32 v20, v27;
	v3 =	vld [tilespmem:s21+$0xFFFFFFF0];
	v27 =	vmul.f32 v11, v25;
	v17 =	vmul.f32 v10, v62  }
0x1e6: {  	v4 =	vld [tilespmem:s21+$0x0];
	v19 =	vadd.f32 v38, v19;
	v18 =	vmul.f32 v18, v25;
	v25 =	vmul.f32 v12, v30  }
0x1e7: {  	v11 =	vld [tilespmem:s29+$0xC0];
	v2 =	vmul.f32 v2, v30;
	v23 =	vadd.f32 v13, v23;
	v29 =	vadd.f32 v56, v29  }
0x1e8: {  	v13 =	vld [tilespmem:s29+$0xA0];
	v19 =	vmul.f32 v19, v28;
	v17 =	vadd.f32 v18, v17;
	v18 =	vadd.f32 v25, v27  }
0x1e9: {  	v20 =	vadd.f32 v58, v20;
	v39 =	vld [tilespmem:s29+$0xFFFFFEE0];
	v23 =	vmul.f32 v23, v28  }
0x1ea: {  	v5 =	vld [tilespmem:s29+$0x120];
	v25 =	vmul.f32 v29, v26;
	v2 =	vadd.f32 v2, v17;
	v19 =	vadd.f32 v19, v18  }
0x1eb: {  	v24 =	vadd.f32 v59, v24;
	v21 =	vmul.f32 v21, v26;
	v6 =	vld [tilespmem:s29+$0x130]  }
0x1ec: {  	v37 =	vld [tilespmem:s29+$0xFFFFFF90];
	v2 =	vadd.f32 v23, v2;
	v23 =	vadd.f32 v25, v19;
	v25 =	vmul.f32 v20, v22  }
0x1ed: {  	v24 =	vmul.f32 v24, v22;
	v7 =	vld [tilespmem:s29+$0x100]  }
0x1ee: {  	v8 =	vld [tilespmem:s29+$0x110];
	v2 =	vadd.f32 v21, v2;
	v23 =	vadd.f32 v25, v23;
	v25 =	vmul.f32 v60, v61  }
0x1ef: {  	v35 =	vld [tilespmem:s29+$0xFFFFFFB0]  }
0x1f0: {  	v9 =	vld [tilespmem:s29+$0xE0];
	v2 =	vadd.f32 v24, v2;
	v25 =	vadd.f32 v25, v23  }
0x1f1: {  	v10 =	vld [tilespmem:s29+$0xF0]  }
0x1f2: {  	v38 =	vld [tilespmem:s29+$0xFFFFFF60];
	v2 =	vadd.f32 v25, v2  }
0x1f3: {  	v12 =	vld [tilespmem:s29+$0xD0]  }
0x1f4: {  	v28 =	vld [tilespmem:s29+$0x10];
	(xrf2) =	vadd.scan.msk.f32 $0xffff, v2  }
0x1f5: {  	v30 =	vld [tilespmem:s29+$0xFFFFFFF0]  }
0x1f6: {  	v27 =	vld [tilespmem:s29+$0x0]  }
0x1f7: {  	v29 =	vld [tilespmem:s29+$0xFFFFFFE0]  }
0x1f8: {  	v26 =	vld [tilespmem:s29+$0xFFFFFED0]  }
0x1f9: {  	v17 =	vld [tilespmem:s29+$0x80]  }
0x1fa: {  	v18 =	vld [tilespmem:s29+$0x90]  }
0x1fb: {  	v19 =	vld [tilespmem:s29+$0x60]  }
0x1fc: {  	v20 =	vld [tilespmem:s29+$0x70]  }
0x1fd: {  	v22 =	vld [tilespmem:s29+$0x50]  }
0x1fe: {  	s28 =	simm.s32 $0x0;
	v21 =	vld [tilespmem:s29+$0x40];
	v2, _, _ =	vpop (xrf2)  }
0x1ff: {  	v62 =	vmov s28;
	v23 =	vld [tilespmem:s29+$0x20];
	v2 =	vbroadcast v2, $0xF  }
0x200: {  	s5 =	simm.s32 $0x0;
	v63 =	vimm.f32 $0.0e+00;
	s3 =	sshll.u32 s31, $0x4;
	s20 =	simm.s32 $0xC80;
	vm0 =	veq.s32 v62, v0;
	v24 =	vld [tilespmem:s29+$0x30]  }
0x201: {  	s22 =	smov.u32 s19;
	s16 =	smov.u32 s25;
	s9 =	simm.s32 $0x640;
	v25 =	vld [tilespmem:s29+$0xFFFFFEC0];
	v2 =	vsel vm0, v2, v63  }
.LBB2_14:
0x202: {  	p0 =	sne.s32 s20, $0x5DC0;
	v41 =	vld [tilespmem:s29+$0xFFFFFF00]  }
0x203: {  	v42 =	vld [tilespmem:s29+$0xFFFFFF10]  }
0x204: {  	v43 =	vld [tilespmem:s29+$0xFFFFFF20]  }
0x205: {  	v44 =	vld [tilespmem:s29+$0xFFFFFF30]  }
0x206: {  	v25 =	vadd.f32 v39, v25;
	v26 =	vadd.f32 v40, v26;
	v39 =	vld [tilespmem:s29+$0xFFFFFF40]  }
0x207: {  	s22 =	sadd.s32 $0x280, s22;
	v40 =	vld [tilespmem:s29+$0xFFFFFF50]  }
0x208: {  	s28 =	sshra.s32 s22, $0x2;
	v41 =	vadd.f32 v41, v25;
	v26 =	vadd.f32 v42, v26;
	v42 =	vld [tilespmem:s29+$0xFFFFFF70]  }
0x209: {  	v25 =	vld [tilespmem:s28+$0x177F0]  }
0x20a: {  	v41 =	vadd.f32 v43, v41;
	v43 =	vadd.f32 v44, v26;
	v26 =	vld [tilespmem:s28+$0x14FF0]  }
0x20b: {  	v44 =	vld [tilespmem:s28+$0x177D0];
	(v2sf) =	vpush v33, $0x0  }
0x20c: {  	v39 =	vadd.f32 v39, v41;
	v40 =	vadd.f32 v40, v43;
	v33 =	vld [tilespmem:s28+$0x177E0]  }
0x20d: {  	v41 =	vld [tilespmem:s28+$0x17770]  }
0x20e: {  	v38 =	vadd.f32 v38, v39;
	v39 =	vadd.f32 v42, v40;
	v40 =	vld [tilespmem:s28+$0x17780]  }
0x20f: {  	v42 =	vld [tilespmem:s28+$0x17790]  }
0x210: {  	v36 =	vadd.f32 v36, v38;
	v37 =	vadd.f32 v37, v39;
	v38 =	vld [tilespmem:s28+$0x177A0]  }
0x211: {  	v39 =	vld [tilespmem:s28+$0x14F70]  }
0x212: {  	v34 =	vadd.f32 v34, v36;
	v35 =	vadd.f32 v35, v37;
	v36 =	vld [tilespmem:s28+$0x14F80]  }
0x213: {  	v37 =	vld [tilespmem:s28+$0x14F90]  }
0x214: {  	v31 =	vadd.f32 v31, v34;
	v32 =	vadd.f32 v32, v35;
	v34 =	vld [tilespmem:s28+$0x14FA0]  }
0x215: {  	v35 =	vld [tilespmem:s28+$0x12770]  }
0x216: {  	v31 =	vadd.f32 v29, v31;
	v30 =	vadd.f32 v30, v32;
	v32 =	vld [tilespmem:s28+$0x12780]  }
0x217: {  	v41 =	vadd.f32 v42, v41;
	v29 =	vadd.f32 v16, v15;
	v42 =	vld [tilespmem:s28+$0x177B0]  }
0x218: {  	v15 =	vadd.f32 v27, v31;
	v16 =	vadd.f32 v28, v30;
	v27 =	vld [tilespmem:s28+$0x12790]  }
0x219: {  	v28 =	vadd.f32 v37, v39;
	v30 =	vadd.f32 v38, v40;
	v31 =	vld [tilespmem:s28+$0x177C0]  }
0x21a: {  	v15 =	vadd.f32 v23, v15;
	v16 =	vadd.f32 v24, v16;
	v23 =	vld [tilespmem:s28+$0x127A0];
	s4 =	spop (v2sf)  }
0x21b: {  	s8 =	sand.u32 $0x3, s4;
	v24 =	vadd.f32 v32, v35;
	v32 =	vadd.f32 v34, v36;
	v34 =	vld [tilespmem:s28+$0x14FB0]  }
0x21c: {  	s24 =	sshra.s32 s9, $0x2;
	s4 =	sand.u32 $0x1, s4;
	v15 =	vadd.f32 v21, v15;
	s8 =	smul.u32 $0x190, s8;
	v16 =	vadd.f32 v22, v16;
	v21 =	vld [tilespmem:s28+$0x127B0]  }
0x21d: {  	s9 =	smov.u32 s20;
	p1 =	seq.s32 s4, $0x1;
	s17 =	sshll.u32 s4, $0x4;
	v22 =	vadd.f32 v27, v24;
	v24 =	vld [tilespmem:s28+$0x14FC0];
	v27 =	vadd.f32 v42, v41  }
0x21e: {  	s4 =	simm.s32 $0x1;
	p1 =	por !p1, !p1;
	v15 =	vadd.f32 v19, v15;
	s26 =	sadd.s32 $0x150, s8;
	v16 =	vadd.f32 v20, v16;
	v19 =	vld [tilespmem:s28+$0x127C0]  }
0x21f: {  	s7 =	sadd.s32 $0xC0, s8;
	s15 =	sadd.s32 $0x100, s8;
	s4 =	simm.s32 @!p1 $0x0;
	v20 =	vadd.f32 v23, v22;
	v22 =	vld [tilespmem:s28+$0x12800];
	v23 =	vadd.f32 v31, v30  }
0x220: {  	s18 =	sand.u32 $0x7E0, s8;
	s13 =	sadd.s32 $0x40, s8;
	s23 =	sadd.s32 $0x80, s8;
	v15 =	vadd.f32 v17, v15;
	v16 =	vadd.f32 v18, v16;
	v17 =	vld [tilespmem:s28+$0x127D0]  }
0x221: {  	s18 =	sor.u32 s17, s18;
	s13 =	sand.u32 $0xFE0, s13;
	s7 =	sand.u32 $0xFE0, s7;
	v18 =	vadd.f32 v21, v20;
	v20 =	vadd.f32 v34, v28;
	v21 =	vld [tilespmem:s28+$0x14FD0]  }
0x222: {  	s23 =	sand.u32 $0xFE0, s23;
	s18 =	sshrl.u32 s18, $0x2;
	s13 =	sor.u32 s17, s13;
	v13 =	vadd.f32 v13, v15;
	v14 =	vadd.f32 v14, v16;
	v15 =	vld [tilespmem:s28+$0x127E0]  }
0x223: {  	s23 =	sor.u32 s17, s23;
	s18 =	sadd.s32 s18, s6;
	s13 =	sshrl.u32 s13, $0x2;
	v16 =	vadd.f32 v19, v18;
	v18 =	vadd.f32 v24, v32;
	v19 =	vld [tilespmem:s28+$0x14FE0]  }
0x224: {  	s23 =	sshrl.u32 s23, $0x2;
	s18 =	sadd.s32 s24, s18;
	s13 =	sadd.s32 s13, s6;
	v11 =	vadd.f32 v11, v13;
	v12 =	vadd.f32 v12, v14;
	v13 =	vld [tilespmem:s28+$0x127F0]  }
0x225: {  	s7 =	sor.u32 s17, s7;
	s13 =	sadd.s32 s24, s13;
	v14 =	vld [tilespmem:s18+$0x0];
	s18 =	sadd.s32 s23, s6;
	v16 =	vadd.f32 v17, v16;
	v17 =	vadd.f32 v44, v27  }
0x226: {  	s15 =	sand.u32 $0xFE0, s15;
	s7 =	sshrl.u32 s7, $0x2;
	v9 =	vadd.f32 v9, v11;
	v24 =	vld [tilespmem:s13+$0x0];
	s13 =	sadd.s32 s24, s18;
	v10 =	vadd.f32 v10, v12  }
0x227: {  	s8 =	sadd.s32 $0x140, s8;
	s7 =	sadd.s32 s7, s6;
	v11 =	vld [tilespmem:s13+$0x0];
	s13 =	sor.u32 s17, s15;
	v12 =	vadd.f32 v15, v16;
	v15 =	vadd.f32 v33, v23  }
0x228: {  	s8 =	sand.u32 $0xFE0, s8;
	s7 =	sadd.s32 s24, s7;
	v7 =	vadd.f32 v7, v9;
	s13 =	sshrl.u32 s13, $0x2;
	v8 =	vadd.f32 v8, v10;
	v9 =	vld [tilespmem:s28+$0x15000]  }
0x229: {  	s8 =	sor.u32 s17, s8;
	v10 =	vld [tilespmem:s7+$0x0];
	s7 =	sadd.s32 s13, s6;
	s13 =	sand.u32 $0xFE0, s26;
	v12 =	vadd.f32 v13, v12;
	v13 =	vadd.f32 v21, v20  }
0x22a: {  	s4 =	sshll.u32 s4, $0x4;
	s8 =	sshrl.u32 s8, $0x2;
	v5 =	vadd.f32 v5, v7;
	s7 =	sadd.s32 s24, s7;
	v6 =	vadd.f32 v6, v8;
	v7 =	vld [tilespmem:s28+$0x17800]  }
0x22b: {  	s4 =	sor.u32 s4, s13;
	v3 =	vmul.f32 v3, v14;
	v14 =	vadd.f32 v19, v18;
	v8 =	vld [tilespmem:s7+$0x0];
	s7 =	sadd.s32 s8, s6;
	v4 =	vmul.f32 v4, v24  }
0x22c: {  	s4 =	sshrl.u32 s4, $0x2;
	v5 =	vmul.f32 v5, v24;
	v12 =	vadd.f32 v22, v12;
	s7 =	sadd.s32 s24, s7;
	v6 =	vmul.f32 v6, v11;
	v18 =	vld [tilespmem:s1+$0x10]  }
0x22d: {  	s16 =	sadd.s32 $0x10, s16;
	s4 =	sadd.s32 s4, s6;
	v1 =	vmul.f32 v1, v11;
	v11 =	vadd.f32 v26, v13;
	v19 =	vld [tilespmem:s7+$0x0];
	v9 =	vadd.f32 v9, v14  }
0x22e: {  	s4 =	sadd.s32 s24, s4;
	v3 =	vadd.f32 v5, v3;
	v4 =	vadd.f32 v6, v4;
	v5 =	vmul.f32 v12, v10;
	v6 =	vld [tilespmem:s16+$0x0]  }
0x22f: {  	s1 =	sadd.s32 $0x30, s1;
	v10 =	vmul.f32 v11, v10;
	v11 =	vadd.f32 v25, v17;
	v12 =	vld [tilespmem:s4+$0x0];
	v7 =	vadd.f32 v7, v15  }
0x230: {  	v3 =	vadd.f32 v1, v3;
	v15 =	vld [tilespmem:s1+$0xFFFFFFF0];
	v4 =	vadd.f32 v5, v4;
	v5 =	vmul.f32 v9, v8  }
0x231: {  	s11 =	sadd.s32 $0x10, s11;
	v8 =	vmul.f32 v11, v8;
	v16 =	vld [tilespmem:s1+$0x0];
	v9 =	vadd.f32 v18, v29  }
0x232: {  	s21 =	sadd.s32 $0x20, s21;
	v10 =	vadd.f32 v10, v3;
	v1 =	vld [tilespmem:s11+$0x0];
	v5 =	vadd.f32 v5, v4;
	v7 =	vmul.f32 v7, v19  }
0x233: {  	v3 =	vld [tilespmem:s21+$0xFFFFFFF0];
	v9 =	vmul.f32 v9, v19  }
0x234: {  	s29 =	sadd.s32 $0x280, s29;
	v8 =	vadd.f32 v8, v10;
	v4 =	vld [tilespmem:s21+$0x0];
	v7 =	vadd.f32 v7, v5;
	v10 =	vmul.f32 v6, v12  }
0x235: {  	v5 =	vld [tilespmem:s29+$0x120]  }
0x236: {  	v9 =	vadd.f32 v9, v8;
	v6 =	vld [tilespmem:s29+$0x130];
	v10 =	vadd.f32 v10, v7  }
0x237: {  	v7 =	vld [tilespmem:s29+$0x100]  }
0x238: {  	v8 =	vld [tilespmem:s29+$0x110];
	v11 =	vadd.f32 v10, v9  }
0x239: {  	v9 =	vld [tilespmem:s29+$0xE0]  }
0x23a: {  	v10 =	vld [tilespmem:s29+$0xF0];
	(xrf2) =	vadd.scan.msk.f32 $0xffff, v11  }
0x23b: {  	v11 =	vld [tilespmem:s29+$0xC0]  }
0x23c: {  	v12 =	vld [tilespmem:s29+$0xD0]  }
0x23d: {  	v13 =	vld [tilespmem:s29+$0xA0]  }
0x23e: {  	v14 =	vld [tilespmem:s29+$0xB0]  }
0x23f: {  	v17 =	vld [tilespmem:s29+$0x80]  }
0x240: {  	v18 =	vld [tilespmem:s29+$0x90]  }
0x241: {  	v19 =	vld [tilespmem:s29+$0x60]  }
0x242: {  	v20 =	vld [tilespmem:s29+$0x70]  }
0x243: {  	v21 =	vld [tilespmem:s29+$0x40]  }
0x244: {  	s5 =	sadd.s32 $0x1, s5;
	v22 =	vld [tilespmem:s29+$0x50];
	v24, _, _ =	vpop (xrf2)  }
0x245: {  	v25 =	vmov s5;
	v23 =	vld [tilespmem:s29+$0x20];
	v26 =	vbroadcast v24, $0xF  }
0x246: {  	vm0 =	veq.s32 v25, v0;
	v24 =	vld [tilespmem:s29+$0x30]  }
0x247: {  	v27 =	vld [tilespmem:s29+$0x0];
	v2 =	vsel vm0, v26, v2  }
0x248: {  	v28 =	vld [tilespmem:s29+$0x10]  }
0x249: {  	v29 =	vld [tilespmem:s29+$0xFFFFFFE0]  }
0x24a: {  	v30 =	vld [tilespmem:s29+$0xFFFFFFF0]  }
0x24b: {  	v31 =	vld [tilespmem:s29+$0xFFFFFFC0]  }
0x24c: {  	v32 =	vld [tilespmem:s29+$0xFFFFFFD0]  }
0x24d: {  	v34 =	vld [tilespmem:s29+$0xFFFFFFA0]  }
0x24e: {  	v35 =	vld [tilespmem:s29+$0xFFFFFFB0]  }
0x24f: {  	v36 =	vld [tilespmem:s29+$0xFFFFFF80]  }
0x250: {  	s10 =	sadd.s32 $0x1, s10;
	v37 =	vld [tilespmem:s29+$0xFFFFFF90]  }
0x251: {  	v33 =	vld [tilespmem:s10+$0x0]  }
.Ltmp5:
0x252: {  	v38 =	vld [tilespmem:s29+$0xFFFFFF60];
	(pc) =	sbr.rel @p0 .LBB2_14-.Ltmp5, $4  }
0x253: {  	v25 =	vld [tilespmem:s29+$0xFFFFFEC0]  }
0x254: {  	v26 =	vld [tilespmem:s29+$0xFFFFFED0]  }
0x255: {  	v39 =	vld [tilespmem:s29+$0xFFFFFEE0]  }
0x256: {  	s20 =	sadd.s32 $0x640, s20;
	v40 =	vld [tilespmem:s29+$0xFFFFFEF0]  }
0x257: {  	v41 =	vld [tilespmem:s29+$0xFFFFFF00]  }
0x258: {  	v42 =	vld [tilespmem:s29+$0xFFFFFF10]  }
0x259: {  	v43 =	vld [tilespmem:s29+$0xFFFFFF20]  }
0x25a: {  	v44 =	vld [tilespmem:s29+$0xFFFFFF30]  }
0x25b: {  	v59 =	vld [tilespmem:s29+$0xFFFFFF40];
	v25 =	vadd.f32 v39, v25;
	v26 =	vadd.f32 v40, v26  }
0x25c: {  	v60 =	vld [tilespmem:s29+$0xFFFFFF50];
	s4 =	sadd.s32 $0x280, s22  }
0x25d: {  	v61 =	vld [tilespmem:s29+$0xFFFFFF70];
	s10 =	sshra.s32 s4, $0x2;
	v41 =	vadd.f32 v41, v25;
	v26 =	vadd.f32 v42, v26  }
0x25e: {  	v46 =	vld [tilespmem:s10+$0x17770]  }
0x25f: {  	v48 =	vld [tilespmem:s10+$0x17780];
	v41 =	vadd.f32 v43, v41;
	v62 =	vadd.f32 v44, v26  }
0x260: {  	(v2sf) =	vpush v33, $0x0;
	v49 =	vld [tilespmem:s10+$0x17790]  }
0x261: {  	v51 =	vld [tilespmem:s10+$0x177A0];
	v63 =	vadd.f32 v59, v41;
	v45 =	vadd.f32 v60, v62  }
0x262: {  	v52 =	vld [tilespmem:s10+$0x14F70]  }
0x263: {  	v55 =	vld [tilespmem:s10+$0x14F90];
	v33 =	vadd.f32 v38, v63;
	v47 =	vadd.f32 v61, v45  }
0x264: {  	v57 =	vld [tilespmem:s10+$0x12770]  }
0x265: {  	v58 =	vld [tilespmem:s10+$0x12780];
	v33 =	vadd.f32 v36, v33;
	v50 =	vadd.f32 v37, v47  }
0x266: {  	v54 =	vld [tilespmem:s10+$0x14F80]  }
0x267: {  	v56 =	vld [tilespmem:s10+$0x14FA0];
	v33 =	vadd.f32 v34, v33;
	v53 =	vadd.f32 v35, v50  }
0x268: {  	v40 =	vld [tilespmem:s10+$0x177E0];
	v42 =	vadd.f32 v55, v52  }
0x269: {  	v25 =	vld [tilespmem:s10+$0x177F0];
	v31 =	vadd.f32 v31, v33;
	v32 =	vadd.f32 v32, v53  }
0x26a: {  	v43 =	vadd.f32 v51, v48;
	v48 =	vadd.f32 v58, v57;
	v52 =	vld [tilespmem:s10+$0x127B0]  }
0x26b: {  	v57 =	vld [tilespmem:s10+$0x127C0];
	v29 =	vadd.f32 v29, v31;
	v30 =	vadd.f32 v30, v32  }
0x26c: {  	v15 =	vadd.f32 v16, v15;
	v60 =	vld [tilespmem:s10+$0x177B0]  }
0x26d: {  	v63 =	vld [tilespmem:s10+$0x12790];
	v61 =	vadd.f32 v27, v29;
	v62 =	vadd.f32 v28, v30  }
0x26e: {  	v59 =	vadd.f32 v49, v46;
	v49 =	vadd.f32 v56, v54;
	v54 =	vld [tilespmem:s10+$0x14FC0]  }
0x26f: {  	v47 =	vld [tilespmem:s10+$0x127A0];
	s15 =	spop (v2sf);
	v16 =	vadd.f32 v23, v61;
	v46 =	vadd.f32 v24, v62  }
0x270: {  	v26 =	vld [tilespmem:s10+$0x14FF0];
	s7 =	sand.u32 $0x3, s15  }
0x271: {  	v45 =	vld [tilespmem:s10+$0x177C0];
	s4 =	sand.u32 $0x1, s15;
	s17 =	smul.u32 $0x190, s7;
	v16 =	vadd.f32 v21, v16;
	v51 =	vadd.f32 v22, v46  }
0x272: {  	s9 =	sshra.s32 s9, $0x2;
	s11 =	simm.s32 $0x1;
	v44 =	vld [tilespmem:s10+$0x177D0];
	v55 =	vadd.f32 v60, v59;
	p0 =	seq.s32 s4, $0x1;
	v53 =	vadd.f32 v63, v48  }
0x273: {  	v36 =	vld [tilespmem:s10+$0x14FE0];
	s4 =	sshll.u32 s4, $0x4;
	p0 =	por !p0, !p0;
	s8 =	sadd.s32 $0x150, s17;
	v16 =	vadd.f32 v19, v16;
	v56 =	vadd.f32 v20, v51  }
0x274: {  	v37 =	vld [tilespmem:s10+$0x127F0];
	v35 =	vadd.f32 v54, v49;
	s7 =	sadd.s32 $0xC0, s17;
	s13 =	sadd.s32 $0x100, s17;
	s11 =	simm.s32 @!p0 $0x0;
	v58 =	vadd.f32 v47, v53  }
0x275: {  	s15 =	sand.u32 $0x7E0, s17;
	s18 =	sadd.s32 $0x40, s17;
	s20 =	sadd.s32 $0x80, s17;
	v62 =	vld [tilespmem:s10+$0x127D0];
	v16 =	vadd.f32 v17, v16;
	v61 =	vadd.f32 v18, v56  }
0x276: {  	v50 =	vld [tilespmem:s10+$0x14FB0];
	v60 =	vadd.f32 v45, v43;
	s15 =	sor.u32 s4, s15;
	s18 =	sand.u32 $0xFE0, s18;
	s7 =	sand.u32 $0xFE0, s7;
	v63 =	vadd.f32 v52, v58  }
0x277: {  	v33 =	vld [tilespmem:s10+$0x127E0];
	s20 =	sand.u32 $0xFE0, s20;
	s15 =	sshrl.u32 s15, $0x2;
	s18 =	sor.u32 s4, s18;
	v13 =	vadd.f32 v13, v16;
	v14 =	vadd.f32 v14, v61  }
0x278: {  	v59 =	vld [tilespmem:s10+$0x12800];
	v39 =	vadd.f32 v44, v55;
	s20 =	sor.u32 s4, s20;
	s15 =	sadd.s32 s15, s6;
	s18 =	sshrl.u32 s18, $0x2;
	v34 =	vadd.f32 v57, v63  }
0x279: {  	v32 =	vld [tilespmem:s10+$0x14FD0];
	s20 =	sshrl.u32 s20, $0x2;
	s15 =	sadd.s32 s9, s15;
	s18 =	sadd.s32 s18, s6;
	v11 =	vadd.f32 v11, v13;
	v12 =	vadd.f32 v12, v14  }
0x27a: {  	v44 =	vadd.f32 v40, v60;
	s7 =	sor.u32 s4, s7;
	s20 =	sadd.s32 s20, s6;
	v38 =	vld [tilespmem:s15+$0x0];
	s18 =	sadd.s32 s9, s18;
	v17 =	vadd.f32 v62, v34  }
0x27b: {  	s13 =	sand.u32 $0xFE0, s13;
	s7 =	sshrl.u32 s7, $0x2;
	s21 =	sadd.s32 s9, s20;
	v41 =	vld [tilespmem:s18+$0x0];
	v9 =	vadd.f32 v9, v11;
	v10 =	vadd.f32 v10, v12  }
0x27c: {  	s22 =	sadd.s32 $0x140, s17;
	s13 =	sor.u32 s4, s13;
	v30 =	vadd.f32 v50, v42;
	s7 =	sadd.s32 s7, s6;
	v42 =	vld [tilespmem:s21+$0x0];
	v43 =	vadd.f32 v33, v17  }
0x27d: {  	v45 =	vld [tilespmem:s10+$0x15000];
	s13 =	sshrl.u32 s13, $0x2;
	s7 =	sadd.s32 s9, s7;
	s15 =	sand.u32 $0xFE0, s22;
	v7 =	vadd.f32 v7, v9;
	v8 =	vadd.f32 v8, v10  }
0x27e: {  	s8 =	sand.u32 $0xFE0, s8;
	v50 =	vadd.f32 v36, v35;
	s23 =	sadd.s32 s13, s6;
	s4 =	sor.u32 s4, s15;
	v46 =	vld [tilespmem:s7+$0x0];
	v12 =	vadd.f32 v37, v43  }
0x27f: {  	v48 =	vld [tilespmem:s10+$0x17800];
	s11 =	sshll.u32 s11, $0x4;
	s7 =	sadd.s32 s9, s23;
	s4 =	sshrl.u32 s4, $0x2;
	v5 =	vadd.f32 v5, v7;
	v6 =	vadd.f32 v6, v8  }
0x280: {  	s24 =	sor.u32 s11, s8;
	v47 =	vadd.f32 v32, v30;
	v49 =	vld [tilespmem:s7+$0x0];
	s4 =	sadd.s32 s4, s6;
	v3 =	vmul.f32 v3, v38;
	v4 =	vmul.f32 v4, v41  }
0x281: {  	s7 =	sshrl.u32 s24, $0x2;
	s4 =	sadd.s32 s9, s4;
	v51 =	vld [tilespmem:s1+$0x10];
	v12 =	vadd.f32 v59, v12;
	v5 =	vmul.f32 v5, v41;
	v6 =	vmul.f32 v6, v42  }
0x282: {  	s28 =	sadd.s32 $0x10, s16;
	v53 =	vadd.f32 v26, v47;
	s26 =	sadd.s32 s7, s6;
	v52 =	vld [tilespmem:s4+$0x0];
	v1 =	vmul.f32 v1, v42;
	v9 =	vadd.f32 v45, v50  }
0x283: {  	v55 =	vld [tilespmem:s28+$0x0];
	s1 =	sadd.s32 s9, s26;
	v54 =	vmul.f32 v12, v46;
	v3 =	vadd.f32 v5, v3;
	v4 =	vadd.f32 v6, v4  }
0x284: {  	v57 =	vadd.f32 v25, v39;
	v56 =	vld [tilespmem:s1+$0x0];
	v10 =	vmul.f32 v53, v46;
	v7 =	vadd.f32 v48, v44  }
0x285: {  	v58 =	vmul.f32 v9, v49;
	v1 =	vadd.f32 v1, v3;
	v3 =	vadd.f32 v54, v4  }
0x286: {  	v60 =	vadd.f32 v51, v15;
	v59 =	vmul.f32 v57, v49  }
0x287: {  	v61 =	vmul.f32 v7, v52;
	v1 =	vadd.f32 v10, v1;
	v3 =	vadd.f32 v58, v3  }
0x288: {  	v62 =	vmul.f32 v60, v52  }
0x289: {  	v63 =	vmul.f32 v55, v56;
	v1 =	vadd.f32 v59, v1;
	v3 =	vadd.f32 v61, v3;
	_ =	sdelay $0x1  }
0x28a: {  	v1 =	vadd.f32 v62, v1;
	v3 =	vadd.f32 v63, v3;
	_ =	sdelay $0x1  }
0x28b: {  	v1 =	vadd.f32 v3, v1;
	_ =	sdelay $0x1  }
0x28c: {  	(xrf2) =	vadd.scan.msk.f32 $0xffff, v1;
	_ =	sdelay $0x7  }
0x28d: {  	s31 =	sadd.s32 $0x1, s31  }
0x28e: {  	p0 =	sne.s32 s31, $0x4  }
.Ltmp6:
0x28f: {  	s29 =	sadd.s32 $0x1, s5;
	v1, _, _ =	vpop (xrf2);
	(pc) =	sbr.rel @p0 .LBB2_13-.Ltmp6, $4  }
0x290: {  	v3 =	vmov s29;
	v1 =	vbroadcast v1, $0xF  }
0x291: {  	s0 =	sadd.s32 $0x200, s0;
	s12 =	sadd.s32 $0x300, s12;
	vm0 =	veq.s32 v3, v0  }
0x292: {  	s30 =	sadd.s32 $0x10, s30;
	s14 =	sadd.s32 $0x2800, s14;
	s19 =	sadd.s32 $0x2800, s19;
	v1 =	vsel vm0, v1, v2  }
0x293: {  	s25 =	sadd.s32 $0x100, s25;
	s2 =	sadd.s32 $0x100, s2;
	s6 =	sadd.s32 $0x1900, s6;
	[tilespmem:s3+$0x1AF70] =	vst v1  }
0x294: {  	s0 =	rddreg [dreg:$0x5]  }
0x295: {  	s1 =	rddreg [dreg:$0x19]  }
0x296: {  	s30 =	simm.s32 $0x0;
	s2 =	simm.s32 $0x1AF70;
	s0 =	sadd.s32 s0, s1  }
0x297: {  	[hbm4b:s0+s30] =	stream.linear.scatter [tilespmem:s2], [sflag:$0x2], $0x40, $0x38;
	[tilespmem:$0x1AFB0] =	vst v63  }
0x298: {  	s2 =	simm.s32 $0x2  }
0x299: {  	_ =	swait.ge [sflag:s2], $0x40  }
0x29a: {  	s31 =	rddreg [dreg:$0x18]  }
0x29b: {  	s0 =	sadd.s32 $0x1, s31  }
0x29c: {  	p0 =	sne.s32 s0, $0x8  }
.Ltmp7:
0x29d: {  	_ = 	snop;
	(pc) =	sbr.rel @p0 .LBB2_2-.Ltmp7, $3  }
0x29e: {  	_ =	sdelay $0x1  }
0x29f: {  	s5 =	simm.s32 $0x40;
	[sflag:s2] =	ssyncset.done $0x0  }
0x2a0: {  	s6 =	simm.s32 $0x120;
	s7 =	simm.s32 $0x160;
	[sflag:s2] =	ssyncadd.s32 $0xFFFFFFC0  }
0x2a1: {  	s1 =	rddreg [dreg:$0x17]  }
0x2a2: {  	s0 =	rddreg [dreg:$0x16];
	s1 =	sadd.s32 $0x1, s1  }
0x2a3: {  	p0 =	sne.s32 s1, s0  }
.Ltmp8:
0x2a4: {  	_ = 	snop;
	(pc) =	sbr.rel @p0 .LBB2_1-.Ltmp8, $1  }
0x2a5: {  	_ =	sdelay $0x3  }
0x2a6: {  	_ =	sfence.sel $0x180000  }
0x2a7: {  	[bflag:$0x0] =	sbarrier.arrive $0xFFFF  }
0x2a8: {  	_ =	strace $0x90000047  }
0x2a9: {  	s0 =	stileid.u32;
	[bflag:$0x2] =	sbarrier.arrive $0xFFFF  }
0x2aa: {  	p0 =	sne.s32 s0, $0x0;
	s0 =	rddreg [dreg:$0x6]  }
0x2ab: {  	s0 =	sadd.s32 @!p0 $0x100000, s0  }
0x2ac: {  	[sflag:s0] =	ssyncadd.tile.s32 @!p0 $0x1;
	_ =	shalt  }
.Lfunc_end2:
_tile_overlayer_lowered:
.L_overlay_start_2:
0x2ad: {  	(tag) =	ssettag $0x2  }
0x2ae: {  	s0 =	rddreg [dreg:$0x0];
	s2 =	stileid.u32  }
0x2af: {  	s1 =	rddreg [dreg:$0x1];
	p0 =	sne.s32 s2, $0x0  }
0x2b0: {  	s3 =	rddreg [dreg:$0x2];
	[bflag:$0x3] =	sbarrier.arrive $0xFFFF;
	s2 =	simm.s32 @!p0 $0x1C02  }
0x2b1: {  	[timem:s3], [sflag:s2] =	dma.local @!p0 [hbm:s0], s1  }
0x2b2: {  	s0 =	simm.s32 @!p0 $0x2  }
0x2b3: {  	_ =	swait.ge @!p0 [sflag:s0], s1  }
0x2b4: {  	s1 =	ssub.s32 @!p0 $0x0, s1;
	[sflag:s0] =	ssyncset.done @!p0 $0x0  }
0x2b5: {  	[sflag:s0] =	ssyncadd.s32 @!p0 s1  }
0x2b6: {  	[bflag:$0x3] =	sbarrier.arrive $0xFFFF  }
0x2b7: {  	_ =	shalt  }

</sc_bundles>
